<compile_context>
chip_gen: v7x
topology: tpu7x:2x2x1
jax: 0.10.2.dev20260603
libtpu: 0.0.44.dev20260713+nightly
codegen_flags: <defaults>
</compile_context>

<pallas_src>
import functools

import jax
import jax.numpy as jnp
from jax import lax
from jax.experimental import pallas as pl
from jax.experimental.pallas import tpu as pltpu
from jax.experimental.pallas import tpu_sc as plsc

_FEAT = 512
_NBUCKET = 100
_BATCH = 16384
_START_SMOOTH = 1

_NC, _NS, _L = 2, 16, 16
_NW = _NC * _NS
_RPW = _BATCH // _NW
_CH = 8
_CW = _CH * _FEAT
_NCHUNK = _RPW // _CH
_NBUF = 2
_TABW = _NBUCKET * _FEAT


def _tables_body(ep_ref, rv_ref, sv_ref, rm_ref, sm_ref, so_ref):
    live = ep_ref[0, 0] >= _START_SMOOTH
    s = jnp.sqrt(jnp.clip(sv_ref[...] / rv_ref[...], 0.1, 10.0))
    s = jnp.where(live, s, 1.0)
    o = jnp.where(live, sm_ref[...] - rm_ref[...] * s, 0.0)
    so_ref[0, ...] = s
    so_ref[1, ...] = o


def _make_tables(ep, rv, sv, rm, sm):
    return pl.pallas_call(
        _tables_body,
        in_specs=[
            pl.BlockSpec(memory_space=pltpu.SMEM),
            pl.BlockSpec(memory_space=pltpu.VMEM),
            pl.BlockSpec(memory_space=pltpu.VMEM),
            pl.BlockSpec(memory_space=pltpu.VMEM),
            pl.BlockSpec(memory_space=pltpu.VMEM),
        ],
        out_shape=jax.ShapeDtypeStruct((2, _NBUCKET, _FEAT), jnp.float32),
    )(ep, rv, sv, rm, sm)


@functools.partial(
    pl.kernel,
    out_type=jax.ShapeDtypeStruct((_BATCH * _FEAT,), jnp.float32),
    mesh=plsc.VectorSubcoreMesh(core_axis_name="c", subcore_axis_name="s"),
    compiler_params=pltpu.CompilerParams(needs_layout_passes=False),
    scratch_types=[
        pltpu.VMEM((_RPW * _L,), jnp.int32),
        pltpu.VMEM((_TABW,), jnp.float32),
        pltpu.VMEM((_TABW,), jnp.float32),
        pltpu.VMEM((_NBUF * _CW,), jnp.float32),
        pltpu.VMEM((_NBUF * _CW,), jnp.float32),
        pltpu.SemaphoreType.DMA,
        pltpu.SemaphoreType.DMA,
        pltpu.SemaphoreType.DMA,
        pltpu.SemaphoreType.DMA,
        pltpu.SemaphoreType.DMA,
        pltpu.SemaphoreType.DMA,
    ],
)
def _sc_apply(feat_hbm, lab16_hbm, so_hbm, out_hbm,
              idx_v, tabs_v, tabo_v, f_v, r_v,
              sts, sto, si0, si1, so0, so1):
    sin = (si0, si1)
    sout = (so0, so1)
    wid = lax.axis_index("s") * _NC + lax.axis_index("c")
    base = wid * _RPW
    pltpu.async_copy(so_hbm.at[pl.ds(0, _TABW)], tabs_v, sts)
    pltpu.async_copy(so_hbm.at[pl.ds(_TABW, _TABW)], tabo_v, sto)
    pltpu.sync_copy(lab16_hbm.at[pl.ds(base * _L, _RPW * _L)], idx_v)

    def issue_in(ci, b):
        pltpu.async_copy(
            feat_hbm.at[pl.ds((base + ci * _CH) * _FEAT, _CW)],
            f_v.at[pl.ds(b * _CW, _CW)], sin[b])

    def wait_in(b):
        pltpu.make_async_copy(
            feat_hbm.at[pl.ds(0, _CW)],
            f_v.at[pl.ds(b * _CW, _CW)], sin[b]).wait()

    def issue_out(ci, b):
        pltpu.async_copy(
            r_v.at[pl.ds(b * _CW, _CW)],
            out_hbm.at[pl.ds((base + ci * _CH) * _FEAT, _CW)], sout[b])

    def wait_out(b):
        pltpu.make_async_copy(
            r_v.at[pl.ds(b * _CW, _CW)],
            out_hbm.at[pl.ds(0, _CW)], sout[b]).wait()

    for b in range(_NBUF):
        issue_in(b, b)
    pltpu.make_async_copy(so_hbm.at[pl.ds(0, _TABW)], tabs_v, sts).wait()
    pltpu.make_async_copy(so_hbm.at[pl.ds(0, _TABW)], tabo_v, sto).wait()

    iot = lax.iota(jnp.int32, 16)

    def outer(ci2, carry):
        for b in range(_NBUF):
            ci = ci2 * _NBUF + b
            wait_in(b)

            @pl.when(ci2 > 0)
            def _():
                wait_out(b)

            @plsc.parallel_loop(0, _CH)
            def _(r, ci=ci, b=b):
                lbv = idx_v[pl.ds((ci * _CH + r) * _L, _L)]
                sbase = lbv * jnp.int32(_FEAT) + iot
                rbase = b * _CW + r * _FEAT
                for j in range(_FEAT // _L):
                    sl = pl.ds(rbase + j * _L, _L)
                    sidx = sbase + jnp.int32(j * _L)
                    sc = plsc.load_gather(tabs_v, [sidx])
                    of = plsc.load_gather(tabo_v, [sidx])
                    r_v[sl] = f_v[sl] * sc + of

            issue_out(ci, b)

            @pl.when(ci + _NBUF < _NCHUNK)
            def _():
                issue_in(ci + _NBUF, b)
        return carry

    lax.fori_loop(0, _NCHUNK // _NBUF, outer, 0)
    for b in range(_NBUF):
        wait_out(b)


def kernel(features, labels, epoch,
           running_mean_last_epoch, running_var_last_epoch,
           smoothed_mean_last_epoch, smoothed_var_last_epoch):
    lab = jnp.clip(labels.reshape(-1).astype(jnp.int32), 0, _NBUCKET - 1)
    lab16 = jnp.repeat(lab, _L)
    ep = jnp.asarray(epoch, jnp.int32).reshape(1, 1)
    so = _make_tables(
        ep, running_var_last_epoch, smoothed_var_last_epoch,
        running_mean_last_epoch, smoothed_mean_last_epoch)
    out = _sc_apply(features.reshape(-1), lab16, so.reshape(-1))
    return out.reshape(_BATCH, _FEAT)

# --- scband reference (transcript-rebuilt; emitter-appended) ---
"""Pipeline reference for scband-fds-31628139167988 (READ-ONLY COPY).

The authoritative reference and input builder live on the scoring server;
editing this copy changes nothing except your own understanding.
"""

import jax, jax.numpy as jnp
import numpy as np

FEATURE_DIM = 512
BUCKET_NUM = 100
BUCKET_START = 0
START_SMOOTH = 1
BATCH = 16384
N_BUCKETS = BUCKET_NUM - BUCKET_START


def setup_inputs(seed: int = 0) -> dict:
    key = jax.random.key(seed)
    k1, k2, k3, k4, k5, k6 = jax.random.split(key, 6)
    features = jax.random.normal(k1, (BATCH, FEATURE_DIM), dtype=jnp.float32)
    labels = jax.random.randint(k2, (BATCH, 1), 0, BUCKET_NUM, dtype=jnp.int64 if jax.config.read('jax_enable_x64') else jnp.int32).astype(jnp.int32)
    # Buffers (running / smoothed statistics) as they'd be after an epoch of updates;
    # variances kept strictly positive.
    running_mean_last_epoch = 0.1 * jax.random.normal(k3, (N_BUCKETS, FEATURE_DIM), dtype=jnp.float32)
    running_var_last_epoch = 0.5 + jax.random.uniform(k4, (N_BUCKETS, FEATURE_DIM), dtype=jnp.float32)
    smoothed_mean_last_epoch = 0.1 * jax.random.normal(k5, (N_BUCKETS, FEATURE_DIM), dtype=jnp.float32)
    smoothed_var_last_epoch = 0.5 + jax.random.uniform(k6, (N_BUCKETS, FEATURE_DIM), dtype=jnp.float32)
    return {
        'features': features,
        'labels': labels,
        'epoch': 1,
        'running_mean_last_epoch': running_mean_last_epoch,
        'running_var_last_epoch': running_var_last_epoch,
        'smoothed_mean_last_epoch': smoothed_mean_last_epoch,
        'smoothed_var_last_epoch': smoothed_var_last_epoch,
    }


def _calibrate(features, m1, v1, m2, v2, clip_min=0.1, clip_max=10.0):
    # calibrate_mean_var: (x - m1) * sqrt(clip(v2/v1)) + m2, per-row gathered bucket stats
    factor = jnp.clip(v2 / v1, clip_min, clip_max)
    return (features - m1) * jnp.sqrt(factor) + m2


def reference(features, labels, epoch,
              running_mean_last_epoch, running_var_last_epoch,
              smoothed_mean_last_epoch, smoothed_var_last_epoch) -> jnp.ndarray:
    lab = labels.reshape(-1)
    in_range = (lab >= BUCKET_START) & (lab <= BUCKET_NUM - 1)
    idx = jnp.clip(lab, BUCKET_START, BUCKET_NUM - 1) - BUCKET_START
    # gather per-sample bucket statistics (embedding-style lookup)
    m1 = jnp.take(running_mean_last_epoch, idx, axis=0)
    v1 = jnp.take(running_var_last_epoch, idx, axis=0)
    m2 = jnp.take(smoothed_mean_last_epoch, idx, axis=0)
    v2 = jnp.take(smoothed_var_last_epoch, idx, axis=0)
    calibrated = _calibrate(features, m1, v1, m2, v2)
    smoothed = jnp.where(in_range[:, None], calibrated, features)
    return jnp.where(epoch < START_SMOOTH, features, smoothed)

if __name__ == "__main__":
    import jax
    _d = setup_inputs()
    print(jax.jit(kernel)(*tuple(_d.values())))

</pallas_src>

<mosaic_0001>
#map = affine_map<(d0, d1) -> (0)>
module attributes {stable_mosaic.version = 14 : i64} {
  func.func @_sc_apply(%arg0: i32, %arg1: i32, %arg2: memref<8388608xf32, #tpu.memory_space<hbm>>, %arg3: memref<262144xi32, #tpu.memory_space<hbm>>, %arg4: memref<102400xf32, #tpu.memory_space<hbm>>, %arg5: memref<8388608xf32, #tpu.memory_space<hbm>>, %arg6: memref<8192xi32, #tpu.memory_space<vmem>>, %arg7: memref<51200xf32, #tpu.memory_space<vmem>>, %arg8: memref<51200xf32, #tpu.memory_space<vmem>>, %arg9: memref<8192xf32, #tpu.memory_space<vmem>>, %arg10: memref<8192xf32, #tpu.memory_space<vmem>>, %arg11: memref<!tpu.dma_semaphore, #tpu.memory_space<semaphore_mem>>, %arg12: memref<!tpu.dma_semaphore, #tpu.memory_space<semaphore_mem>>, %arg13: memref<!tpu.dma_semaphore, #tpu.memory_space<semaphore_mem>>, %arg14: memref<!tpu.dma_semaphore, #tpu.memory_space<semaphore_mem>>, %arg15: memref<!tpu.dma_semaphore, #tpu.memory_space<semaphore_mem>>, %arg16: memref<!tpu.dma_semaphore, #tpu.memory_space<semaphore_mem>>) attributes {dimension_semantics = [#tpu.dimension_semantics<core_parallel>, #tpu.dimension_semantics<subcore_parallel>], iteration_bounds = array<i64: 2, 16>, scalar_prefetch = 0 : i64, scratch_operands = 11 : i64, tpu.core_type = #tpu.core_type<sc_vector_subcore>, window_params = [{transform_indices = #map}, {transform_indices = #map}, {transform_indices = #map}, {transform_indices = #map}]} {
    %mul3A = arith.constant 2 : i32
    %mul3A_0 = arith.muli %arg1, %mul3A : i32
    %add3A = arith.addi %mul3A_0, %arg0 : i32
    %mul3A_1 = arith.constant 512 : i32
    %mul3A_2 = arith.muli %add3A, %mul3A_1 : i32
    %dma_start3A = arith.constant 0 : i32
    %dma_start3A_3 = tpu.memref_slice %arg4[%dma_start3A] : memref<102400xf32, #tpu.memory_space<hbm>> -> memref<51200xf32, #tpu.memory_space<hbm>>
    %dma_start3A_4 = arith.constant 0 : i32
    %dma_start3A_5 = tpu.memref_slice %arg4[%dma_start3A_4] : memref<102400xf32, #tpu.memory_space<hbm>> -> memref<51200xf32, #tpu.memory_space<hbm>>
    tpu.enqueue_dma source(%dma_start3A_5 : memref<51200xf32, #tpu.memory_space<hbm>>) target(%arg7 : memref<51200xf32, #tpu.memory_space<vmem>>) target_semaphore(%arg11 : memref<!tpu.dma_semaphore, #tpu.memory_space<semaphore_mem>>)
    %dma_start3A_6 = arith.constant 51200 : i32
    %dma_start3A_7 = tpu.memref_slice %arg4[%dma_start3A_6] : memref<102400xf32, #tpu.memory_space<hbm>> -> memref<51200xf32, #tpu.memory_space<hbm>>
    %dma_start3A_8 = arith.constant 51200 : i32
    %dma_start3A_9 = tpu.memref_slice %arg4[%dma_start3A_8] : memref<102400xf32, #tpu.memory_space<hbm>> -> memref<51200xf32, #tpu.memory_space<hbm>>
    tpu.enqueue_dma source(%dma_start3A_9 : memref<51200xf32, #tpu.memory_space<hbm>>) target(%arg8 : memref<51200xf32, #tpu.memory_space<vmem>>) target_semaphore(%arg12 : memref<!tpu.dma_semaphore, #tpu.memory_space<semaphore_mem>>)
    %mul3A_10 = arith.constant 16 : i32
    %mul3A_11 = arith.muli %mul3A_2, %mul3A_10 : i32
    "tpu.region"() ({
      %run_scoped3A = tpu.sem_alloc : memref<!tpu.dma_semaphore, #tpu.memory_space<semaphore_mem>>
      %dma_start3A_60 = tpu.memref_slice %arg3[%mul3A_11] : memref<262144xi32, #tpu.memory_space<hbm>> -> memref<8192xi32, #tpu.memory_space<hbm>>
      %dma_start3A_61 = tpu.memref_slice %arg3[%mul3A_11] : memref<262144xi32, #tpu.memory_space<hbm>> -> memref<8192xi32, #tpu.memory_space<hbm>>
      tpu.enqueue_dma source(%dma_start3A_61 : memref<8192xi32, #tpu.memory_space<hbm>>) target(%arg6 : memref<8192xi32, #tpu.memory_space<vmem>>) target_semaphore(%run_scoped3A : memref<!tpu.dma_semaphore, #tpu.memory_space<semaphore_mem>>)
      %dma_wait3A_62 = tpu.memref_slice %arg3[%mul3A_11] : memref<262144xi32, #tpu.memory_space<hbm>> -> memref<8192xi32, #tpu.memory_space<hbm>>
      %dma_wait3A_63 = tpu.memref_slice %arg3[%mul3A_11] : memref<262144xi32, #tpu.memory_space<hbm>> -> memref<8192xi32, #tpu.memory_space<hbm>>
      tpu.wait_dma2 semaphore(%run_scoped3A : memref<!tpu.dma_semaphore, #tpu.memory_space<semaphore_mem>>) src(%dma_wait3A_63 : memref<8192xi32, #tpu.memory_space<hbm>>) dst(%arg6 : memref<8192xi32, #tpu.memory_space<vmem>>)
      tpu.yield
    }) : () -> ()
    %add3A_12 = arith.constant 0 : i32
    %add3A_13 = arith.addi %mul3A_2, %add3A_12 : i32
    %mul3A_14 = arith.constant 512 : i32
    %mul3A_15 = arith.muli %add3A_13, %mul3A_14 : i32
    %dma_start3A_16 = arith.constant 0 : i32
    %dma_start3A_17 = tpu.memref_slice %arg9[%dma_start3A_16] : memref<8192xf32, #tpu.memory_space<vmem>> -> memref<4096xf32, #tpu.memory_space<vmem>>
    %dma_start3A_18 = tpu.memref_slice %arg2[%mul3A_15] : memref<8388608xf32, #tpu.memory_space<hbm>> -> memref<4096xf32, #tpu.memory_space<hbm>>
    %dma_start3A_19 = arith.constant 0 : i32
    %dma_start3A_20 = tpu.memref_slice %arg9[%dma_start3A_19] : memref<8192xf32, #tpu.memory_space<vmem>> -> memref<4096xf32, #tpu.memory_space<vmem>>
    %dma_start3A_21 = tpu.memref_slice %arg2[%mul3A_15] : memref<8388608xf32, #tpu.memory_space<hbm>> -> memref<4096xf32, #tpu.memory_space<hbm>>
    tpu.enqueue_dma source(%dma_start3A_21 : memref<4096xf32, #tpu.memory_space<hbm>>) target(%dma_start3A_20 : memref<4096xf32, #tpu.memory_space<vmem>>) target_semaphore(%arg13 : memref<!tpu.dma_semaphore, #tpu.memory_space<semaphore_mem>>)
    %add3A_22 = arith.constant 8 : i32
    %add3A_23 = arith.addi %mul3A_2, %add3A_22 : i32
    %mul3A_24 = arith.constant 512 : i32
    %mul3A_25 = arith.muli %add3A_23, %mul3A_24 : i32
    %dma_start3A_26 = arith.constant 4096 : i32
    %dma_start3A_27 = tpu.memref_slice %arg9[%dma_start3A_26] : memref<8192xf32, #tpu.memory_space<vmem>> -> memref<4096xf32, #tpu.memory_space<vmem>>
    %dma_start3A_28 = tpu.memref_slice %arg2[%mul3A_25] : memref<8388608xf32, #tpu.memory_space<hbm>> -> memref<4096xf32, #tpu.memory_space<hbm>>
    %dma_start3A_29 = arith.constant 4096 : i32
    %dma_start3A_30 = tpu.memref_slice %arg9[%dma_start3A_29] : memref<8192xf32, #tpu.memory_space<vmem>> -> memref<4096xf32, #tpu.memory_space<vmem>>
    %dma_start3A_31 = tpu.memref_slice %arg2[%mul3A_25] : memref<8388608xf32, #tpu.memory_space<hbm>> -> memref<4096xf32, #tpu.memory_space<hbm>>
    tpu.enqueue_dma source(%dma_start3A_31 : memref<4096xf32, #tpu.memory_space<hbm>>) target(%dma_start3A_30 : memref<4096xf32, #tpu.memory_space<vmem>>) target_semaphore(%arg14 : memref<!tpu.dma_semaphore, #tpu.memory_space<semaphore_mem>>)
    %dma_wait3A = arith.constant 0 : i32
    %dma_wait3A_32 = tpu.memref_slice %arg4[%dma_wait3A] : memref<102400xf32, #tpu.memory_space<hbm>> -> memref<51200xf32, #tpu.memory_space<hbm>>
    %dma_wait3A_33 = arith.constant 0 : i32
    %dma_wait3A_34 = tpu.memref_slice %arg4[%dma_wait3A_33] : memref<102400xf32, #tpu.memory_space<hbm>> -> memref<51200xf32, #tpu.memory_space<hbm>>
    tpu.wait_dma2 semaphore(%arg11 : memref<!tpu.dma_semaphore, #tpu.memory_space<semaphore_mem>>) src(%dma_wait3A_34 : memref<51200xf32, #tpu.memory_space<hbm>>) dst(%arg7 : memref<51200xf32, #tpu.memory_space<vmem>>)
    %dma_wait3A_35 = arith.constant 0 : i32
    %dma_wait3A_36 = tpu.memref_slice %arg4[%dma_wait3A_35] : memref<102400xf32, #tpu.memory_space<hbm>> -> memref<51200xf32, #tpu.memory_space<hbm>>
    %dma_wait3A_37 = arith.constant 0 : i32
    %dma_wait3A_38 = tpu.memref_slice %arg4[%dma_wait3A_37] : memref<102400xf32, #tpu.memory_space<hbm>> -> memref<51200xf32, #tpu.memory_space<hbm>>
    tpu.wait_dma2 semaphore(%arg12 : memref<!tpu.dma_semaphore, #tpu.memory_space<semaphore_mem>>) src(%dma_wait3A_38 : memref<51200xf32, #tpu.memory_space<hbm>>) dst(%arg8 : memref<51200xf32, #tpu.memory_space<vmem>>)
    %iota3A = tpu.iota {dimensions = array<i32: 0>} : vector<16xi32>
    %scan3A = arith.constant 0 : i32
    %scan3A_39 = arith.constant 0 : i32
    %scan3A_40 = arith.constant 32 : i32
    %scan3A_41 = arith.addi %scan3A_39, %scan3A_40 : i32
    %scan3A_42 = arith.constant 1 : i32
    scf.for %scan3A_60 = %scan3A_39 to %scan3A_41 step %scan3A_42  : i32 {
      %mul3A_61 = arith.constant 2 : i32
      %mul3A_62 = arith.muli %scan3A_60, %mul3A_61 : i32
      %add3A_63 = arith.constant 0 : i32
      %add3A_64 = arith.addi %mul3A_62, %add3A_63 : i32
      %dma_wait3A_65 = arith.constant 0 : i32
      %dma_wait3A_66 = tpu.memref_slice %arg9[%dma_wait3A_65] : memref<8192xf32, #tpu.memory_space<vmem>> -> memref<4096xf32, #tpu.memory_space<vmem>>
      %dma_wait3A_67 = arith.constant 0 : i32
      %dma_wait3A_68 = tpu.memref_slice %arg2[%dma_wait3A_67] : memref<8388608xf32, #tpu.memory_space<hbm>> -> memref<4096xf32, #tpu.memory_space<hbm>>
      %dma_wait3A_69 = arith.constant 0 : i32
      %dma_wait3A_70 = tpu.memref_slice %arg9[%dma_wait3A_69] : memref<8192xf32, #tpu.memory_space<vmem>> -> memref<4096xf32, #tpu.memory_space<vmem>>
      %dma_wait3A_71 = arith.constant 0 : i32
      %dma_wait3A_72 = tpu.memref_slice %arg2[%dma_wait3A_71] : memref<8388608xf32, #tpu.memory_space<hbm>> -> memref<4096xf32, #tpu.memory_space<hbm>>
      tpu.wait_dma2 semaphore(%arg13 : memref<!tpu.dma_semaphore, #tpu.memory_space<semaphore_mem>>) src(%dma_wait3A_72 : memref<4096xf32, #tpu.memory_space<hbm>>) dst(%dma_wait3A_70 : memref<4096xf32, #tpu.memory_space<vmem>>)
      %gt3A = arith.constant 0 : i32
      %gt3A_73 = arith.cmpi sgt, %scan3A_60, %gt3A : i32
      %convert_element_type3A = arith.extui %gt3A_73 : i1 to i32
      %cond3A = arith.constant 0 : i32
      %cond3A_74 = arith.cmpi ne, %convert_element_type3A, %cond3A : i32
      scf.if %cond3A_74 {
        %dma_wait3A_132 = arith.constant 0 : i32
        %dma_wait3A_133 = tpu.memref_slice %arg10[%dma_wait3A_132] : memref<8192xf32, #tpu.memory_space<vmem>> -> memref<4096xf32, #tpu.memory_space<vmem>>
        %dma_wait3A_134 = arith.constant 0 : i32
        %dma_wait3A_135 = tpu.memref_slice %arg5[%dma_wait3A_134] : memref<8388608xf32, #tpu.memory_space<hbm>> -> memref<4096xf32, #tpu.memory_space<hbm>>
        %dma_wait3A_136 = arith.constant 0 : i32
        %dma_wait3A_137 = tpu.memref_slice %arg5[%dma_wait3A_136] : memref<8388608xf32, #tpu.memory_space<hbm>> -> memref<4096xf32, #tpu.memory_space<hbm>>
        %dma_wait3A_138 = arith.constant 0 : i32
        %dma_wait3A_139 = tpu.memref_slice %arg10[%dma_wait3A_138] : memref<8192xf32, #tpu.memory_space<vmem>> -> memref<4096xf32, #tpu.memory_space<vmem>>
        tpu.wait_dma2 semaphore(%arg15 : memref<!tpu.dma_semaphore, #tpu.memory_space<semaphore_mem>>) src(%dma_wait3A_139 : memref<4096xf32, #tpu.memory_space<vmem>>) dst(%dma_wait3A_137 : memref<4096xf32, #tpu.memory_space<hbm>>)
      } else {
      }
      %parallel_loop3A = arith.constant 0 : i32
      %parallel_loop3A_75 = arith.constant 8 : i32
      %parallel_loop3A_76 = arith.constant 1 : i32
      scf.for %parallel_loop3A_132 = %parallel_loop3A to %parallel_loop3A_75 step %parallel_loop3A_76  : i32 {
        %parallel_loop3A_133 = arith.constant 8 : i32
        %parallel_loop3A_134 = arith.muli %add3A_64, %parallel_loop3A_133 : i32
        %parallel_loop3A_135 = arith.addi %parallel_loop3A_134, %parallel_loop3A_132 : i32
        %parallel_loop3A_136 = arith.constant 16 : i32
        %parallel_loop3A_137 = arith.muli %parallel_loop3A_135, %parallel_loop3A_136 : i32
        %parallel_loop3A_138 = arith.index_cast %parallel_loop3A_137 : i32 to index
        %parallel_loop3A_139 = tpu.vector_load %arg6[%parallel_loop3A_138] {strides = array<i32>} : memref<8192xi32, #tpu.memory_space<vmem>>, vector<16xi32>,
        %parallel_loop3A_140 = arith.constant 512 : i32
        %parallel_loop3A_141 = vector.broadcast %parallel_loop3A_140 : i32 to vector<16xi32>
        %parallel_loop3A_142 = arith.muli %parallel_loop3A_139, %parallel_loop3A_141 : vector<16xi32>
        %parallel_loop3A_143 = arith.addi %parallel_loop3A_142, %iota3A : vector<16xi32>
        %parallel_loop3A_144 = arith.constant 512 : i32
        %parallel_loop3A_145 = arith.muli %parallel_loop3A_132, %parallel_loop3A_144 : i32
        %parallel_loop3A_146 = arith.constant 0 : i32
        %parallel_loop3A_147 = arith.addi %parallel_loop3A_146, %parallel_loop3A_145 : i32
        %parallel_loop3A_148 = arith.constant 0 : i32
        %parallel_loop3A_149 = arith.addi %parallel_loop3A_147, %parallel_loop3A_148 : i32
        %parallel_loop3A_150 = arith.constant 0 : i32
        %parallel_loop3A_151 = vector.broadcast %parallel_loop3A_150 : i32 to vector<16xi32>
        %parallel_loop3A_152 = arith.addi %parallel_loop3A_143, %parallel_loop3A_151 : vector<16xi32>
        %parallel_loop3A_153 = tpu.vector_load_idx %arg7[%parallel_loop3A_152] : memref<51200xf32, #tpu.memory_space<vmem>>[vector<16xi32>], vector<16xf32>,
        %parallel_loop3A_154 = tpu.vector_load_idx %arg8[%parallel_loop3A_152] : memref<51200xf32, #tpu.memory_space<vmem>>[vector<16xi32>], vector<16xf32>,
        %parallel_loop3A_155 = arith.index_cast %parallel_loop3A_149 : i32 to index
        %parallel_loop3A_156 = tpu.vector_load %arg9[%parallel_loop3A_155] {strides = array<i32>} : memref<8192xf32, #tpu.memory_space<vmem>>, vector<16xf32>,
        %parallel_loop3A_157 = arith.mulf %parallel_loop3A_156, %parallel_loop3A_153 : vector<16xf32>
        %parallel_loop3A_158 = arith.addf %parallel_loop3A_157, %parallel_loop3A_154 : vector<16xf32>
        %parallel_loop3A_159 = arith.index_cast %parallel_loop3A_149 : i32 to index
        %parallel_loop3A_160 = tpu.vector_load %arg10[%parallel_loop3A_159] {strides = array<i32>} : memref<8192xf32, #tpu.memory_space<vmem>>, vector<16xf32>,
        tpu.vector_store %arg10[%parallel_loop3A_159], %parallel_loop3A_158 {strides = array<i32>} : memref<8192xf32, #tpu.memory_space<vmem>>, vector<16xf32>,
        %parallel_loop3A_161 = arith.constant 16 : i32
        %parallel_loop3A_162 = arith.addi %parallel_loop3A_147, %parallel_loop3A_161 : i32
        %parallel_loop3A_163 = arith.constant 16 : i32
        %parallel_loop3A_164 = vector.broadcast %parallel_loop3A_163 : i32 to vector<16xi32>
        %parallel_loop3A_165 = arith.addi %parallel_loop3A_143, %parallel_loop3A_164 : vector<16xi32>
        %parallel_loop3A_166 = tpu.vector_load_idx %arg7[%parallel_loop3A_165] : memref<51200xf32, #tpu.memory_space<vmem>>[vector<16xi32>], vector<16xf32>,
        %parallel_loop3A_167 = tpu.vector_load_idx %arg8[%parallel_loop3A_165] : memref<51200xf32, #tpu.memory_space<vmem>>[vector<16xi32>], vector<16xf32>,
        %parallel_loop3A_168 = arith.index_cast %parallel_loop3A_162 : i32 to index
        %parallel_loop3A_169 = tpu.vector_load %arg9[%parallel_loop3A_168] {strides = array<i32>} : memref<8192xf32, #tpu.memory_space<vmem>>, vector<16xf32>,
        %parallel_loop3A_170 = arith.mulf %parallel_loop3A_169, %parallel_loop3A_166 : vector<16xf32>
        %parallel_loop3A_171 = arith.addf %parallel_loop3A_170, %parallel_loop3A_167 : vector<16xf32>
        %parallel_loop3A_172 = arith.index_cast %parallel_loop3A_162 : i32 to index
        %parallel_loop3A_173 = tpu.vector_load %arg10[%parallel_loop3A_172] {strides = array<i32>} : memref<8192xf32, #tpu.memory_space<vmem>>, vector<16xf32>,
        tpu.vector_store %arg10[%parallel_loop3A_172], %parallel_loop3A_171 {strides = array<i32>} : memref<8192xf32, #tpu.memory_space<vmem>>, vector<16xf32>,
        %parallel_loop3A_174 = arith.constant 32 : i32
        %parallel_loop3A_175 = arith.addi %parallel_loop3A_147, %parallel_loop3A_174 : i32
        %parallel_loop3A_176 = arith.constant 32 : i32
        %parallel_loop3A_177 = vector.broadcast %parallel_loop3A_176 : i32 to vector<16xi32>
        %parallel_loop3A_178 = arith.addi %parallel_loop3A_143, %parallel_loop3A_177 : vector<16xi32>
        %parallel_loop3A_179 = tpu.vector_load_idx %arg7[%parallel_loop3A_178] : memref<51200xf32, #tpu.memory_space<vmem>>[vector<16xi32>], vector<16xf32>,
        %parallel_loop3A_180 = tpu.vector_load_idx %arg8[%parallel_loop3A_178] : memref<51200xf32, #tpu.memory_space<vmem>>[vector<16xi32>], vector<16xf32>,
        %parallel_loop3A_181 = arith.index_cast %parallel_loop3A_175 : i32 to index
        %parallel_loop3A_182 = tpu.vector_load %arg9[%parallel_loop3A_181] {strides = array<i32>} : memref<8192xf32, #tpu.memory_space<vmem>>, vector<16xf32>,
        %parallel_loop3A_183 = arith.mulf %parallel_loop3A_182, %parallel_loop3A_179 : vector<16xf32>
        %parallel_loop3A_184 = arith.addf %parallel_loop3A_183, %parallel_loop3A_180 : vector<16xf32>
        %parallel_loop3A_185 = arith.index_cast %parallel_loop3A_175 : i32 to index
        %parallel_loop3A_186 = tpu.vector_load %arg10[%parallel_loop3A_185] {strides = array<i32>} : memref<8192xf32, #tpu.memory_space<vmem>>, vector<16xf32>,
        tpu.vector_store %arg10[%parallel_loop3A_185], %parallel_loop3A_184 {strides = array<i32>} : memref<8192xf32, #tpu.memory_space<vmem>>, vector<16xf32>,
        %parallel_loop3A_187 = arith.constant 48 : i32
        %parallel_loop3A_188 = arith.addi %parallel_loop3A_147, %parallel_loop3A_187 : i32
        %parallel_loop3A_189 = arith.constant 48 : i32
        %parallel_loop3A_190 = vector.broadcast %parallel_loop3A_189 : i32 to vector<16xi32>
        %parallel_loop3A_191 = arith.addi %parallel_loop3A_143, %parallel_loop3A_190 : vector<16xi32>
        %parallel_loop3A_192 = tpu.vector_load_idx %arg7[%parallel_loop3A_191] : memref<51200xf32, #tpu.memory_space<vmem>>[vector<16xi32>], vector<16xf32>,
        %parallel_loop3A_193 = tpu.vector_load_idx %arg8[%parallel_loop3A_191] : memref<51200xf32, #tpu.memory_space<vmem>>[vector<16xi32>], vector<16xf32>,
        %parallel_loop3A_194 = arith.index_cast %parallel_loop3A_188 : i32 to index
        %parallel_loop3A_195 = tpu.vector_load %arg9[%parallel_loop3A_194] {strides = array<i32>} : memref<8192xf32, #tpu.memory_space<vmem>>, vector<16xf32>,
        %parallel_loop3A_196 = arith.mulf %parallel_loop3A_195, %parallel_loop3A_192 : vector<16xf32>
        %parallel_loop3A_197 = arith.addf %parallel_loop3A_196, %parallel_loop3A_193 : vector<16xf32>
        %parallel_loop3A_198 = arith.index_cast %parallel_loop3A_188 : i32 to index
        %parallel_loop3A_199 = tpu.vector_load %arg10[%parallel_loop3A_198] {strides = array<i32>} : memref<8192xf32, #tpu.memory_space<vmem>>, vector<16xf32>,
        tpu.vector_store %arg10[%parallel_loop3A_198], %parallel_loop3A_197 {strides = array<i32>} : memref<8192xf32, #tpu.memory_space<vmem>>, vector<16xf32>,
        %parallel_loop3A_200 = arith.constant 64 : i32
        %parallel_loop3A_201 = arith.addi %parallel_loop3A_147, %parallel_loop3A_200 : i32
        %parallel_loop3A_202 = arith.constant 64 : i32
        %parallel_loop3A_203 = vector.broadcast %parallel_loop3A_202 : i32 to vector<16xi32>
        %parallel_loop3A_204 = arith.addi %parallel_loop3A_143, %parallel_loop3A_203 : vector<16xi32>
        %parallel_loop3A_205 = tpu.vector_load_idx %arg7[%parallel_loop3A_204] : memref<51200xf32, #tpu.memory_space<vmem>>[vector<16xi32>], vector<16xf32>,
        %parallel_loop3A_206 = tpu.vector_load_idx %arg8[%parallel_loop3A_204] : memref<51200xf32, #tpu.memory_space<vmem>>[vector<16xi32>], vector<16xf32>,
        %parallel_loop3A_207 = arith.index_cast %parallel_loop3A_201 : i32 to index
        %parallel_loop3A_208 = tpu.vector_load %arg9[%parallel_loop3A_207] {strides = array<i32>} : memref<8192xf32, #tpu.memory_space<vmem>>, vector<16xf32>,
        %parallel_loop3A_209 = arith.mulf %parallel_loop3A_208, %parallel_loop3A_205 : vector<16xf32>
        %parallel_loop3A_210 = arith.addf %parallel_loop3A_209, %parallel_loop3A_206 : vector<16xf32>
        %parallel_loop3A_211 = arith.index_cast %parallel_loop3A_201 : i32 to index
        %parallel_loop3A_212 = tpu.vector_load %arg10[%parallel_loop3A_211] {strides = array<i32>} : memref<8192xf32, #tpu.memory_space<vmem>>, vector<16xf32>,
        tpu.vector_store %arg10[%parallel_loop3A_211], %parallel_loop3A_210 {strides = array<i32>} : memref<8192xf32, #tpu.memory_space<vmem>>, vector<16xf32>,
        %parallel_loop3A_213 = arith.constant 80 : i32
        %parallel_loop3A_214 = arith.addi %parallel_loop3A_147, %parallel_loop3A_213 : i32
        %parallel_loop3A_215 = arith.constant 80 : i32
        %parallel_loop3A_216 = vector.broadcast %parallel_loop3A_215 : i32 to vector<16xi32>
        %parallel_loop3A_217 = arith.addi %parallel_loop3A_143, %parallel_loop3A_216 : vector<16xi32>
        %parallel_loop3A_218 = tpu.vector_load_idx %arg7[%parallel_loop3A_217] : memref<51200xf32, #tpu.memory_space<vmem>>[vector<16xi32>], vector<16xf32>,
        %parallel_loop3A_219 = tpu.vector_load_idx %arg8[%parallel_loop3A_217] : memref<51200xf32, #tpu.memory_space<vmem>>[vector<16xi32>], vector<16xf32>,
        %parallel_loop3A_220 = arith.index_cast %parallel_loop3A_214 : i32 to index
        %parallel_loop3A_221 = tpu.vector_load %arg9[%parallel_loop3A_220] {strides = array<i32>} : memref<8192xf32, #tpu.memory_space<vmem>>, vector<16xf32>,
        %parallel_loop3A_222 = arith.mulf %parallel_loop3A_221, %parallel_loop3A_218 : vector<16xf32>
        %parallel_loop3A_223 = arith.addf %parallel_loop3A_222, %parallel_loop3A_219 : vector<16xf32>
        %parallel_loop3A_224 = arith.index_cast %parallel_loop3A_214 : i32 to index
        %parallel_loop3A_225 = tpu.vector_load %arg10[%parallel_loop3A_224] {strides = array<i32>} : memref<8192xf32, #tpu.memory_space<vmem>>, vector<16xf32>,
        tpu.vector_store %arg10[%parallel_loop3A_224], %parallel_loop3A_223 {strides = array<i32>} : memref<8192xf32, #tpu.memory_space<vmem>>, vector<16xf32>,
        %parallel_loop3A_226 = arith.constant 96 : i32
        %parallel_loop3A_227 = arith.addi %parallel_loop3A_147, %parallel_loop3A_226 : i32
        %parallel_loop3A_228 = arith.constant 96 : i32
        %parallel_loop3A_229 = vector.broadcast %parallel_loop3A_228 : i32 to vector<16xi32>
        %parallel_loop3A_230 = arith.addi %parallel_loop3A_143, %parallel_loop3A_229 : vector<16xi32>
        %parallel_loop3A_231 = tpu.vector_load_idx %arg7[%parallel_loop3A_230] : memref<51200xf32, #tpu.memory_space<vmem>>[vector<16xi32>], vector<16xf32>,
        %parallel_loop3A_232 = tpu.vector_load_idx %arg8[%parallel_loop3A_230] : memref<51200xf32, #tpu.memory_space<vmem>>[vector<16xi32>], vector<16xf32>,
        %parallel_loop3A_233 = arith.index_cast %parallel_loop3A_227 : i32 to index
        %parallel_loop3A_234 = tpu.vector_load %arg9[%parallel_loop3A_233] {strides = array<i32>} : memref<8192xf32, #tpu.memory_space<vmem>>, vector<16xf32>,
        %parallel_loop3A_235 = arith.mulf %parallel_loop3A_234, %parallel_loop3A_231 : vector<16xf32>
        %parallel_loop3A_236 = arith.addf %parallel_loop3A_235, %parallel_loop3A_232 : vector<16xf32>
        %parallel_loop3A_237 = arith.index_cast %parallel_loop3A_227 : i32 to index
        %parallel_loop3A_238 = tpu.vector_load %arg10[%parallel_loop3A_237] {strides = array<i32>} : memref<8192xf32, #tpu.memory_space<vmem>>, vector<16xf32>,
        tpu.vector_store %arg10[%parallel_loop3A_237], %parallel_loop3A_236 {strides = array<i32>} : memref<8192xf32, #tpu.memory_space<vmem>>, vector<16xf32>,
        %parallel_loop3A_239 = arith.constant 112 : i32
        %parallel_loop3A_240 = arith.addi %parallel_loop3A_147, %parallel_loop3A_239 : i32
        %parallel_loop3A_241 = arith.constant 112 : i32
        %parallel_loop3A_242 = vector.broadcast %parallel_loop3A_241 : i32 to vector<16xi32>
        %parallel_loop3A_243 = arith.addi %parallel_loop3A_143, %parallel_loop3A_242 : vector<16xi32>
        %parallel_loop3A_244 = tpu.vector_load_idx %arg7[%parallel_loop3A_243] : memref<51200xf32, #tpu.memory_space<vmem>>[vector<16xi32>], vector<16xf32>,
        %parallel_loop3A_245 = tpu.vector_load_idx %arg8[%parallel_loop3A_243] : memref<51200xf32, #tpu.memory_space<vmem>>[vector<16xi32>], vector<16xf32>,
        %parallel_loop3A_246 = arith.index_cast %parallel_loop3A_240 : i32 to index
        %parallel_loop3A_247 = tpu.vector_load %arg9[%parallel_loop3A_246] {strides = array<i32>} : memref<8192xf32, #tpu.memory_space<vmem>>, vector<16xf32>,
        %parallel_loop3A_248 = arith.mulf %parallel_loop3A_247, %parallel_loop3A_244 : vector<16xf32>
        %parallel_loop3A_249 = arith.addf %parallel_loop3A_248, %parallel_loop3A_245 : vector<16xf32>
        %parallel_loop3A_250 = arith.index_cast %parallel_loop3A_240 : i32 to index
        %parallel_loop3A_251 = tpu.vector_load %arg10[%parallel_loop3A_250] {strides = array<i32>} : memref<8192xf32, #tpu.memory_space<vmem>>, vector<16xf32>,
        tpu.vector_store %arg10[%parallel_loop3A_250], %parallel_loop3A_249 {strides = array<i32>} : memref<8192xf32, #tpu.memory_space<vmem>>, vector<16xf32>,
        %parallel_loop3A_252 = arith.constant 128 : i32
        %parallel_loop3A_253 = arith.addi %parallel_loop3A_147, %parallel_loop3A_252 : i32
        %parallel_loop3A_254 = arith.constant 128 : i32
        %parallel_loop3A_255 = vector.broadcast %parallel_loop3A_254 : i32 to vector<16xi32>
        %parallel_loop3A_256 = arith.addi %parallel_loop3A_143, %parallel_loop3A_255 : vector<16xi32>
        %parallel_loop3A_257 = tpu.vector_load_idx %arg7[%parallel_loop3A_256] : memref<51200xf32, #tpu.memory_space<vmem>>[vector<16xi32>], vector<16xf32>,
        %parallel_loop3A_258 = tpu.vector_load_idx %arg8[%parallel_loop3A_256] : memref<51200xf32, #tpu.memory_space<vmem>>[vector<16xi32>], vector<16xf32>,
        %parallel_loop3A_259 = arith.index_cast %parallel_loop3A_253 : i32 to index
        %parallel_loop3A_260 = tpu.vector_load %arg9[%parallel_loop3A_259] {strides = array<i32>} : memref<8192xf32, #tpu.memory_space<vmem>>, vector<16xf32>,
        %parallel_loop3A_261 = arith.mulf %parallel_loop3A_260, %parallel_loop3A_257 : vector<16xf32>
        %parallel_loop3A_262 = arith.addf %parallel_loop3A_261, %parallel_loop3A_258 : vector<16xf32>
        %parallel_loop3A_263 = arith.index_cast %parallel_loop3A_253 : i32 to index
        %parallel_loop3A_264 = tpu.vector_load %arg10[%parallel_loop3A_263] {strides = array<i32>} : memref<8192xf32, #tpu.memory_space<vmem>>, vector<16xf32>,
        tpu.vector_store %arg10[%parallel_loop3A_263], %parallel_loop3A_262 {strides = array<i32>} : memref<8192xf32, #tpu.memory_space<vmem>>, vector<16xf32>,
        %parallel_loop3A_265 = arith.constant 144 : i32
        %parallel_loop3A_266 = arith.addi %parallel_loop3A_147, %parallel_loop3A_265 : i32
        %parallel_loop3A_267 = arith.constant 144 : i32
        %parallel_loop3A_268 = vector.broadcast %parallel_loop3A_267 : i32 to vector<16xi32>
        %parallel_loop3A_269 = arith.addi %parallel_loop3A_143, %parallel_loop3A_268 : vector<16xi32>
        %parallel_loop3A_270 = tpu.vector_load_idx %arg7[%parallel_loop3A_269] : memref<51200xf32, #tpu.memory_space<vmem>>[vector<16xi32>], vector<16xf32>,
        %parallel_loop3A_271 = tpu.vector_load_idx %arg8[%parallel_loop3A_269] : memref<51200xf32, #tpu.memory_space<vmem>>[vector<16xi32>], vector<16xf32>,
        %parallel_loop3A_272 = arith.index_cast %parallel_loop3A_266 : i32 to index
        %parallel_loop3A_273 = tpu.vector_load %arg9[%parallel_loop3A_272] {strides = array<i32>} : memref<8192xf32, #tpu.memory_space<vmem>>, vector<16xf32>,
        %parallel_loop3A_274 = arith.mulf %parallel_loop3A_273, %parallel_loop3A_270 : vector<16xf32>
        %parallel_loop3A_275 = arith.addf %parallel_loop3A_274, %parallel_loop3A_271 : vector<16xf32>
        %parallel_loop3A_276 = arith.index_cast %parallel_loop3A_266 : i32 to index
        %parallel_loop3A_277 = tpu.vector_load %arg10[%parallel_loop3A_276] {strides = array<i32>} : memref<8192xf32, #tpu.memory_space<vmem>>, vector<16xf32>,
        tpu.vector_store %arg10[%parallel_loop3A_276], %parallel_loop3A_275 {strides = array<i32>} : memref<8192xf32, #tpu.memory_space<vmem>>, vector<16xf32>,
        %parallel_loop3A_278 = arith.constant 160 : i32
        %parallel_loop3A_279 = arith.addi %parallel_loop3A_147, %parallel_loop3A_278 : i32
        %parallel_loop3A_280 = arith.constant 160 : i32
        %parallel_loop3A_281 = vector.broadcast %parallel_loop3A_280 : i32 to vector<16xi32>
        %parallel_loop3A_282 = arith.addi %parallel_loop3A_143, %parallel_loop3A_281 : vector<16xi32>
        %parallel_loop3A_283 = tpu.vector_load_idx %arg7[%parallel_loop3A_282] : memref<51200xf32, #tpu.memory_space<vmem>>[vector<16xi32>], vector<16xf32>,
        %parallel_loop3A_284 = tpu.vector_load_idx %arg8[%parallel_loop3A_282] : memref<51200xf32, #tpu.memory_space<vmem>>[vector<16xi32>], vector<16xf32>,
        %parallel_loop3A_285 = arith.index_cast %parallel_loop3A_279 : i32 to index
        %parallel_loop3A_286 = tpu.vector_load %arg9[%parallel_loop3A_285] {strides = array<i32>} : memref<8192xf32, #tpu.memory_space<vmem>>, vector<16xf32>,
        %parallel_loop3A_287 = arith.mulf %parallel_loop3A_286, %parallel_loop3A_283 : vector<16xf32>
        %parallel_loop3A_288 = arith.addf %parallel_loop3A_287, %parallel_loop3A_284 : vector<16xf32>
        %parallel_loop3A_289 = arith.index_cast %parallel_loop3A_279 : i32 to index
        %parallel_loop3A_290 = tpu.vector_load %arg10[%parallel_loop3A_289] {strides = array<i32>} : memref<8192xf32, #tpu.memory_space<vmem>>, vector<16xf32>,
        tpu.vector_store %arg10[%parallel_loop3A_289], %parallel_loop3A_288 {strides = array<i32>} : memref<8192xf32, #tpu.memory_space<vmem>>, vector<16xf32>,
        %parallel_loop3A_291 = arith.constant 176 : i32
        %parallel_loop3A_292 = arith.addi %parallel_loop3A_147, %parallel_loop3A_291 : i32
        %parallel_loop3A_293 = arith.constant 176 : i32
        %parallel_loop3A_294 = vector.broadcast %parallel_loop3A_293 : i32 to vector<16xi32>
        %parallel_loop3A_295 = arith.addi %parallel_loop3A_143, %parallel_loop3A_294 : vector<16xi32>
        %parallel_loop3A_296 = tpu.vector_load_idx %arg7[%parallel_loop3A_295] : memref<51200xf32, #tpu.memory_space<vmem>>[vector<16xi32>], vector<16xf32>,
        %parallel_loop3A_297 = tpu.vector_load_idx %arg8[%parallel_loop3A_295] : memref<51200xf32, #tpu.memory_space<vmem>>[vector<16xi32>], vector<16xf32>,
        %parallel_loop3A_298 = arith.index_cast %parallel_loop3A_292 : i32 to index
        %parallel_loop3A_299 = tpu.vector_load %arg9[%parallel_loop3A_298] {strides = array<i32>} : memref<8192xf32, #tpu.memory_space<vmem>>, vector<16xf32>,
        %parallel_loop3A_300 = arith.mulf %parallel_loop3A_299, %parallel_loop3A_296 : vector<16xf32>
        %parallel_loop3A_301 = arith.addf %parallel_loop3A_300, %parallel_loop3A_297 : vector<16xf32>
        %parallel_loop3A_302 = arith.index_cast %parallel_loop3A_292 : i32 to index
        %parallel_loop3A_303 = tpu.vector_load %arg10[%parallel_loop3A_302] {strides = array<i32>} : memref<8192xf32, #tpu.memory_space<vmem>>, vector<16xf32>,
        tpu.vector_store %arg10[%parallel_loop3A_302], %parallel_loop3A_301 {strides = array<i32>} : memref<8192xf32, #tpu.memory_space<vmem>>, vector<16xf32>,
        %parallel_loop3A_304 = arith.constant 192 : i32
        %parallel_loop3A_305 = arith.addi %parallel_loop3A_147, %parallel_loop3A_304 : i32
        %parallel_loop3A_306 = arith.constant 192 : i32
        %parallel_loop3A_307 = vector.broadcast %parallel_loop3A_306 : i32 to vector<16xi32>
        %parallel_loop3A_308 = arith.addi %parallel_loop3A_143, %parallel_loop3A_307 : vector<16xi32>
        %parallel_loop3A_309 = tpu.vector_load_idx %arg7[%parallel_loop3A_308] : memref<51200xf32, #tpu.memory_space<vmem>>[vector<16xi32>], vector<16xf32>,
        %parallel_loop3A_310 = tpu.vector_load_idx %arg8[%parallel_loop3A_308] : memref<51200xf32, #tpu.memory_space<vmem>>[vector<16xi32>], vector<16xf32>,
        %parallel_loop3A_311 = arith.index_cast %parallel_loop3A_305 : i32 to index
        %parallel_loop3A_312 = tpu.vector_load %arg9[%parallel_loop3A_311] {strides = array<i32>} : memref<8192xf32, #tpu.memory_space<vmem>>, vector<16xf32>,
        %parallel_loop3A_313 = arith.mulf %parallel_loop3A_312, %parallel_loop3A_309 : vector<16xf32>
        %parallel_loop3A_314 = arith.addf %parallel_loop3A_313, %parallel_loop3A_310 : vector<16xf32>
        %parallel_loop3A_315 = arith.index_cast %parallel_loop3A_305 : i32 to index
        %parallel_loop3A_316 = tpu.vector_load %arg10[%parallel_loop3A_315] {strides = array<i32>} : memref<8192xf32, #tpu.memory_space<vmem>>, vector<16xf32>,
        tpu.vector_store %arg10[%parallel_loop3A_315], %parallel_loop3A_314 {strides = array<i32>} : memref<8192xf32, #tpu.memory_space<vmem>>, vector<16xf32>,
        %parallel_loop3A_317 = arith.constant 208 : i32
        %parallel_loop3A_318 = arith.addi %parallel_loop3A_147, %parallel_loop3A_317 : i32
        %parallel_loop3A_319 = arith.constant 208 : i32
        %parallel_loop3A_320 = vector.broadcast %parallel_loop3A_319 : i32 to vector<16xi32>
        %parallel_loop3A_321 = arith.addi %parallel_loop3A_143, %parallel_loop3A_320 : vector<16xi32>
        %parallel_loop3A_322 = tpu.vector_load_idx %arg7[%parallel_loop3A_321] : memref<51200xf32, #tpu.memory_space<vmem>>[vector<16xi32>], vector<16xf32>,
        %parallel_loop3A_323 = tpu.vector_load_idx %arg8[%parallel_loop3A_321] : memref<51200xf32, #tpu.memory_space<vmem>>[vector<16xi32>], vector<16xf32>,
        %parallel_loop3A_324 = arith.index_cast %parallel_loop3A_318 : i32 to index
        %parallel_loop3A_325 = tpu.vector_load %arg9[%parallel_loop3A_324] {strides = array<i32>} : memref<8192xf32, #tpu.memory_space<vmem>>, vector<16xf32>,
        %parallel_loop3A_326 = arith.mulf %parallel_loop3A_325, %parallel_loop3A_322 : vector<16xf32>
        %parallel_loop3A_327 = arith.addf %parallel_loop3A_326, %parallel_loop3A_323 : vector<16xf32>
        %parallel_loop3A_328 = arith.index_cast %parallel_loop3A_318 : i32 to index
        %parallel_loop3A_329 = tpu.vector_load %arg10[%parallel_loop3A_328] {strides = array<i32>} : memref<8192xf32, #tpu.memory_space<vmem>>, vector<16xf32>,
        tpu.vector_store %arg10[%parallel_loop3A_328], %parallel_loop3A_327 {strides = array<i32>} : memref<8192xf32, #tpu.memory_space<vmem>>, vector<16xf32>,
        %parallel_loop3A_330 = arith.constant 224 : i32
        %parallel_loop3A_331 = arith.addi %parallel_loop3A_147, %parallel_loop3A_330 : i32
        %parallel_loop3A_332 = arith.constant 224 : i32
        %parallel_loop3A_333 = vector.broadcast %parallel_loop3A_332 : i32 to vector<16xi32>
        %parallel_loop3A_334 = arith.addi %parallel_loop3A_143, %parallel_loop3A_333 : vector<16xi32>
        %parallel_loop3A_335 = tpu.vector_load_idx %arg7[%parallel_loop3A_334] : memref<51200xf32, #tpu.memory_space<vmem>>[vector<16xi32>], vector<16xf32>,
        %parallel_loop3A_336 = tpu.vector_load_idx %arg8[%parallel_loop3A_334] : memref<51200xf32, #tpu.memory_space<vmem>>[vector<16xi32>], vector<16xf32>,
        %parallel_loop3A_337 = arith.index_cast %parallel_loop3A_331 : i32 to index
        %parallel_loop3A_338 = tpu.vector_load %arg9[%parallel_loop3A_337] {strides = array<i32>} : memref<8192xf32, #tpu.memory_space<vmem>>, vector<16xf32>,
        %parallel_loop3A_339 = arith.mulf %parallel_loop3A_338, %parallel_loop3A_335 : vector<16xf32>
        %parallel_loop3A_340 = arith.addf %parallel_loop3A_339, %parallel_loop3A_336 : vector<16xf32>
        %parallel_loop3A_341 = arith.index_cast %parallel_loop3A_331 : i32 to index
        %parallel_loop3A_342 = tpu.vector_load %arg10[%parallel_loop3A_341] {strides = array<i32>} : memref<8192xf32, #tpu.memory_space<vmem>>, vector<16xf32>,
        tpu.vector_store %arg10[%parallel_loop3A_341], %parallel_loop3A_340 {strides = array<i32>} : memref<8192xf32, #tpu.memory_space<vmem>>, vector<16xf32>,
        %parallel_loop3A_343 = arith.constant 240 : i32
        %parallel_loop3A_344 = arith.addi %parallel_loop3A_147, %parallel_loop3A_343 : i32
        %parallel_loop3A_345 = arith.constant 240 : i32
        %parallel_loop3A_346 = vector.broadcast %parallel_loop3A_345 : i32 to vector<16xi32>
        %parallel_loop3A_347 = arith.addi %parallel_loop3A_143, %parallel_loop3A_346 : vector<16xi32>
        %parallel_loop3A_348 = tpu.vector_load_idx %arg7[%parallel_loop3A_347] : memref<51200xf32, #tpu.memory_space<vmem>>[vector<16xi32>], vector<16xf32>,
        %parallel_loop3A_349 = tpu.vector_load_idx %arg8[%parallel_loop3A_347] : memref<51200xf32, #tpu.memory_space<vmem>>[vector<16xi32>], vector<16xf32>,
        %parallel_loop3A_350 = arith.index_cast %parallel_loop3A_344 : i32 to index
        %parallel_loop3A_351 = tpu.vector_load %arg9[%parallel_loop3A_350] {strides = array<i32>} : memref<8192xf32, #tpu.memory_space<vmem>>, vector<16xf32>,
        %parallel_loop3A_352 = arith.mulf %parallel_loop3A_351, %parallel_loop3A_348 : vector<16xf32>
        %parallel_loop3A_353 = arith.addf %parallel_loop3A_352, %parallel_loop3A_349 : vector<16xf32>
        %parallel_loop3A_354 = arith.index_cast %parallel_loop3A_344 : i32 to index
        %parallel_loop3A_355 = tpu.vector_load %arg10[%parallel_loop3A_354] {strides = array<i32>} : memref<8192xf32, #tpu.memory_space<vmem>>, vector<16xf32>,
        tpu.vector_store %arg10[%parallel_loop3A_354], %parallel_loop3A_353 {strides = array<i32>} : memref<8192xf32, #tpu.memory_space<vmem>>, vector<16xf32>,
        %parallel_loop3A_356 = arith.constant 256 : i32
        %parallel_loop3A_357 = arith.addi %parallel_loop3A_147, %parallel_loop3A_356 : i32
        %parallel_loop3A_358 = arith.constant 256 : i32
        %parallel_loop3A_359 = vector.broadcast %parallel_loop3A_358 : i32 to vector<16xi32>
        %parallel_loop3A_360 = arith.addi %parallel_loop3A_143, %parallel_loop3A_359 : vector<16xi32>
        %parallel_loop3A_361 = tpu.vector_load_idx %arg7[%parallel_loop3A_360] : memref<51200xf32, #tpu.memory_space<vmem>>[vector<16xi32>], vector<16xf32>,
        %parallel_loop3A_362 = tpu.vector_load_idx %arg8[%parallel_loop3A_360] : memref<51200xf32, #tpu.memory_space<vmem>>[vector<16xi32>], vector<16xf32>,
        %parallel_loop3A_363 = arith.index_cast %parallel_loop3A_357 : i32 to index
        %parallel_loop3A_364 = tpu.vector_load %arg9[%parallel_loop3A_363] {strides = array<i32>} : memref<8192xf32, #tpu.memory_space<vmem>>, vector<16xf32>,
        %parallel_loop3A_365 = arith.mulf %parallel_loop3A_364, %parallel_loop3A_361 : vector<16xf32>
        %parallel_loop3A_366 = arith.addf %parallel_loop3A_365, %parallel_loop3A_362 : vector<16xf32>
        %parallel_loop3A_367 = arith.index_cast %parallel_loop3A_357 : i32 to index
        %parallel_loop3A_368 = tpu.vector_load %arg10[%parallel_loop3A_367] {strides = array<i32>} : memref<8192xf32, #tpu.memory_space<vmem>>, vector<16xf32>,
        tpu.vector_store %arg10[%parallel_loop3A_367], %parallel_loop3A_366 {strides = array<i32>} : memref<8192xf32, #tpu.memory_space<vmem>>, vector<16xf32>,
        %parallel_loop3A_369 = arith.constant 272 : i32
        %parallel_loop3A_370 = arith.addi %parallel_loop3A_147, %parallel_loop3A_369 : i32
        %parallel_loop3A_371 = arith.constant 272 : i32
        %parallel_loop3A_372 = vector.broadcast %parallel_loop3A_371 : i32 to vector<16xi32>
        %parallel_loop3A_373 = arith.addi %parallel_loop3A_143, %parallel_loop3A_372 : vector<16xi32>
        %parallel_loop3A_374 = tpu.vector_load_idx %arg7[%parallel_loop3A_373] : memref<51200xf32, #tpu.memory_space<vmem>>[vector<16xi32>], vector<16xf32>,
        %parallel_loop3A_375 = tpu.vector_load_idx %arg8[%parallel_loop3A_373] : memref<51200xf32, #tpu.memory_space<vmem>>[vector<16xi32>], vector<16xf32>,
        %parallel_loop3A_376 = arith.index_cast %parallel_loop3A_370 : i32 to index
        %parallel_loop3A_377 = tpu.vector_load %arg9[%parallel_loop3A_376] {strides = array<i32>} : memref<8192xf32, #tpu.memory_space<vmem>>, vector<16xf32>,
        %parallel_loop3A_378 = arith.mulf %parallel_loop3A_377, %parallel_loop3A_374 : vector<16xf32>
        %parallel_loop3A_379 = arith.addf %parallel_loop3A_378, %parallel_loop3A_375 : vector<16xf32>
        %parallel_loop3A_380 = arith.index_cast %parallel_loop3A_370 : i32 to index
        %parallel_loop3A_381 = tpu.vector_load %arg10[%parallel_loop3A_380] {strides = array<i32>} : memref<8192xf32, #tpu.memory_space<vmem>>, vector<16xf32>,
        tpu.vector_store %arg10[%parallel_loop3A_380], %parallel_loop3A_379 {strides = array<i32>} : memref<8192xf32, #tpu.memory_space<vmem>>, vector<16xf32>,
        %parallel_loop3A_382 = arith.constant 288 : i32
        %parallel_loop3A_383 = arith.addi %parallel_loop3A_147, %parallel_loop3A_382 : i32
        %parallel_loop3A_384 = arith.constant 288 : i32
        %parallel_loop3A_385 = vector.broadcast %parallel_loop3A_384 : i32 to vector<16xi32>
        %parallel_loop3A_386 = arith.addi %parallel_loop3A_143, %parallel_loop3A_385 : vector<16xi32>
        %parallel_loop3A_387 = tpu.vector_load_idx %arg7[%parallel_loop3A_386] : memref<51200xf32, #tpu.memory_space<vmem>>[vector<16xi32>], vector<16xf32>,
        %parallel_loop3A_388 = tpu.vector_load_idx %arg8[%parallel_loop3A_386] : memref<51200xf32, #tpu.memory_space<vmem>>[vector<16xi32>], vector<16xf32>,
        %parallel_loop3A_389 = arith.index_cast %parallel_loop3A_383 : i32 to index
        %parallel_loop3A_390 = tpu.vector_load %arg9[%parallel_loop3A_389] {strides = array<i32>} : memref<8192xf32, #tpu.memory_space<vmem>>, vector<16xf32>,
        %parallel_loop3A_391 = arith.mulf %parallel_loop3A_390, %parallel_loop3A_387 : vector<16xf32>
        %parallel_loop3A_392 = arith.addf %parallel_loop3A_391, %parallel_loop3A_388 : vector<16xf32>
        %parallel_loop3A_393 = arith.index_cast %parallel_loop3A_383 : i32 to index
        %parallel_loop3A_394 = tpu.vector_load %arg10[%parallel_loop3A_393] {strides = array<i32>} : memref<8192xf32, #tpu.memory_space<vmem>>, vector<16xf32>,
        tpu.vector_store %arg10[%parallel_loop3A_393], %parallel_loop3A_392 {strides = array<i32>} : memref<8192xf32, #tpu.memory_space<vmem>>, vector<16xf32>,
        %parallel_loop3A_395 = arith.constant 304 : i32
        %parallel_loop3A_396 = arith.addi %parallel_loop3A_147, %parallel_loop3A_395 : i32
        %parallel_loop3A_397 = arith.constant 304 : i32
        %parallel_loop3A_398 = vector.broadcast %parallel_loop3A_397 : i32 to vector<16xi32>
        %parallel_loop3A_399 = arith.addi %parallel_loop3A_143, %parallel_loop3A_398 : vector<16xi32>
        %parallel_loop3A_400 = tpu.vector_load_idx %arg7[%parallel_loop3A_399] : memref<51200xf32, #tpu.memory_space<vmem>>[vector<16xi32>], vector<16xf32>,
        %parallel_loop3A_401 = tpu.vector_load_idx %arg8[%parallel_loop3A_399] : memref<51200xf32, #tpu.memory_space<vmem>>[vector<16xi32>], vector<16xf32>,
        %parallel_loop3A_402 = arith.index_cast %parallel_loop3A_396 : i32 to index
        %parallel_loop3A_403 = tpu.vector_load %arg9[%parallel_loop3A_402] {strides = array<i32>} : memref<8192xf32, #tpu.memory_space<vmem>>, vector<16xf32>,
        %parallel_loop3A_404 = arith.mulf %parallel_loop3A_403, %parallel_loop3A_400 : vector<16xf32>
        %parallel_loop3A_405 = arith.addf %parallel_loop3A_404, %parallel_loop3A_401 : vector<16xf32>
        %parallel_loop3A_406 = arith.index_cast %parallel_loop3A_396 : i32 to index
        %parallel_loop3A_407 = tpu.vector_load %arg10[%parallel_loop3A_406] {strides = array<i32>} : memref<8192xf32, #tpu.memory_space<vmem>>, vector<16xf32>,
        tpu.vector_store %arg10[%parallel_loop3A_406], %parallel_loop3A_405 {strides = array<i32>} : memref<8192xf32, #tpu.memory_space<vmem>>, vector<16xf32>,
        %parallel_loop3A_408 = arith.constant 320 : i32
        %parallel_loop3A_409 = arith.addi %parallel_loop3A_147, %parallel_loop3A_408 : i32
        %parallel_loop3A_410 = arith.constant 320 : i32
        %parallel_loop3A_411 = vector.broadcast %parallel_loop3A_410 : i32 to vector<16xi32>
        %parallel_loop3A_412 = arith.addi %parallel_loop3A_143, %parallel_loop3A_411 : vector<16xi32>
        %parallel_loop3A_413 = tpu.vector_load_idx %arg7[%parallel_loop3A_412] : memref<51200xf32, #tpu.memory_space<vmem>>[vector<16xi32>], vector<16xf32>,
        %parallel_loop3A_414 = tpu.vector_load_idx %arg8[%parallel_loop3A_412] : memref<51200xf32, #tpu.memory_space<vmem>>[vector<16xi32>], vector<16xf32>,
        %parallel_loop3A_415 = arith.index_cast %parallel_loop3A_409 : i32 to index
        %parallel_loop3A_416 = tpu.vector_load %arg9[%parallel_loop3A_415] {strides = array<i32>} : memref<8192xf32, #tpu.memory_space<vmem>>, vector<16xf32>,
        %parallel_loop3A_417 = arith.mulf %parallel_loop3A_416, %parallel_loop3A_413 : vector<16xf32>
        %parallel_loop3A_418 = arith.addf %parallel_loop3A_417, %parallel_loop3A_414 : vector<16xf32>
        %parallel_loop3A_419 = arith.index_cast %parallel_loop3A_409 : i32 to index
        %parallel_loop3A_420 = tpu.vector_load %arg10[%parallel_loop3A_419] {strides = array<i32>} : memref<8192xf32, #tpu.memory_space<vmem>>, vector<16xf32>,
        tpu.vector_store %arg10[%parallel_loop3A_419], %parallel_loop3A_418 {strides = array<i32>} : memref<8192xf32, #tpu.memory_space<vmem>>, vector<16xf32>,
        %parallel_loop3A_421 = arith.constant 336 : i32
        %parallel_loop3A_422 = arith.addi %parallel_loop3A_147, %parallel_loop3A_421 : i32
        %parallel_loop3A_423 = arith.constant 336 : i32
        %parallel_loop3A_424 = vector.broadcast %parallel_loop3A_423 : i32 to vector<16xi32>
        %parallel_loop3A_425 = arith.addi %parallel_loop3A_143, %parallel_loop3A_424 : vector<16xi32>
        %parallel_loop3A_426 = tpu.vector_load_idx %arg7[%parallel_loop3A_425] : memref<51200xf32, #tpu.memory_space<vmem>>[vector<16xi32>], vector<16xf32>,
        %parallel_loop3A_427 = tpu.vector_load_idx %arg8[%parallel_loop3A_425] : memref<51200xf32, #tpu.memory_space<vmem>>[vector<16xi32>], vector<16xf32>,
        %parallel_loop3A_428 = arith.index_cast %parallel_loop3A_422 : i32 to index
        %parallel_loop3A_429 = tpu.vector_load %arg9[%parallel_loop3A_428] {strides = array<i32>} : memref<8192xf32, #tpu.memory_space<vmem>>, vector<16xf32>,
        %parallel_loop3A_430 = arith.mulf %parallel_loop3A_429, %parallel_loop3A_426 : vector<16xf32>
        %parallel_loop3A_431 = arith.addf %parallel_loop3A_430, %parallel_loop3A_427 : vector<16xf32>
        %parallel_loop3A_432 = arith.index_cast %parallel_loop3A_422 : i32 to index
        %parallel_loop3A_433 = tpu.vector_load %arg10[%parallel_loop3A_432] {strides = array<i32>} : memref<8192xf32, #tpu.memory_space<vmem>>, vector<16xf32>,
        tpu.vector_store %arg10[%parallel_loop3A_432], %parallel_loop3A_431 {strides = array<i32>} : memref<8192xf32, #tpu.memory_space<vmem>>, vector<16xf32>,
        %parallel_loop3A_434 = arith.constant 352 : i32
        %parallel_loop3A_435 = arith.addi %parallel_loop3A_147, %parallel_loop3A_434 : i32
        %parallel_loop3A_436 = arith.constant 352 : i32
        %parallel_loop3A_437 = vector.broadcast %parallel_loop3A_436 : i32 to vector<16xi32>
        %parallel_loop3A_438 = arith.addi %parallel_loop3A_143, %parallel_loop3A_437 : vector<16xi32>
        %parallel_loop3A_439 = tpu.vector_load_idx %arg7[%parallel_loop3A_438] : memref<51200xf32, #tpu.memory_space<vmem>>[vector<16xi32>], vector<16xf32>,
        %parallel_loop3A_440 = tpu.vector_load_idx %arg8[%parallel_loop3A_438] : memref<51200xf32, #tpu.memory_space<vmem>>[vector<16xi32>], vector<16xf32>,
        %parallel_loop3A_441 = arith.index_cast %parallel_loop3A_435 : i32 to index
        %parallel_loop3A_442 = tpu.vector_load %arg9[%parallel_loop3A_441] {strides = array<i32>} : memref<8192xf32, #tpu.memory_space<vmem>>, vector<16xf32>,
        %parallel_loop3A_443 = arith.mulf %parallel_loop3A_442, %parallel_loop3A_439 : vector<16xf32>
        %parallel_loop3A_444 = arith.addf %parallel_loop3A_443, %parallel_loop3A_440 : vector<16xf32>
        %parallel_loop3A_445 = arith.index_cast %parallel_loop3A_435 : i32 to index
        %parallel_loop3A_446 = tpu.vector_load %arg10[%parallel_loop3A_445] {strides = array<i32>} : memref<8192xf32, #tpu.memory_space<vmem>>, vector<16xf32>,
        tpu.vector_store %arg10[%parallel_loop3A_445], %parallel_loop3A_444 {strides = array<i32>} : memref<8192xf32, #tpu.memory_space<vmem>>, vector<16xf32>,
        %parallel_loop3A_447 = arith.constant 368 : i32
        %parallel_loop3A_448 = arith.addi %parallel_loop3A_147, %parallel_loop3A_447 : i32
        %parallel_loop3A_449 = arith.constant 368 : i32
        %parallel_loop3A_450 = vector.broadcast %parallel_loop3A_449 : i32 to vector<16xi32>
        %parallel_loop3A_451 = arith.addi %parallel_loop3A_143, %parallel_loop3A_450 : vector<16xi32>
        %parallel_loop3A_452 = tpu.vector_load_idx %arg7[%parallel_loop3A_451] : memref<51200xf32, #tpu.memory_space<vmem>>[vector<16xi32>], vector<16xf32>,
        %parallel_loop3A_453 = tpu.vector_load_idx %arg8[%parallel_loop3A_451] : memref<51200xf32, #tpu.memory_space<vmem>>[vector<16xi32>], vector<16xf32>,
        %parallel_loop3A_454 = arith.index_cast %parallel_loop3A_448 : i32 to index
        %parallel_loop3A_455 = tpu.vector_load %arg9[%parallel_loop3A_454] {strides = array<i32>} : memref<8192xf32, #tpu.memory_space<vmem>>, vector<16xf32>,
        %parallel_loop3A_456 = arith.mulf %parallel_loop3A_455, %parallel_loop3A_452 : vector<16xf32>
        %parallel_loop3A_457 = arith.addf %parallel_loop3A_456, %parallel_loop3A_453 : vector<16xf32>
        %parallel_loop3A_458 = arith.index_cast %parallel_loop3A_448 : i32 to index
        %parallel_loop3A_459 = tpu.vector_load %arg10[%parallel_loop3A_458] {strides = array<i32>} : memref<8192xf32, #tpu.memory_space<vmem>>, vector<16xf32>,
        tpu.vector_store %arg10[%parallel_loop3A_458], %parallel_loop3A_457 {strides = array<i32>} : memref<8192xf32, #tpu.memory_space<vmem>>, vector<16xf32>,
        %parallel_loop3A_460 = arith.constant 384 : i32
        %parallel_loop3A_461 = arith.addi %parallel_loop3A_147, %parallel_loop3A_460 : i32
        %parallel_loop3A_462 = arith.constant 384 : i32
        %parallel_loop3A_463 = vector.broadcast %parallel_loop3A_462 : i32 to vector<16xi32>
        %parallel_loop3A_464 = arith.addi %parallel_loop3A_143, %parallel_loop3A_463 : vector<16xi32>
        %parallel_loop3A_465 = tpu.vector_load_idx %arg7[%parallel_loop3A_464] : memref<51200xf32, #tpu.memory_space<vmem>>[vector<16xi32>], vector<16xf32>,
        %parallel_loop3A_466 = tpu.vector_load_idx %arg8[%parallel_loop3A_464] : memref<51200xf32, #tpu.memory_space<vmem>>[vector<16xi32>], vector<16xf32>,
        %parallel_loop3A_467 = arith.index_cast %parallel_loop3A_461 : i32 to index
        %parallel_loop3A_468 = tpu.vector_load %arg9[%parallel_loop3A_467] {strides = array<i32>} : memref<8192xf32, #tpu.memory_space<vmem>>, vector<16xf32>,
        %parallel_loop3A_469 = arith.mulf %parallel_loop3A_468, %parallel_loop3A_465 : vector<16xf32>
        %parallel_loop3A_470 = arith.addf %parallel_loop3A_469, %parallel_loop3A_466 : vector<16xf32>
        %parallel_loop3A_471 = arith.index_cast %parallel_loop3A_461 : i32 to index
        %parallel_loop3A_472 = tpu.vector_load %arg10[%parallel_loop3A_471] {strides = array<i32>} : memref<8192xf32, #tpu.memory_space<vmem>>, vector<16xf32>,
        tpu.vector_store %arg10[%parallel_loop3A_471], %parallel_loop3A_470 {strides = array<i32>} : memref<8192xf32, #tpu.memory_space<vmem>>, vector<16xf32>,
        %parallel_loop3A_473 = arith.constant 400 : i32
        %parallel_loop3A_474 = arith.addi %parallel_loop3A_147, %parallel_loop3A_473 : i32
        %parallel_loop3A_475 = arith.constant 400 : i32
        %parallel_loop3A_476 = vector.broadcast %parallel_loop3A_475 : i32 to vector<16xi32>
        %parallel_loop3A_477 = arith.addi %parallel_loop3A_143, %parallel_loop3A_476 : vector<16xi32>
        %parallel_loop3A_478 = tpu.vector_load_idx %arg7[%parallel_loop3A_477] : memref<51200xf32, #tpu.memory_space<vmem>>[vector<16xi32>], vector<16xf32>,
        %parallel_loop3A_479 = tpu.vector_load_idx %arg8[%parallel_loop3A_477] : memref<51200xf32, #tpu.memory_space<vmem>>[vector<16xi32>], vector<16xf32>,
        %parallel_loop3A_480 = arith.index_cast %parallel_loop3A_474 : i32 to index
        %parallel_loop3A_481 = tpu.vector_load %arg9[%parallel_loop3A_480] {strides = array<i32>} : memref<8192xf32, #tpu.memory_space<vmem>>, vector<16xf32>,
        %parallel_loop3A_482 = arith.mulf %parallel_loop3A_481, %parallel_loop3A_478 : vector<16xf32>
        %parallel_loop3A_483 = arith.addf %parallel_loop3A_482, %parallel_loop3A_479 : vector<16xf32>
        %parallel_loop3A_484 = arith.index_cast %parallel_loop3A_474 : i32 to index
        %parallel_loop3A_485 = tpu.vector_load %arg10[%parallel_loop3A_484] {strides = array<i32>} : memref<8192xf32, #tpu.memory_space<vmem>>, vector<16xf32>,
        tpu.vector_store %arg10[%parallel_loop3A_484], %parallel_loop3A_483 {strides = array<i32>} : memref<8192xf32, #tpu.memory_space<vmem>>, vector<16xf32>,
        %parallel_loop3A_486 = arith.constant 416 : i32
        %parallel_loop3A_487 = arith.addi %parallel_loop3A_147, %parallel_loop3A_486 : i32
        %parallel_loop3A_488 = arith.constant 416 : i32
        %parallel_loop3A_489 = vector.broadcast %parallel_loop3A_488 : i32 to vector<16xi32>
        %parallel_loop3A_490 = arith.addi %parallel_loop3A_143, %parallel_loop3A_489 : vector<16xi32>
        %parallel_loop3A_491 = tpu.vector_load_idx %arg7[%parallel_loop3A_490] : memref<51200xf32, #tpu.memory_space<vmem>>[vector<16xi32>], vector<16xf32>,
        %parallel_loop3A_492 = tpu.vector_load_idx %arg8[%parallel_loop3A_490] : memref<51200xf32, #tpu.memory_space<vmem>>[vector<16xi32>], vector<16xf32>,
        %parallel_loop3A_493 = arith.index_cast %parallel_loop3A_487 : i32 to index
        %parallel_loop3A_494 = tpu.vector_load %arg9[%parallel_loop3A_493] {strides = array<i32>} : memref<8192xf32, #tpu.memory_space<vmem>>, vector<16xf32>,
        %parallel_loop3A_495 = arith.mulf %parallel_loop3A_494, %parallel_loop3A_491 : vector<16xf32>
        %parallel_loop3A_496 = arith.addf %parallel_loop3A_495, %parallel_loop3A_492 : vector<16xf32>
        %parallel_loop3A_497 = arith.index_cast %parallel_loop3A_487 : i32 to index
        %parallel_loop3A_498 = tpu.vector_load %arg10[%parallel_loop3A_497] {strides = array<i32>} : memref<8192xf32, #tpu.memory_space<vmem>>, vector<16xf32>,
        tpu.vector_store %arg10[%parallel_loop3A_497], %parallel_loop3A_496 {strides = array<i32>} : memref<8192xf32, #tpu.memory_space<vmem>>, vector<16xf32>,
        %parallel_loop3A_499 = arith.constant 432 : i32
        %parallel_loop3A_500 = arith.addi %parallel_loop3A_147, %parallel_loop3A_499 : i32
        %parallel_loop3A_501 = arith.constant 432 : i32
        %parallel_loop3A_502 = vector.broadcast %parallel_loop3A_501 : i32 to vector<16xi32>
        %parallel_loop3A_503 = arith.addi %parallel_loop3A_143, %parallel_loop3A_502 : vector<16xi32>
        %parallel_loop3A_504 = tpu.vector_load_idx %arg7[%parallel_loop3A_503] : memref<51200xf32, #tpu.memory_space<vmem>>[vector<16xi32>], vector<16xf32>,
        %parallel_loop3A_505 = tpu.vector_load_idx %arg8[%parallel_loop3A_503] : memref<51200xf32, #tpu.memory_space<vmem>>[vector<16xi32>], vector<16xf32>,
        %parallel_loop3A_506 = arith.index_cast %parallel_loop3A_500 : i32 to index
        %parallel_loop3A_507 = tpu.vector_load %arg9[%parallel_loop3A_506] {strides = array<i32>} : memref<8192xf32, #tpu.memory_space<vmem>>, vector<16xf32>,
        %parallel_loop3A_508 = arith.mulf %parallel_loop3A_507, %parallel_loop3A_504 : vector<16xf32>
        %parallel_loop3A_509 = arith.addf %parallel_loop3A_508, %parallel_loop3A_505 : vector<16xf32>
        %parallel_loop3A_510 = arith.index_cast %parallel_loop3A_500 : i32 to index
        %parallel_loop3A_511 = tpu.vector_load %arg10[%parallel_loop3A_510] {strides = array<i32>} : memref<8192xf32, #tpu.memory_space<vmem>>, vector<16xf32>,
        tpu.vector_store %arg10[%parallel_loop3A_510], %parallel_loop3A_509 {strides = array<i32>} : memref<8192xf32, #tpu.memory_space<vmem>>, vector<16xf32>,
        %parallel_loop3A_512 = arith.constant 448 : i32
        %parallel_loop3A_513 = arith.addi %parallel_loop3A_147, %parallel_loop3A_512 : i32
        %parallel_loop3A_514 = arith.constant 448 : i32
        %parallel_loop3A_515 = vector.broadcast %parallel_loop3A_514 : i32 to vector<16xi32>
        %parallel_loop3A_516 = arith.addi %parallel_loop3A_143, %parallel_loop3A_515 : vector<16xi32>
        %parallel_loop3A_517 = tpu.vector_load_idx %arg7[%parallel_loop3A_516] : memref<51200xf32, #tpu.memory_space<vmem>>[vector<16xi32>], vector<16xf32>,
        %parallel_loop3A_518 = tpu.vector_load_idx %arg8[%parallel_loop3A_516] : memref<51200xf32, #tpu.memory_space<vmem>>[vector<16xi32>], vector<16xf32>,
        %parallel_loop3A_519 = arith.index_cast %parallel_loop3A_513 : i32 to index
        %parallel_loop3A_520 = tpu.vector_load %arg9[%parallel_loop3A_519] {strides = array<i32>} : memref<8192xf32, #tpu.memory_space<vmem>>, vector<16xf32>,
        %parallel_loop3A_521 = arith.mulf %parallel_loop3A_520, %parallel_loop3A_517 : vector<16xf32>
        %parallel_loop3A_522 = arith.addf %parallel_loop3A_521, %parallel_loop3A_518 : vector<16xf32>
        %parallel_loop3A_523 = arith.index_cast %parallel_loop3A_513 : i32 to index
        %parallel_loop3A_524 = tpu.vector_load %arg10[%parallel_loop3A_523] {strides = array<i32>} : memref<8192xf32, #tpu.memory_space<vmem>>, vector<16xf32>,
        tpu.vector_store %arg10[%parallel_loop3A_523], %parallel_loop3A_522 {strides = array<i32>} : memref<8192xf32, #tpu.memory_space<vmem>>, vector<16xf32>,
        %parallel_loop3A_525 = arith.constant 464 : i32
        %parallel_loop3A_526 = arith.addi %parallel_loop3A_147, %parallel_loop3A_525 : i32
        %parallel_loop3A_527 = arith.constant 464 : i32
        %parallel_loop3A_528 = vector.broadcast %parallel_loop3A_527 : i32 to vector<16xi32>
        %parallel_loop3A_529 = arith.addi %parallel_loop3A_143, %parallel_loop3A_528 : vector<16xi32>
        %parallel_loop3A_530 = tpu.vector_load_idx %arg7[%parallel_loop3A_529] : memref<51200xf32, #tpu.memory_space<vmem>>[vector<16xi32>], vector<16xf32>,
        %parallel_loop3A_531 = tpu.vector_load_idx %arg8[%parallel_loop3A_529] : memref<51200xf32, #tpu.memory_space<vmem>>[vector<16xi32>], vector<16xf32>,
        %parallel_loop3A_532 = arith.index_cast %parallel_loop3A_526 : i32 to index
        %parallel_loop3A_533 = tpu.vector_load %arg9[%parallel_loop3A_532] {strides = array<i32>} : memref<8192xf32, #tpu.memory_space<vmem>>, vector<16xf32>,
        %parallel_loop3A_534 = arith.mulf %parallel_loop3A_533, %parallel_loop3A_530 : vector<16xf32>
        %parallel_loop3A_535 = arith.addf %parallel_loop3A_534, %parallel_loop3A_531 : vector<16xf32>
        %parallel_loop3A_536 = arith.index_cast %parallel_loop3A_526 : i32 to index
        %parallel_loop3A_537 = tpu.vector_load %arg10[%parallel_loop3A_536] {strides = array<i32>} : memref<8192xf32, #tpu.memory_space<vmem>>, vector<16xf32>,
        tpu.vector_store %arg10[%parallel_loop3A_536], %parallel_loop3A_535 {strides = array<i32>} : memref<8192xf32, #tpu.memory_space<vmem>>, vector<16xf32>,
        %parallel_loop3A_538 = arith.constant 480 : i32
        %parallel_loop3A_539 = arith.addi %parallel_loop3A_147, %parallel_loop3A_538 : i32
        %parallel_loop3A_540 = arith.constant 480 : i32
        %parallel_loop3A_541 = vector.broadcast %parallel_loop3A_540 : i32 to vector<16xi32>
        %parallel_loop3A_542 = arith.addi %parallel_loop3A_143, %parallel_loop3A_541 : vector<16xi32>
        %parallel_loop3A_543 = tpu.vector_load_idx %arg7[%parallel_loop3A_542] : memref<51200xf32, #tpu.memory_space<vmem>>[vector<16xi32>], vector<16xf32>,
        %parallel_loop3A_544 = tpu.vector_load_idx %arg8[%parallel_loop3A_542] : memref<51200xf32, #tpu.memory_space<vmem>>[vector<16xi32>], vector<16xf32>,
        %parallel_loop3A_545 = arith.index_cast %parallel_loop3A_539 : i32 to index
        %parallel_loop3A_546 = tpu.vector_load %arg9[%parallel_loop3A_545] {strides = array<i32>} : memref<8192xf32, #tpu.memory_space<vmem>>, vector<16xf32>,
        %parallel_loop3A_547 = arith.mulf %parallel_loop3A_546, %parallel_loop3A_543 : vector<16xf32>
        %parallel_loop3A_548 = arith.addf %parallel_loop3A_547, %parallel_loop3A_544 : vector<16xf32>
        %parallel_loop3A_549 = arith.index_cast %parallel_loop3A_539 : i32 to index
        %parallel_loop3A_550 = tpu.vector_load %arg10[%parallel_loop3A_549] {strides = array<i32>} : memref<8192xf32, #tpu.memory_space<vmem>>, vector<16xf32>,
        tpu.vector_store %arg10[%parallel_loop3A_549], %parallel_loop3A_548 {strides = array<i32>} : memref<8192xf32, #tpu.memory_space<vmem>>, vector<16xf32>,
        %parallel_loop3A_551 = arith.constant 496 : i32
        %parallel_loop3A_552 = arith.addi %parallel_loop3A_147, %parallel_loop3A_551 : i32
        %parallel_loop3A_553 = arith.constant 496 : i32
        %parallel_loop3A_554 = vector.broadcast %parallel_loop3A_553 : i32 to vector<16xi32>
        %parallel_loop3A_555 = arith.addi %parallel_loop3A_143, %parallel_loop3A_554 : vector<16xi32>
        %parallel_loop3A_556 = tpu.vector_load_idx %arg7[%parallel_loop3A_555] : memref<51200xf32, #tpu.memory_space<vmem>>[vector<16xi32>], vector<16xf32>,
        %parallel_loop3A_557 = tpu.vector_load_idx %arg8[%parallel_loop3A_555] : memref<51200xf32, #tpu.memory_space<vmem>>[vector<16xi32>], vector<16xf32>,
        %parallel_loop3A_558 = arith.index_cast %parallel_loop3A_552 : i32 to index
        %parallel_loop3A_559 = tpu.vector_load %arg9[%parallel_loop3A_558] {strides = array<i32>} : memref<8192xf32, #tpu.memory_space<vmem>>, vector<16xf32>,
        %parallel_loop3A_560 = arith.mulf %parallel_loop3A_559, %parallel_loop3A_556 : vector<16xf32>
        %parallel_loop3A_561 = arith.addf %parallel_loop3A_560, %parallel_loop3A_557 : vector<16xf32>
        %parallel_loop3A_562 = arith.index_cast %parallel_loop3A_552 : i32 to index
        %parallel_loop3A_563 = tpu.vector_load %arg10[%parallel_loop3A_562] {strides = array<i32>} : memref<8192xf32, #tpu.memory_space<vmem>>, vector<16xf32>,
        tpu.vector_store %arg10[%parallel_loop3A_562], %parallel_loop3A_561 {strides = array<i32>} : memref<8192xf32, #tpu.memory_space<vmem>>, vector<16xf32>,
      } {sc.loop_unroll_factor = 1 : i64, sc.parallel_access}
      %mul3A_77 = arith.constant 8 : i32
      %mul3A_78 = arith.muli %add3A_64, %mul3A_77 : i32
      %add3A_79 = arith.addi %mul3A_2, %mul3A_78 : i32
      %mul3A_80 = arith.constant 512 : i32
      %mul3A_81 = arith.muli %add3A_79, %mul3A_80 : i32
      %dma_start3A_82 = arith.constant 0 : i32
      %dma_start3A_83 = tpu.memref_slice %arg10[%dma_start3A_82] : memref<8192xf32, #tpu.memory_space<vmem>> -> memref<4096xf32, #tpu.memory_space<vmem>>
      %dma_start3A_84 = tpu.memref_slice %arg5[%mul3A_81] : memref<8388608xf32, #tpu.memory_space<hbm>> -> memref<4096xf32, #tpu.memory_space<hbm>>
      %dma_start3A_85 = tpu.memref_slice %arg5[%mul3A_81] : memref<8388608xf32, #tpu.memory_space<hbm>> -> memref<4096xf32, #tpu.memory_space<hbm>>
      %dma_start3A_86 = arith.constant 0 : i32
      %dma_start3A_87 = tpu.memref_slice %arg10[%dma_start3A_86] : memref<8192xf32, #tpu.memory_space<vmem>> -> memref<4096xf32, #tpu.memory_space<vmem>>
      tpu.enqueue_dma source(%dma_start3A_87 : memref<4096xf32, #tpu.memory_space<vmem>>) target(%dma_start3A_85 : memref<4096xf32, #tpu.memory_space<hbm>>) target_semaphore(%arg15 : memref<!tpu.dma_semaphore, #tpu.memory_space<semaphore_mem>>)
      %add3A_88 = arith.constant 2 : i32
      %add3A_89 = arith.addi %add3A_64, %add3A_88 : i32
      %lt3A = arith.constant 64 : i32
      %lt3A_90 = arith.cmpi slt, %add3A_89, %lt3A : i32
      %convert_element_type3A_91 = arith.extui %lt3A_90 : i1 to i32
      %cond3A_92 = arith.constant 0 : i32
      %cond3A_93 = arith.cmpi ne, %convert_element_type3A_91, %cond3A_92 : i32
      scf.if %cond3A_93 {
        %add3A_132 = arith.constant 2 : i32
        %add3A_133 = arith.addi %add3A_64, %add3A_132 : i32
        %mul3A_134 = arith.constant 8 : i32
        %mul3A_135 = arith.muli %add3A_133, %mul3A_134 : i32
        %add3A_136 = arith.addi %mul3A_2, %mul3A_135 : i32
        %mul3A_137 = arith.constant 512 : i32
        %mul3A_138 = arith.muli %add3A_136, %mul3A_137 : i32
        %dma_start3A_139 = arith.constant 0 : i32
        %dma_start3A_140 = tpu.memref_slice %arg9[%dma_start3A_139] : memref<8192xf32, #tpu.memory_space<vmem>> -> memref<4096xf32, #tpu.memory_space<vmem>>
        %dma_start3A_141 = tpu.memref_slice %arg2[%mul3A_138] : memref<8388608xf32, #tpu.memory_space<hbm>> -> memref<4096xf32, #tpu.memory_space<hbm>>
        %dma_start3A_142 = arith.constant 0 : i32
        %dma_start3A_143 = tpu.memref_slice %arg9[%dma_start3A_142] : memref<8192xf32, #tpu.memory_space<vmem>> -> memref<4096xf32, #tpu.memory_space<vmem>>
        %dma_start3A_144 = tpu.memref_slice %arg2[%mul3A_138] : memref<8388608xf32, #tpu.memory_space<hbm>> -> memref<4096xf32, #tpu.memory_space<hbm>>
        tpu.enqueue_dma source(%dma_start3A_144 : memref<4096xf32, #tpu.memory_space<hbm>>) target(%dma_start3A_143 : memref<4096xf32, #tpu.memory_space<vmem>>) target_semaphore(%arg13 : memref<!tpu.dma_semaphore, #tpu.memory_space<semaphore_mem>>)
      } else {
      }
      %mul3A_94 = arith.constant 2 : i32
      %mul3A_95 = arith.muli %scan3A_60, %mul3A_94 : i32
      %add3A_96 = arith.constant 1 : i32
      %add3A_97 = arith.addi %mul3A_95, %add3A_96 : i32
      %dma_wait3A_98 = arith.constant 4096 : i32
      %dma_wait3A_99 = tpu.memref_slice %arg9[%dma_wait3A_98] : memref<8192xf32, #tpu.memory_space<vmem>> -> memref<4096xf32, #tpu.memory_space<vmem>>
      %dma_wait3A_100 = arith.constant 0 : i32
      %dma_wait3A_101 = tpu.memref_slice %arg2[%dma_wait3A_100] : memref<8388608xf32, #tpu.memory_space<hbm>> -> memref<4096xf32, #tpu.memory_space<hbm>>
      %dma_wait3A_102 = arith.constant 4096 : i32
      %dma_wait3A_103 = tpu.memref_slice %arg9[%dma_wait3A_102] : memref<8192xf32, #tpu.memory_space<vmem>> -> memref<4096xf32, #tpu.memory_space<vmem>>
      %dma_wait3A_104 = arith.constant 0 : i32
      %dma_wait3A_105 = tpu.memref_slice %arg2[%dma_wait3A_104] : memref<8388608xf32, #tpu.memory_space<hbm>> -> memref<4096xf32, #tpu.memory_space<hbm>>
      tpu.wait_dma2 semaphore(%arg14 : memref<!tpu.dma_semaphore, #tpu.memory_space<semaphore_mem>>) src(%dma_wait3A_105 : memref<4096xf32, #tpu.memory_space<hbm>>) dst(%dma_wait3A_103 : memref<4096xf32, #tpu.memory_space<vmem>>)
      %gt3A_106 = arith.constant 0 : i32
      %gt3A_107 = arith.cmpi sgt, %scan3A_60, %gt3A_106 : i32
      %convert_element_type3A_108 = arith.extui %gt3A_107 : i1 to i32
      %cond3A_109 = arith.constant 0 : i32
      %cond3A_110 = arith.cmpi ne, %convert_element_type3A_108, %cond3A_109 : i32
      scf.if %cond3A_110 {
        %dma_wait3A_132 = arith.constant 4096 : i32
        %dma_wait3A_133 = tpu.memref_slice %arg10[%dma_wait3A_132] : memref<8192xf32, #tpu.memory_space<vmem>> -> memref<4096xf32, #tpu.memory_space<vmem>>
        %dma_wait3A_134 = arith.constant 0 : i32
        %dma_wait3A_135 = tpu.memref_slice %arg5[%dma_wait3A_134] : memref<8388608xf32, #tpu.memory_space<hbm>> -> memref<4096xf32, #tpu.memory_space<hbm>>
        %dma_wait3A_136 = arith.constant 0 : i32
        %dma_wait3A_137 = tpu.memref_slice %arg5[%dma_wait3A_136] : memref<8388608xf32, #tpu.memory_space<hbm>> -> memref<4096xf32, #tpu.memory_space<hbm>>
        %dma_wait3A_138 = arith.constant 4096 : i32
        %dma_wait3A_139 = tpu.memref_slice %arg10[%dma_wait3A_138] : memref<8192xf32, #tpu.memory_space<vmem>> -> memref<4096xf32, #tpu.memory_space<vmem>>
        tpu.wait_dma2 semaphore(%arg16 : memref<!tpu.dma_semaphore, #tpu.memory_space<semaphore_mem>>) src(%dma_wait3A_139 : memref<4096xf32, #tpu.memory_space<vmem>>) dst(%dma_wait3A_137 : memref<4096xf32, #tpu.memory_space<hbm>>)
      } else {
      }
      %parallel_loop3A_111 = arith.constant 0 : i32
      %parallel_loop3A_112 = arith.constant 8 : i32
      %parallel_loop3A_113 = arith.constant 1 : i32
      scf.for %parallel_loop3A_132 = %parallel_loop3A_111 to %parallel_loop3A_112 step %parallel_loop3A_113  : i32 {
        %parallel_loop3A_133 = arith.constant 8 : i32
        %parallel_loop3A_134 = arith.muli %add3A_97, %parallel_loop3A_133 : i32
        %parallel_loop3A_135 = arith.addi %parallel_loop3A_134, %parallel_loop3A_132 : i32
        %parallel_loop3A_136 = arith.constant 16 : i32
        %parallel_loop3A_137 = arith.muli %parallel_loop3A_135, %parallel_loop3A_136 : i32
        %parallel_loop3A_138 = arith.index_cast %parallel_loop3A_137 : i32 to index
        %parallel_loop3A_139 = tpu.vector_load %arg6[%parallel_loop3A_138] {strides = array<i32>} : memref<8192xi32, #tpu.memory_space<vmem>>, vector<16xi32>,
        %parallel_loop3A_140 = arith.constant 512 : i32
        %parallel_loop3A_141 = vector.broadcast %parallel_loop3A_140 : i32 to vector<16xi32>
        %parallel_loop3A_142 = arith.muli %parallel_loop3A_139, %parallel_loop3A_141 : vector<16xi32>
        %parallel_loop3A_143 = arith.addi %parallel_loop3A_142, %iota3A : vector<16xi32>
        %parallel_loop3A_144 = arith.constant 512 : i32
        %parallel_loop3A_145 = arith.muli %parallel_loop3A_132, %parallel_loop3A_144 : i32
        %parallel_loop3A_146 = arith.constant 4096 : i32
        %parallel_loop3A_147 = arith.addi %parallel_loop3A_146, %parallel_loop3A_145 : i32
        %parallel_loop3A_148 = arith.constant 0 : i32
        %parallel_loop3A_149 = arith.addi %parallel_loop3A_147, %parallel_loop3A_148 : i32
        %parallel_loop3A_150 = arith.constant 0 : i32
        %parallel_loop3A_151 = vector.broadcast %parallel_loop3A_150 : i32 to vector<16xi32>
        %parallel_loop3A_152 = arith.addi %parallel_loop3A_143, %parallel_loop3A_151 : vector<16xi32>
        %parallel_loop3A_153 = tpu.vector_load_idx %arg7[%parallel_loop3A_152] : memref<51200xf32, #tpu.memory_space<vmem>>[vector<16xi32>], vector<16xf32>,
        %parallel_loop3A_154 = tpu.vector_load_idx %arg8[%parallel_loop3A_152] : memref<51200xf32, #tpu.memory_space<vmem>>[vector<16xi32>], vector<16xf32>,
        %parallel_loop3A_155 = arith.index_cast %parallel_loop3A_149 : i32 to index
        %parallel_loop3A_156 = tpu.vector_load %arg9[%parallel_loop3A_155] {strides = array<i32>} : memref<8192xf32, #tpu.memory_space<vmem>>, vector<16xf32>,
        %parallel_loop3A_157 = arith.mulf %parallel_loop3A_156, %parallel_loop3A_153 : vector<16xf32>
        %parallel_loop3A_158 = arith.addf %parallel_loop3A_157, %parallel_loop3A_154 : vector<16xf32>
        %parallel_loop3A_159 = arith.index_cast %parallel_loop3A_149 : i32 to index
        %parallel_loop3A_160 = tpu.vector_load %arg10[%parallel_loop3A_159] {strides = array<i32>} : memref<8192xf32, #tpu.memory_space<vmem>>, vector<16xf32>,
        tpu.vector_store %arg10[%parallel_loop3A_159], %parallel_loop3A_158 {strides = array<i32>} : memref<8192xf32, #tpu.memory_space<vmem>>, vector<16xf32>,
        %parallel_loop3A_161 = arith.constant 16 : i32
        %parallel_loop3A_162 = arith.addi %parallel_loop3A_147, %parallel_loop3A_161 : i32
        %parallel_loop3A_163 = arith.constant 16 : i32
        %parallel_loop3A_164 = vector.broadcast %parallel_loop3A_163 : i32 to vector<16xi32>
        %parallel_loop3A_165 = arith.addi %parallel_loop3A_143, %parallel_loop3A_164 : vector<16xi32>
        %parallel_loop3A_166 = tpu.vector_load_idx %arg7[%parallel_loop3A_165] : memref<51200xf32, #tpu.memory_space<vmem>>[vector<16xi32>], vector<16xf32>,
        %parallel_loop3A_167 = tpu.vector_load_idx %arg8[%parallel_loop3A_165] : memref<51200xf32, #tpu.memory_space<vmem>>[vector<16xi32>], vector<16xf32>,
        %parallel_loop3A_168 = arith.index_cast %parallel_loop3A_162 : i32 to index
        %parallel_loop3A_169 = tpu.vector_load %arg9[%parallel_loop3A_168] {strides = array<i32>} : memref<8192xf32, #tpu.memory_space<vmem>>, vector<16xf32>,
        %parallel_loop3A_170 = arith.mulf %parallel_loop3A_169, %parallel_loop3A_166 : vector<16xf32>
        %parallel_loop3A_171 = arith.addf %parallel_loop3A_170, %parallel_loop3A_167 : vector<16xf32>
        %parallel_loop3A_172 = arith.index_cast %parallel_loop3A_162 : i32 to index
        %parallel_loop3A_173 = tpu.vector_load %arg10[%parallel_loop3A_172] {strides = array<i32>} : memref<8192xf32, #tpu.memory_space<vmem>>, vector<16xf32>,
        tpu.vector_store %arg10[%parallel_loop3A_172], %parallel_loop3A_171 {strides = array<i32>} : memref<8192xf32, #tpu.memory_space<vmem>>, vector<16xf32>,
        %parallel_loop3A_174 = arith.constant 32 : i32
        %parallel_loop3A_175 = arith.addi %parallel_loop3A_147, %parallel_loop3A_174 : i32
        %parallel_loop3A_176 = arith.constant 32 : i32
        %parallel_loop3A_177 = vector.broadcast %parallel_loop3A_176 : i32 to vector<16xi32>
        %parallel_loop3A_178 = arith.addi %parallel_loop3A_143, %parallel_loop3A_177 : vector<16xi32>
        %parallel_loop3A_179 = tpu.vector_load_idx %arg7[%parallel_loop3A_178] : memref<51200xf32, #tpu.memory_space<vmem>>[vector<16xi32>], vector<16xf32>,
        %parallel_loop3A_180 = tpu.vector_load_idx %arg8[%parallel_loop3A_178] : memref<51200xf32, #tpu.memory_space<vmem>>[vector<16xi32>], vector<16xf32>,
        %parallel_loop3A_181 = arith.index_cast %parallel_loop3A_175 : i32 to index
        %parallel_loop3A_182 = tpu.vector_load %arg9[%parallel_loop3A_181] {strides = array<i32>} : memref<8192xf32, #tpu.memory_space<vmem>>, vector<16xf32>,
        %parallel_loop3A_183 = arith.mulf %parallel_loop3A_182, %parallel_loop3A_179 : vector<16xf32>
        %parallel_loop3A_184 = arith.addf %parallel_loop3A_183, %parallel_loop3A_180 : vector<16xf32>
        %parallel_loop3A_185 = arith.index_cast %parallel_loop3A_175 : i32 to index
        %parallel_loop3A_186 = tpu.vector_load %arg10[%parallel_loop3A_185] {strides = array<i32>} : memref<8192xf32, #tpu.memory_space<vmem>>, vector<16xf32>,
        tpu.vector_store %arg10[%parallel_loop3A_185], %parallel_loop3A_184 {strides = array<i32>} : memref<8192xf32, #tpu.memory_space<vmem>>, vector<16xf32>,
        %parallel_loop3A_187 = arith.constant 48 : i32
        %parallel_loop3A_188 = arith.addi %parallel_loop3A_147, %parallel_loop3A_187 : i32
        %parallel_loop3A_189 = arith.constant 48 : i32
        %parallel_loop3A_190 = vector.broadcast %parallel_loop3A_189 : i32 to vector<16xi32>
        %parallel_loop3A_191 = arith.addi %parallel_loop3A_143, %parallel_loop3A_190 : vector<16xi32>
        %parallel_loop3A_192 = tpu.vector_load_idx %arg7[%parallel_loop3A_191] : memref<51200xf32, #tpu.memory_space<vmem>>[vector<16xi32>], vector<16xf32>,
        %parallel_loop3A_193 = tpu.vector_load_idx %arg8[%parallel_loop3A_191] : memref<51200xf32, #tpu.memory_space<vmem>>[vector<16xi32>], vector<16xf32>,
        %parallel_loop3A_194 = arith.index_cast %parallel_loop3A_188 : i32 to index
        %parallel_loop3A_195 = tpu.vector_load %arg9[%parallel_loop3A_194] {strides = array<i32>} : memref<8192xf32, #tpu.memory_space<vmem>>, vector<16xf32>,
        %parallel_loop3A_196 = arith.mulf %parallel_loop3A_195, %parallel_loop3A_192 : vector<16xf32>
        %parallel_loop3A_197 = arith.addf %parallel_loop3A_196, %parallel_loop3A_193 : vector<16xf32>
        %parallel_loop3A_198 = arith.index_cast %parallel_loop3A_188 : i32 to index
        %parallel_loop3A_199 = tpu.vector_load %arg10[%parallel_loop3A_198] {strides = array<i32>} : memref<8192xf32, #tpu.memory_space<vmem>>, vector<16xf32>,
        tpu.vector_store %arg10[%parallel_loop3A_198], %parallel_loop3A_197 {strides = array<i32>} : memref<8192xf32, #tpu.memory_space<vmem>>, vector<16xf32>,
        %parallel_loop3A_200 = arith.constant 64 : i32
        %parallel_loop3A_201 = arith.addi %parallel_loop3A_147, %parallel_loop3A_200 : i32
        %parallel_loop3A_202 = arith.constant 64 : i32
        %parallel_loop3A_203 = vector.broadcast %parallel_loop3A_202 : i32 to vector<16xi32>
        %parallel_loop3A_204 = arith.addi %parallel_loop3A_143, %parallel_loop3A_203 : vector<16xi32>
        %parallel_loop3A_205 = tpu.vector_load_idx %arg7[%parallel_loop3A_204] : memref<51200xf32, #tpu.memory_space<vmem>>[vector<16xi32>], vector<16xf32>,
        %parallel_loop3A_206 = tpu.vector_load_idx %arg8[%parallel_loop3A_204] : memref<51200xf32, #tpu.memory_space<vmem>>[vector<16xi32>], vector<16xf32>,
        %parallel_loop3A_207 = arith.index_cast %parallel_loop3A_201 : i32 to index
        %parallel_loop3A_208 = tpu.vector_load %arg9[%parallel_loop3A_207] {strides = array<i32>} : memref<8192xf32, #tpu.memory_space<vmem>>, vector<16xf32>,
        %parallel_loop3A_209 = arith.mulf %parallel_loop3A_208, %parallel_loop3A_205 : vector<16xf32>
        %parallel_loop3A_210 = arith.addf %parallel_loop3A_209, %parallel_loop3A_206 : vector<16xf32>
        %parallel_loop3A_211 = arith.index_cast %parallel_loop3A_201 : i32 to index
        %parallel_loop3A_212 = tpu.vector_load %arg10[%parallel_loop3A_211] {strides = array<i32>} : memref<8192xf32, #tpu.memory_space<vmem>>, vector<16xf32>,
        tpu.vector_store %arg10[%parallel_loop3A_211], %parallel_loop3A_210 {strides = array<i32>} : memref<8192xf32, #tpu.memory_space<vmem>>, vector<16xf32>,
        %parallel_loop3A_213 = arith.constant 80 : i32
        %parallel_loop3A_214 = arith.addi %parallel_loop3A_147, %parallel_loop3A_213 : i32
        %parallel_loop3A_215 = arith.constant 80 : i32
        %parallel_loop3A_216 = vector.broadcast %parallel_loop3A_215 : i32 to vector<16xi32>
        %parallel_loop3A_217 = arith.addi %parallel_loop3A_143, %parallel_loop3A_216 : vector<16xi32>
        %parallel_loop3A_218 = tpu.vector_load_idx %arg7[%parallel_loop3A_217] : memref<51200xf32, #tpu.memory_space<vmem>>[vector<16xi32>], vector<16xf32>,
        %parallel_loop3A_219 = tpu.vector_load_idx %arg8[%parallel_loop3A_217] : memref<51200xf32, #tpu.memory_space<vmem>>[vector<16xi32>], vector<16xf32>,
        %parallel_loop3A_220 = arith.index_cast %parallel_loop3A_214 : i32 to index
        %parallel_loop3A_221 = tpu.vector_load %arg9[%parallel_loop3A_220] {strides = array<i32>} : memref<8192xf32, #tpu.memory_space<vmem>>, vector<16xf32>,
        %parallel_loop3A_222 = arith.mulf %parallel_loop3A_221, %parallel_loop3A_218 : vector<16xf32>
        %parallel_loop3A_223 = arith.addf %parallel_loop3A_222, %parallel_loop3A_219 : vector<16xf32>
        %parallel_loop3A_224 = arith.index_cast %parallel_loop3A_214 : i32 to index
        %parallel_loop3A_225 = tpu.vector_load %arg10[%parallel_loop3A_224] {strides = array<i32>} : memref<8192xf32, #tpu.memory_space<vmem>>, vector<16xf32>,
        tpu.vector_store %arg10[%parallel_loop3A_224], %parallel_loop3A_223 {strides = array<i32>} : memref<8192xf32, #tpu.memory_space<vmem>>, vector<16xf32>,
        %parallel_loop3A_226 = arith.constant 96 : i32
        %parallel_loop3A_227 = arith.addi %parallel_loop3A_147, %parallel_loop3A_226 : i32
        %parallel_loop3A_228 = arith.constant 96 : i32
        %parallel_loop3A_229 = vector.broadcast %parallel_loop3A_228 : i32 to vector<16xi32>
        %parallel_loop3A_230 = arith.addi %parallel_loop3A_143, %parallel_loop3A_229 : vector<16xi32>
        %parallel_loop3A_231 = tpu.vector_load_idx %arg7[%parallel_loop3A_230] : memref<51200xf32, #tpu.memory_space<vmem>>[vector<16xi32>], vector<16xf32>,
        %parallel_loop3A_232 = tpu.vector_load_idx %arg8[%parallel_loop3A_230] : memref<51200xf32, #tpu.memory_space<vmem>>[vector<16xi32>], vector<16xf32>,
        %parallel_loop3A_233 = arith.index_cast %parallel_loop3A_227 : i32 to index
        %parallel_loop3A_234 = tpu.vector_load %arg9[%parallel_loop3A_233] {strides = array<i32>} : memref<8192xf32, #tpu.memory_space<vmem>>, vector<16xf32>,
        %parallel_loop3A_235 = arith.mulf %parallel_loop3A_234, %parallel_loop3A_231 : vector<16xf32>
        %parallel_loop3A_236 = arith.addf %parallel_loop3A_235, %parallel_loop3A_232 : vector<16xf32>
        %parallel_loop3A_237 = arith.index_cast %parallel_loop3A_227 : i32 to index
        %parallel_loop3A_238 = tpu.vector_load %arg10[%parallel_loop3A_237] {strides = array<i32>} : memref<8192xf32, #tpu.memory_space<vmem>>, vector<16xf32>,
        tpu.vector_store %arg10[%parallel_loop3A_237], %parallel_loop3A_236 {strides = array<i32>} : memref<8192xf32, #tpu.memory_space<vmem>>, vector<16xf32>,
        %parallel_loop3A_239 = arith.constant 112 : i32
        %parallel_loop3A_240 = arith.addi %parallel_loop3A_147, %parallel_loop3A_239 : i32
        %parallel_loop3A_241 = arith.constant 112 : i32
        %parallel_loop3A_242 = vector.broadcast %parallel_loop3A_241 : i32 to vector<16xi32>
        %parallel_loop3A_243 = arith.addi %parallel_loop3A_143, %parallel_loop3A_242 : vector<16xi32>
        %parallel_loop3A_244 = tpu.vector_load_idx %arg7[%parallel_loop3A_243] : memref<51200xf32, #tpu.memory_space<vmem>>[vector<16xi32>], vector<16xf32>,
        %parallel_loop3A_245 = tpu.vector_load_idx %arg8[%parallel_loop3A_243] : memref<51200xf32, #tpu.memory_space<vmem>>[vector<16xi32>], vector<16xf32>,
        %parallel_loop3A_246 = arith.index_cast %parallel_loop3A_240 : i32 to index
        %parallel_loop3A_247 = tpu.vector_load %arg9[%parallel_loop3A_246] {strides = array<i32>} : memref<8192xf32, #tpu.memory_space<vmem>>, vector<16xf32>,
        %parallel_loop3A_248 = arith.mulf %parallel_loop3A_247, %parallel_loop3A_244 : vector<16xf32>
        %parallel_loop3A_249 = arith.addf %parallel_loop3A_248, %parallel_loop3A_245 : vector<16xf32>
        %parallel_loop3A_250 = arith.index_cast %parallel_loop3A_240 : i32 to index
        %parallel_loop3A_251 = tpu.vector_load %arg10[%parallel_loop3A_250] {strides = array<i32>} : memref<8192xf32, #tpu.memory_space<vmem>>, vector<16xf32>,
        tpu.vector_store %arg10[%parallel_loop3A_250], %parallel_loop3A_249 {strides = array<i32>} : memref<8192xf32, #tpu.memory_space<vmem>>, vector<16xf32>,
        %parallel_loop3A_252 = arith.constant 128 : i32
        %parallel_loop3A_253 = arith.addi %parallel_loop3A_147, %parallel_loop3A_252 : i32
        %parallel_loop3A_254 = arith.constant 128 : i32
        %parallel_loop3A_255 = vector.broadcast %parallel_loop3A_254 : i32 to vector<16xi32>
        %parallel_loop3A_256 = arith.addi %parallel_loop3A_143, %parallel_loop3A_255 : vector<16xi32>
        %parallel_loop3A_257 = tpu.vector_load_idx %arg7[%parallel_loop3A_256] : memref<51200xf32, #tpu.memory_space<vmem>>[vector<16xi32>], vector<16xf32>,
        %parallel_loop3A_258 = tpu.vector_load_idx %arg8[%parallel_loop3A_256] : memref<51200xf32, #tpu.memory_space<vmem>>[vector<16xi32>], vector<16xf32>,
        %parallel_loop3A_259 = arith.index_cast %parallel_loop3A_253 : i32 to index
        %parallel_loop3A_260 = tpu.vector_load %arg9[%parallel_loop3A_259] {strides = array<i32>} : memref<8192xf32, #tpu.memory_space<vmem>>, vector<16xf32>,
        %parallel_loop3A_261 = arith.mulf %parallel_loop3A_260, %parallel_loop3A_257 : vector<16xf32>
        %parallel_loop3A_262 = arith.addf %parallel_loop3A_261, %parallel_loop3A_258 : vector<16xf32>
        %parallel_loop3A_263 = arith.index_cast %parallel_loop3A_253 : i32 to index
        %parallel_loop3A_264 = tpu.vector_load %arg10[%parallel_loop3A_263] {strides = array<i32>} : memref<8192xf32, #tpu.memory_space<vmem>>, vector<16xf32>,
        tpu.vector_store %arg10[%parallel_loop3A_263], %parallel_loop3A_262 {strides = array<i32>} : memref<8192xf32, #tpu.memory_space<vmem>>, vector<16xf32>,
        %parallel_loop3A_265 = arith.constant 144 : i32
        %parallel_loop3A_266 = arith.addi %parallel_loop3A_147, %parallel_loop3A_265 : i32
        %parallel_loop3A_267 = arith.constant 144 : i32
        %parallel_loop3A_268 = vector.broadcast %parallel_loop3A_267 : i32 to vector<16xi32>
        %parallel_loop3A_269 = arith.addi %parallel_loop3A_143, %parallel_loop3A_268 : vector<16xi32>
        %parallel_loop3A_270 = tpu.vector_load_idx %arg7[%parallel_loop3A_269] : memref<51200xf32, #tpu.memory_space<vmem>>[vector<16xi32>], vector<16xf32>,
        %parallel_loop3A_271 = tpu.vector_load_idx %arg8[%parallel_loop3A_269] : memref<51200xf32, #tpu.memory_space<vmem>>[vector<16xi32>], vector<16xf32>,
        %parallel_loop3A_272 = arith.index_cast %parallel_loop3A_266 : i32 to index
        %parallel_loop3A_273 = tpu.vector_load %arg9[%parallel_loop3A_272] {strides = array<i32>} : memref<8192xf32, #tpu.memory_space<vmem>>, vector<16xf32>,
        %parallel_loop3A_274 = arith.mulf %parallel_loop3A_273, %parallel_loop3A_270 : vector<16xf32>
        %parallel_loop3A_275 = arith.addf %parallel_loop3A_274, %parallel_loop3A_271 : vector<16xf32>
        %parallel_loop3A_276 = arith.index_cast %parallel_loop3A_266 : i32 to index
        %parallel_loop3A_277 = tpu.vector_load %arg10[%parallel_loop3A_276] {strides = array<i32>} : memref<8192xf32, #tpu.memory_space<vmem>>, vector<16xf32>,
        tpu.vector_store %arg10[%parallel_loop3A_276], %parallel_loop3A_275 {strides = array<i32>} : memref<8192xf32, #tpu.memory_space<vmem>>, vector<16xf32>,
        %parallel_loop3A_278 = arith.constant 160 : i32
        %parallel_loop3A_279 = arith.addi %parallel_loop3A_147, %parallel_loop3A_278 : i32
        %parallel_loop3A_280 = arith.constant 160 : i32
        %parallel_loop3A_281 = vector.broadcast %parallel_loop3A_280 : i32 to vector<16xi32>
        %parallel_loop3A_282 = arith.addi %parallel_loop3A_143, %parallel_loop3A_281 : vector<16xi32>
        %parallel_loop3A_283 = tpu.vector_load_idx %arg7[%parallel_loop3A_282] : memref<51200xf32, #tpu.memory_space<vmem>>[vector<16xi32>], vector<16xf32>,
        %parallel_loop3A_284 = tpu.vector_load_idx %arg8[%parallel_loop3A_282] : memref<51200xf32, #tpu.memory_space<vmem>>[vector<16xi32>], vector<16xf32>,
        %parallel_loop3A_285 = arith.index_cast %parallel_loop3A_279 : i32 to index
        %parallel_loop3A_286 = tpu.vector_load %arg9[%parallel_loop3A_285] {strides = array<i32>} : memref<8192xf32, #tpu.memory_space<vmem>>, vector<16xf32>,
        %parallel_loop3A_287 = arith.mulf %parallel_loop3A_286, %parallel_loop3A_283 : vector<16xf32>
        %parallel_loop3A_288 = arith.addf %parallel_loop3A_287, %parallel_loop3A_284 : vector<16xf32>
        %parallel_loop3A_289 = arith.index_cast %parallel_loop3A_279 : i32 to index
        %parallel_loop3A_290 = tpu.vector_load %arg10[%parallel_loop3A_289] {strides = array<i32>} : memref<8192xf32, #tpu.memory_space<vmem>>, vector<16xf32>,
        tpu.vector_store %arg10[%parallel_loop3A_289], %parallel_loop3A_288 {strides = array<i32>} : memref<8192xf32, #tpu.memory_space<vmem>>, vector<16xf32>,
        %parallel_loop3A_291 = arith.constant 176 : i32
        %parallel_loop3A_292 = arith.addi %parallel_loop3A_147, %parallel_loop3A_291 : i32
        %parallel_loop3A_293 = arith.constant 176 : i32
        %parallel_loop3A_294 = vector.broadcast %parallel_loop3A_293 : i32 to vector<16xi32>
        %parallel_loop3A_295 = arith.addi %parallel_loop3A_143, %parallel_loop3A_294 : vector<16xi32>
        %parallel_loop3A_296 = tpu.vector_load_idx %arg7[%parallel_loop3A_295] : memref<51200xf32, #tpu.memory_space<vmem>>[vector<16xi32>], vector<16xf32>,
        %parallel_loop3A_297 = tpu.vector_load_idx %arg8[%parallel_loop3A_295] : memref<51200xf32, #tpu.memory_space<vmem>>[vector<16xi32>], vector<16xf32>,
        %parallel_loop3A_298 = arith.index_cast %parallel_loop3A_292 : i32 to index
        %parallel_loop3A_299 = tpu.vector_load %arg9[%parallel_loop3A_298] {strides = array<i32>} : memref<8192xf32, #tpu.memory_space<vmem>>, vector<16xf32>,
        %parallel_loop3A_300 = arith.mulf %parallel_loop3A_299, %parallel_loop3A_296 : vector<16xf32>
        %parallel_loop3A_301 = arith.addf %parallel_loop3A_300, %parallel_loop3A_297 : vector<16xf32>
        %parallel_loop3A_302 = arith.index_cast %parallel_loop3A_292 : i32 to index
        %parallel_loop3A_303 = tpu.vector_load %arg10[%parallel_loop3A_302] {strides = array<i32>} : memref<8192xf32, #tpu.memory_space<vmem>>, vector<16xf32>,
        tpu.vector_store %arg10[%parallel_loop3A_302], %parallel_loop3A_301 {strides = array<i32>} : memref<8192xf32, #tpu.memory_space<vmem>>, vector<16xf32>,
        %parallel_loop3A_304 = arith.constant 192 : i32
        %parallel_loop3A_305 = arith.addi %parallel_loop3A_147, %parallel_loop3A_304 : i32
        %parallel_loop3A_306 = arith.constant 192 : i32
        %parallel_loop3A_307 = vector.broadcast %parallel_loop3A_306 : i32 to vector<16xi32>
        %parallel_loop3A_308 = arith.addi %parallel_loop3A_143, %parallel_loop3A_307 : vector<16xi32>
        %parallel_loop3A_309 = tpu.vector_load_idx %arg7[%parallel_loop3A_308] : memref<51200xf32, #tpu.memory_space<vmem>>[vector<16xi32>], vector<16xf32>,
        %parallel_loop3A_310 = tpu.vector_load_idx %arg8[%parallel_loop3A_308] : memref<51200xf32, #tpu.memory_space<vmem>>[vector<16xi32>], vector<16xf32>,
        %parallel_loop3A_311 = arith.index_cast %parallel_loop3A_305 : i32 to index
        %parallel_loop3A_312 = tpu.vector_load %arg9[%parallel_loop3A_311] {strides = array<i32>} : memref<8192xf32, #tpu.memory_space<vmem>>, vector<16xf32>,
        %parallel_loop3A_313 = arith.mulf %parallel_loop3A_312, %parallel_loop3A_309 : vector<16xf32>
        %parallel_loop3A_314 = arith.addf %parallel_loop3A_313, %parallel_loop3A_310 : vector<16xf32>
        %parallel_loop3A_315 = arith.index_cast %parallel_loop3A_305 : i32 to index
        %parallel_loop3A_316 = tpu.vector_load %arg10[%parallel_loop3A_315] {strides = array<i32>} : memref<8192xf32, #tpu.memory_space<vmem>>, vector<16xf32>,
        tpu.vector_store %arg10[%parallel_loop3A_315], %parallel_loop3A_314 {strides = array<i32>} : memref<8192xf32, #tpu.memory_space<vmem>>, vector<16xf32>,
        %parallel_loop3A_317 = arith.constant 208 : i32
        %parallel_loop3A_318 = arith.addi %parallel_loop3A_147, %parallel_loop3A_317 : i32
        %parallel_loop3A_319 = arith.constant 208 : i32
        %parallel_loop3A_320 = vector.broadcast %parallel_loop3A_319 : i32 to vector<16xi32>
        %parallel_loop3A_321 = arith.addi %parallel_loop3A_143, %parallel_loop3A_320 : vector<16xi32>
        %parallel_loop3A_322 = tpu.vector_load_idx %arg7[%parallel_loop3A_321] : memref<51200xf32, #tpu.memory_space<vmem>>[vector<16xi32>], vector<16xf32>,
        %parallel_loop3A_323 = tpu.vector_load_idx %arg8[%parallel_loop3A_321] : memref<51200xf32, #tpu.memory_space<vmem>>[vector<16xi32>], vector<16xf32>,
        %parallel_loop3A_324 = arith.index_cast %parallel_loop3A_318 : i32 to index
        %parallel_loop3A_325 = tpu.vector_load %arg9[%parallel_loop3A_324] {strides = array<i32>} : memref<8192xf32, #tpu.memory_space<vmem>>, vector<16xf32>,
        %parallel_loop3A_326 = arith.mulf %parallel_loop3A_325, %parallel_loop3A_322 : vector<16xf32>
        %parallel_loop3A_327 = arith.addf %parallel_loop3A_326, %parallel_loop3A_323 : vector<16xf32>
        %parallel_loop3A_328 = arith.index_cast %parallel_loop3A_318 : i32 to index
        %parallel_loop3A_329 = tpu.vector_load %arg10[%parallel_loop3A_328] {strides = array<i32>} : memref<8192xf32, #tpu.memory_space<vmem>>, vector<16xf32>,
        tpu.vector_store %arg10[%parallel_loop3A_328], %parallel_loop3A_327 {strides = array<i32>} : memref<8192xf32, #tpu.memory_space<vmem>>, vector<16xf32>,
        %parallel_loop3A_330 = arith.constant 224 : i32
        %parallel_loop3A_331 = arith.addi %parallel_loop3A_147, %parallel_loop3A_330 : i32
        %parallel_loop3A_332 = arith.constant 224 : i32
        %parallel_loop3A_333 = vector.broadcast %parallel_loop3A_332 : i32 to vector<16xi32>
        %parallel_loop3A_334 = arith.addi %parallel_loop3A_143, %parallel_loop3A_333 : vector<16xi32>
        %parallel_loop3A_335 = tpu.vector_load_idx %arg7[%parallel_loop3A_334] : memref<51200xf32, #tpu.memory_space<vmem>>[vector<16xi32>], vector<16xf32>,
        %parallel_loop3A_336 = tpu.vector_load_idx %arg8[%parallel_loop3A_334] : memref<51200xf32, #tpu.memory_space<vmem>>[vector<16xi32>], vector<16xf32>,
        %parallel_loop3A_337 = arith.index_cast %parallel_loop3A_331 : i32 to index
        %parallel_loop3A_338 = tpu.vector_load %arg9[%parallel_loop3A_337] {strides = array<i32>} : memref<8192xf32, #tpu.memory_space<vmem>>, vector<16xf32>,
        %parallel_loop3A_339 = arith.mulf %parallel_loop3A_338, %parallel_loop3A_335 : vector<16xf32>
        %parallel_loop3A_340 = arith.addf %parallel_loop3A_339, %parallel_loop3A_336 : vector<16xf32>
        %parallel_loop3A_341 = arith.index_cast %parallel_loop3A_331 : i32 to index
        %parallel_loop3A_342 = tpu.vector_load %arg10[%parallel_loop3A_341] {strides = array<i32>} : memref<8192xf32, #tpu.memory_space<vmem>>, vector<16xf32>,
        tpu.vector_store %arg10[%parallel_loop3A_341], %parallel_loop3A_340 {strides = array<i32>} : memref<8192xf32, #tpu.memory_space<vmem>>, vector<16xf32>,
        %parallel_loop3A_343 = arith.constant 240 : i32
        %parallel_loop3A_344 = arith.addi %parallel_loop3A_147, %parallel_loop3A_343 : i32
        %parallel_loop3A_345 = arith.constant 240 : i32
        %parallel_loop3A_346 = vector.broadcast %parallel_loop3A_345 : i32 to vector<16xi32>
        %parallel_loop3A_347 = arith.addi %parallel_loop3A_143, %parallel_loop3A_346 : vector<16xi32>
        %parallel_loop3A_348 = tpu.vector_load_idx %arg7[%parallel_loop3A_347] : memref<51200xf32, #tpu.memory_space<vmem>>[vector<16xi32>], vector<16xf32>,
        %parallel_loop3A_349 = tpu.vector_load_idx %arg8[%parallel_loop3A_347] : memref<51200xf32, #tpu.memory_space<vmem>>[vector<16xi32>], vector<16xf32>,
        %parallel_loop3A_350 = arith.index_cast %parallel_loop3A_344 : i32 to index
        %parallel_loop3A_351 = tpu.vector_load %arg9[%parallel_loop3A_350] {strides = array<i32>} : memref<8192xf32, #tpu.memory_space<vmem>>, vector<16xf32>,
        %parallel_loop3A_352 = arith.mulf %parallel_loop3A_351, %parallel_loop3A_348 : vector<16xf32>
        %parallel_loop3A_353 = arith.addf %parallel_loop3A_352, %parallel_loop3A_349 : vector<16xf32>
        %parallel_loop3A_354 = arith.index_cast %parallel_loop3A_344 : i32 to index
        %parallel_loop3A_355 = tpu.vector_load %arg10[%parallel_loop3A_354] {strides = array<i32>} : memref<8192xf32, #tpu.memory_space<vmem>>, vector<16xf32>,
        tpu.vector_store %arg10[%parallel_loop3A_354], %parallel_loop3A_353 {strides = array<i32>} : memref<8192xf32, #tpu.memory_space<vmem>>, vector<16xf32>,
        %parallel_loop3A_356 = arith.constant 256 : i32
        %parallel_loop3A_357 = arith.addi %parallel_loop3A_147, %parallel_loop3A_356 : i32
        %parallel_loop3A_358 = arith.constant 256 : i32
        %parallel_loop3A_359 = vector.broadcast %parallel_loop3A_358 : i32 to vector<16xi32>
        %parallel_loop3A_360 = arith.addi %parallel_loop3A_143, %parallel_loop3A_359 : vector<16xi32>
        %parallel_loop3A_361 = tpu.vector_load_idx %arg7[%parallel_loop3A_360] : memref<51200xf32, #tpu.memory_space<vmem>>[vector<16xi32>], vector<16xf32>,
        %parallel_loop3A_362 = tpu.vector_load_idx %arg8[%parallel_loop3A_360] : memref<51200xf32, #tpu.memory_space<vmem>>[vector<16xi32>], vector<16xf32>,
        %parallel_loop3A_363 = arith.index_cast %parallel_loop3A_357 : i32 to index
        %parallel_loop3A_364 = tpu.vector_load %arg9[%parallel_loop3A_363] {strides = array<i32>} : memref<8192xf32, #tpu.memory_space<vmem>>, vector<16xf32>,
        %parallel_loop3A_365 = arith.mulf %parallel_loop3A_364, %parallel_loop3A_361 : vector<16xf32>
        %parallel_loop3A_366 = arith.addf %parallel_loop3A_365, %parallel_loop3A_362 : vector<16xf32>
        %parallel_loop3A_367 = arith.index_cast %parallel_loop3A_357 : i32 to index
        %parallel_loop3A_368 = tpu.vector_load %arg10[%parallel_loop3A_367] {strides = array<i32>} : memref<8192xf32, #tpu.memory_space<vmem>>, vector<16xf32>,
        tpu.vector_store %arg10[%parallel_loop3A_367], %parallel_loop3A_366 {strides = array<i32>} : memref<8192xf32, #tpu.memory_space<vmem>>, vector<16xf32>,
        %parallel_loop3A_369 = arith.constant 272 : i32
        %parallel_loop3A_370 = arith.addi %parallel_loop3A_147, %parallel_loop3A_369 : i32
        %parallel_loop3A_371 = arith.constant 272 : i32
        %parallel_loop3A_372 = vector.broadcast %parallel_loop3A_371 : i32 to vector<16xi32>
        %parallel_loop3A_373 = arith.addi %parallel_loop3A_143, %parallel_loop3A_372 : vector<16xi32>
        %parallel_loop3A_374 = tpu.vector_load_idx %arg7[%parallel_loop3A_373] : memref<51200xf32, #tpu.memory_space<vmem>>[vector<16xi32>], vector<16xf32>,
        %parallel_loop3A_375 = tpu.vector_load_idx %arg8[%parallel_loop3A_373] : memref<51200xf32, #tpu.memory_space<vmem>>[vector<16xi32>], vector<16xf32>,
        %parallel_loop3A_376 = arith.index_cast %parallel_loop3A_370 : i32 to index
        %parallel_loop3A_377 = tpu.vector_load %arg9[%parallel_loop3A_376] {strides = array<i32>} : memref<8192xf32, #tpu.memory_space<vmem>>, vector<16xf32>,
        %parallel_loop3A_378 = arith.mulf %parallel_loop3A_377, %parallel_loop3A_374 : vector<16xf32>
        %parallel_loop3A_379 = arith.addf %parallel_loop3A_378, %parallel_loop3A_375 : vector<16xf32>
        %parallel_loop3A_380 = arith.index_cast %parallel_loop3A_370 : i32 to index
        %parallel_loop3A_381 = tpu.vector_load %arg10[%parallel_loop3A_380] {strides = array<i32>} : memref<8192xf32, #tpu.memory_space<vmem>>, vector<16xf32>,
        tpu.vector_store %arg10[%parallel_loop3A_380], %parallel_loop3A_379 {strides = array<i32>} : memref<8192xf32, #tpu.memory_space<vmem>>, vector<16xf32>,
        %parallel_loop3A_382 = arith.constant 288 : i32
        %parallel_loop3A_383 = arith.addi %parallel_loop3A_147, %parallel_loop3A_382 : i32
        %parallel_loop3A_384 = arith.constant 288 : i32
        %parallel_loop3A_385 = vector.broadcast %parallel_loop3A_384 : i32 to vector<16xi32>
        %parallel_loop3A_386 = arith.addi %parallel_loop3A_143, %parallel_loop3A_385 : vector<16xi32>
        %parallel_loop3A_387 = tpu.vector_load_idx %arg7[%parallel_loop3A_386] : memref<51200xf32, #tpu.memory_space<vmem>>[vector<16xi32>], vector<16xf32>,
        %parallel_loop3A_388 = tpu.vector_load_idx %arg8[%parallel_loop3A_386] : memref<51200xf32, #tpu.memory_space<vmem>>[vector<16xi32>], vector<16xf32>,
        %parallel_loop3A_389 = arith.index_cast %parallel_loop3A_383 : i32 to index
        %parallel_loop3A_390 = tpu.vector_load %arg9[%parallel_loop3A_389] {strides = array<i32>} : memref<8192xf32, #tpu.memory_space<vmem>>, vector<16xf32>,
        %parallel_loop3A_391 = arith.mulf %parallel_loop3A_390, %parallel_loop3A_387 : vector<16xf32>
        %parallel_loop3A_392 = arith.addf %parallel_loop3A_391, %parallel_loop3A_388 : vector<16xf32>
        %parallel_loop3A_393 = arith.index_cast %parallel_loop3A_383 : i32 to index
        %parallel_loop3A_394 = tpu.vector_load %arg10[%parallel_loop3A_393] {strides = array<i32>} : memref<8192xf32, #tpu.memory_space<vmem>>, vector<16xf32>,
        tpu.vector_store %arg10[%parallel_loop3A_393], %parallel_loop3A_392 {strides = array<i32>} : memref<8192xf32, #tpu.memory_space<vmem>>, vector<16xf32>,
        %parallel_loop3A_395 = arith.constant 304 : i32
        %parallel_loop3A_396 = arith.addi %parallel_loop3A_147, %parallel_loop3A_395 : i32
        %parallel_loop3A_397 = arith.constant 304 : i32
        %parallel_loop3A_398 = vector.broadcast %parallel_loop3A_397 : i32 to vector<16xi32>
        %parallel_loop3A_399 = arith.addi %parallel_loop3A_143, %parallel_loop3A_398 : vector<16xi32>
        %parallel_loop3A_400 = tpu.vector_load_idx %arg7[%parallel_loop3A_399] : memref<51200xf32, #tpu.memory_space<vmem>>[vector<16xi32>], vector<16xf32>,
        %parallel_loop3A_401 = tpu.vector_load_idx %arg8[%parallel_loop3A_399] : memref<51200xf32, #tpu.memory_space<vmem>>[vector<16xi32>], vector<16xf32>,
        %parallel_loop3A_402 = arith.index_cast %parallel_loop3A_396 : i32 to index
        %parallel_loop3A_403 = tpu.vector_load %arg9[%parallel_loop3A_402] {strides = array<i32>} : memref<8192xf32, #tpu.memory_space<vmem>>, vector<16xf32>,
        %parallel_loop3A_404 = arith.mulf %parallel_loop3A_403, %parallel_loop3A_400 : vector<16xf32>
        %parallel_loop3A_405 = arith.addf %parallel_loop3A_404, %parallel_loop3A_401 : vector<16xf32>
        %parallel_loop3A_406 = arith.index_cast %parallel_loop3A_396 : i32 to index
        %parallel_loop3A_407 = tpu.vector_load %arg10[%parallel_loop3A_406] {strides = array<i32>} : memref<8192xf32, #tpu.memory_space<vmem>>, vector<16xf32>,
        tpu.vector_store %arg10[%parallel_loop3A_406], %parallel_loop3A_405 {strides = array<i32>} : memref<8192xf32, #tpu.memory_space<vmem>>, vector<16xf32>,
        %parallel_loop3A_408 = arith.constant 320 : i32
        %parallel_loop3A_409 = arith.addi %parallel_loop3A_147, %parallel_loop3A_408 : i32
        %parallel_loop3A_410 = arith.constant 320 : i32
        %parallel_loop3A_411 = vector.broadcast %parallel_loop3A_410 : i32 to vector<16xi32>
        %parallel_loop3A_412 = arith.addi %parallel_loop3A_143, %parallel_loop3A_411 : vector<16xi32>
        %parallel_loop3A_413 = tpu.vector_load_idx %arg7[%parallel_loop3A_412] : memref<51200xf32, #tpu.memory_space<vmem>>[vector<16xi32>], vector<16xf32>,
        %parallel_loop3A_414 = tpu.vector_load_idx %arg8[%parallel_loop3A_412] : memref<51200xf32, #tpu.memory_space<vmem>>[vector<16xi32>], vector<16xf32>,
        %parallel_loop3A_415 = arith.index_cast %parallel_loop3A_409 : i32 to index
        %parallel_loop3A_416 = tpu.vector_load %arg9[%parallel_loop3A_415] {strides = array<i32>} : memref<8192xf32, #tpu.memory_space<vmem>>, vector<16xf32>,
        %parallel_loop3A_417 = arith.mulf %parallel_loop3A_416, %parallel_loop3A_413 : vector<16xf32>
        %parallel_loop3A_418 = arith.addf %parallel_loop3A_417, %parallel_loop3A_414 : vector<16xf32>
        %parallel_loop3A_419 = arith.index_cast %parallel_loop3A_409 : i32 to index
        %parallel_loop3A_420 = tpu.vector_load %arg10[%parallel_loop3A_419] {strides = array<i32>} : memref<8192xf32, #tpu.memory_space<vmem>>, vector<16xf32>,
        tpu.vector_store %arg10[%parallel_loop3A_419], %parallel_loop3A_418 {strides = array<i32>} : memref<8192xf32, #tpu.memory_space<vmem>>, vector<16xf32>,
        %parallel_loop3A_421 = arith.constant 336 : i32
        %parallel_loop3A_422 = arith.addi %parallel_loop3A_147, %parallel_loop3A_421 : i32
        %parallel_loop3A_423 = arith.constant 336 : i32
        %parallel_loop3A_424 = vector.broadcast %parallel_loop3A_423 : i32 to vector<16xi32>
        %parallel_loop3A_425 = arith.addi %parallel_loop3A_143, %parallel_loop3A_424 : vector<16xi32>
        %parallel_loop3A_426 = tpu.vector_load_idx %arg7[%parallel_loop3A_425] : memref<51200xf32, #tpu.memory_space<vmem>>[vector<16xi32>], vector<16xf32>,
        %parallel_loop3A_427 = tpu.vector_load_idx %arg8[%parallel_loop3A_425] : memref<51200xf32, #tpu.memory_space<vmem>>[vector<16xi32>], vector<16xf32>,
        %parallel_loop3A_428 = arith.index_cast %parallel_loop3A_422 : i32 to index
        %parallel_loop3A_429 = tpu.vector_load %arg9[%parallel_loop3A_428] {strides = array<i32>} : memref<8192xf32, #tpu.memory_space<vmem>>, vector<16xf32>,
        %parallel_loop3A_430 = arith.mulf %parallel_loop3A_429, %parallel_loop3A_426 : vector<16xf32>
        %parallel_loop3A_431 = arith.addf %parallel_loop3A_430, %parallel_loop3A_427 : vector<16xf32>
        %parallel_loop3A_432 = arith.index_cast %parallel_loop3A_422 : i32 to index
        %parallel_loop3A_433 = tpu.vector_load %arg10[%parallel_loop3A_432] {strides = array<i32>} : memref<8192xf32, #tpu.memory_space<vmem>>, vector<16xf32>,
        tpu.vector_store %arg10[%parallel_loop3A_432], %parallel_loop3A_431 {strides = array<i32>} : memref<8192xf32, #tpu.memory_space<vmem>>, vector<16xf32>,
        %parallel_loop3A_434 = arith.constant 352 : i32
        %parallel_loop3A_435 = arith.addi %parallel_loop3A_147, %parallel_loop3A_434 : i32
        %parallel_loop3A_436 = arith.constant 352 : i32
        %parallel_loop3A_437 = vector.broadcast %parallel_loop3A_436 : i32 to vector<16xi32>
        %parallel_loop3A_438 = arith.addi %parallel_loop3A_143, %parallel_loop3A_437 : vector<16xi32>
        %parallel_loop3A_439 = tpu.vector_load_idx %arg7[%parallel_loop3A_438] : memref<51200xf32, #tpu.memory_space<vmem>>[vector<16xi32>], vector<16xf32>,
        %parallel_loop3A_440 = tpu.vector_load_idx %arg8[%parallel_loop3A_438] : memref<51200xf32, #tpu.memory_space<vmem>>[vector<16xi32>], vector<16xf32>,
        %parallel_loop3A_441 = arith.index_cast %parallel_loop3A_435 : i32 to index
        %parallel_loop3A_442 = tpu.vector_load %arg9[%parallel_loop3A_441] {strides = array<i32>} : memref<8192xf32, #tpu.memory_space<vmem>>, vector<16xf32>,
        %parallel_loop3A_443 = arith.mulf %parallel_loop3A_442, %parallel_loop3A_439 : vector<16xf32>
        %parallel_loop3A_444 = arith.addf %parallel_loop3A_443, %parallel_loop3A_440 : vector<16xf32>
        %parallel_loop3A_445 = arith.index_cast %parallel_loop3A_435 : i32 to index
        %parallel_loop3A_446 = tpu.vector_load %arg10[%parallel_loop3A_445] {strides = array<i32>} : memref<8192xf32, #tpu.memory_space<vmem>>, vector<16xf32>,
        tpu.vector_store %arg10[%parallel_loop3A_445], %parallel_loop3A_444 {strides = array<i32>} : memref<8192xf32, #tpu.memory_space<vmem>>, vector<16xf32>,
        %parallel_loop3A_447 = arith.constant 368 : i32
        %parallel_loop3A_448 = arith.addi %parallel_loop3A_147, %parallel_loop3A_447 : i32
        %parallel_loop3A_449 = arith.constant 368 : i32
        %parallel_loop3A_450 = vector.broadcast %parallel_loop3A_449 : i32 to vector<16xi32>
        %parallel_loop3A_451 = arith.addi %parallel_loop3A_143, %parallel_loop3A_450 : vector<16xi32>
        %parallel_loop3A_452 = tpu.vector_load_idx %arg7[%parallel_loop3A_451] : memref<51200xf32, #tpu.memory_space<vmem>>[vector<16xi32>], vector<16xf32>,
        %parallel_loop3A_453 = tpu.vector_load_idx %arg8[%parallel_loop3A_451] : memref<51200xf32, #tpu.memory_space<vmem>>[vector<16xi32>], vector<16xf32>,
        %parallel_loop3A_454 = arith.index_cast %parallel_loop3A_448 : i32 to index
        %parallel_loop3A_455 = tpu.vector_load %arg9[%parallel_loop3A_454] {strides = array<i32>} : memref<8192xf32, #tpu.memory_space<vmem>>, vector<16xf32>,
        %parallel_loop3A_456 = arith.mulf %parallel_loop3A_455, %parallel_loop3A_452 : vector<16xf32>
        %parallel_loop3A_457 = arith.addf %parallel_loop3A_456, %parallel_loop3A_453 : vector<16xf32>
        %parallel_loop3A_458 = arith.index_cast %parallel_loop3A_448 : i32 to index
        %parallel_loop3A_459 = tpu.vector_load %arg10[%parallel_loop3A_458] {strides = array<i32>} : memref<8192xf32, #tpu.memory_space<vmem>>, vector<16xf32>,
        tpu.vector_store %arg10[%parallel_loop3A_458], %parallel_loop3A_457 {strides = array<i32>} : memref<8192xf32, #tpu.memory_space<vmem>>, vector<16xf32>,
        %parallel_loop3A_460 = arith.constant 384 : i32
        %parallel_loop3A_461 = arith.addi %parallel_loop3A_147, %parallel_loop3A_460 : i32
        %parallel_loop3A_462 = arith.constant 384 : i32
        %parallel_loop3A_463 = vector.broadcast %parallel_loop3A_462 : i32 to vector<16xi32>
        %parallel_loop3A_464 = arith.addi %parallel_loop3A_143, %parallel_loop3A_463 : vector<16xi32>
        %parallel_loop3A_465 = tpu.vector_load_idx %arg7[%parallel_loop3A_464] : memref<51200xf32, #tpu.memory_space<vmem>>[vector<16xi32>], vector<16xf32>,
        %parallel_loop3A_466 = tpu.vector_load_idx %arg8[%parallel_loop3A_464] : memref<51200xf32, #tpu.memory_space<vmem>>[vector<16xi32>], vector<16xf32>,
        %parallel_loop3A_467 = arith.index_cast %parallel_loop3A_461 : i32 to index
        %parallel_loop3A_468 = tpu.vector_load %arg9[%parallel_loop3A_467] {strides = array<i32>} : memref<8192xf32, #tpu.memory_space<vmem>>, vector<16xf32>,
        %parallel_loop3A_469 = arith.mulf %parallel_loop3A_468, %parallel_loop3A_465 : vector<16xf32>
        %parallel_loop3A_470 = arith.addf %parallel_loop3A_469, %parallel_loop3A_466 : vector<16xf32>
        %parallel_loop3A_471 = arith.index_cast %parallel_loop3A_461 : i32 to index
        %parallel_loop3A_472 = tpu.vector_load %arg10[%parallel_loop3A_471] {strides = array<i32>} : memref<8192xf32, #tpu.memory_space<vmem>>, vector<16xf32>,
        tpu.vector_store %arg10[%parallel_loop3A_471], %parallel_loop3A_470 {strides = array<i32>} : memref<8192xf32, #tpu.memory_space<vmem>>, vector<16xf32>,
        %parallel_loop3A_473 = arith.constant 400 : i32
        %parallel_loop3A_474 = arith.addi %parallel_loop3A_147, %parallel_loop3A_473 : i32
        %parallel_loop3A_475 = arith.constant 400 : i32
        %parallel_loop3A_476 = vector.broadcast %parallel_loop3A_475 : i32 to vector<16xi32>
        %parallel_loop3A_477 = arith.addi %parallel_loop3A_143, %parallel_loop3A_476 : vector<16xi32>
        %parallel_loop3A_478 = tpu.vector_load_idx %arg7[%parallel_loop3A_477] : memref<51200xf32, #tpu.memory_space<vmem>>[vector<16xi32>], vector<16xf32>,
        %parallel_loop3A_479 = tpu.vector_load_idx %arg8[%parallel_loop3A_477] : memref<51200xf32, #tpu.memory_space<vmem>>[vector<16xi32>], vector<16xf32>,
        %parallel_loop3A_480 = arith.index_cast %parallel_loop3A_474 : i32 to index
        %parallel_loop3A_481 = tpu.vector_load %arg9[%parallel_loop3A_480] {strides = array<i32>} : memref<8192xf32, #tpu.memory_space<vmem>>, vector<16xf32>,
        %parallel_loop3A_482 = arith.mulf %parallel_loop3A_481, %parallel_loop3A_478 : vector<16xf32>
        %parallel_loop3A_483 = arith.addf %parallel_loop3A_482, %parallel_loop3A_479 : vector<16xf32>
        %parallel_loop3A_484 = arith.index_cast %parallel_loop3A_474 : i32 to index
        %parallel_loop3A_485 = tpu.vector_load %arg10[%parallel_loop3A_484] {strides = array<i32>} : memref<8192xf32, #tpu.memory_space<vmem>>, vector<16xf32>,
        tpu.vector_store %arg10[%parallel_loop3A_484], %parallel_loop3A_483 {strides = array<i32>} : memref<8192xf32, #tpu.memory_space<vmem>>, vector<16xf32>,
        %parallel_loop3A_486 = arith.constant 416 : i32
        %parallel_loop3A_487 = arith.addi %parallel_loop3A_147, %parallel_loop3A_486 : i32
        %parallel_loop3A_488 = arith.constant 416 : i32
        %parallel_loop3A_489 = vector.broadcast %parallel_loop3A_488 : i32 to vector<16xi32>
        %parallel_loop3A_490 = arith.addi %parallel_loop3A_143, %parallel_loop3A_489 : vector<16xi32>
        %parallel_loop3A_491 = tpu.vector_load_idx %arg7[%parallel_loop3A_490] : memref<51200xf32, #tpu.memory_space<vmem>>[vector<16xi32>], vector<16xf32>,
        %parallel_loop3A_492 = tpu.vector_load_idx %arg8[%parallel_loop3A_490] : memref<51200xf32, #tpu.memory_space<vmem>>[vector<16xi32>], vector<16xf32>,
        %parallel_loop3A_493 = arith.index_cast %parallel_loop3A_487 : i32 to index
        %parallel_loop3A_494 = tpu.vector_load %arg9[%parallel_loop3A_493] {strides = array<i32>} : memref<8192xf32, #tpu.memory_space<vmem>>, vector<16xf32>,
        %parallel_loop3A_495 = arith.mulf %parallel_loop3A_494, %parallel_loop3A_491 : vector<16xf32>
        %parallel_loop3A_496 = arith.addf %parallel_loop3A_495, %parallel_loop3A_492 : vector<16xf32>
        %parallel_loop3A_497 = arith.index_cast %parallel_loop3A_487 : i32 to index
        %parallel_loop3A_498 = tpu.vector_load %arg10[%parallel_loop3A_497] {strides = array<i32>} : memref<8192xf32, #tpu.memory_space<vmem>>, vector<16xf32>,
        tpu.vector_store %arg10[%parallel_loop3A_497], %parallel_loop3A_496 {strides = array<i32>} : memref<8192xf32, #tpu.memory_space<vmem>>, vector<16xf32>,
        %parallel_loop3A_499 = arith.constant 432 : i32
        %parallel_loop3A_500 = arith.addi %parallel_loop3A_147, %parallel_loop3A_499 : i32
        %parallel_loop3A_501 = arith.constant 432 : i32
        %parallel_loop3A_502 = vector.broadcast %parallel_loop3A_501 : i32 to vector<16xi32>
        %parallel_loop3A_503 = arith.addi %parallel_loop3A_143, %parallel_loop3A_502 : vector<16xi32>
        %parallel_loop3A_504 = tpu.vector_load_idx %arg7[%parallel_loop3A_503] : memref<51200xf32, #tpu.memory_space<vmem>>[vector<16xi32>], vector<16xf32>,
        %parallel_loop3A_505 = tpu.vector_load_idx %arg8[%parallel_loop3A_503] : memref<51200xf32, #tpu.memory_space<vmem>>[vector<16xi32>], vector<16xf32>,
        %parallel_loop3A_506 = arith.index_cast %parallel_loop3A_500 : i32 to index
        %parallel_loop3A_507 = tpu.vector_load %arg9[%parallel_loop3A_506] {strides = array<i32>} : memref<8192xf32, #tpu.memory_space<vmem>>, vector<16xf32>,
        %parallel_loop3A_508 = arith.mulf %parallel_loop3A_507, %parallel_loop3A_504 : vector<16xf32>
        %parallel_loop3A_509 = arith.addf %parallel_loop3A_508, %parallel_loop3A_505 : vector<16xf32>
        %parallel_loop3A_510 = arith.index_cast %parallel_loop3A_500 : i32 to index
        %parallel_loop3A_511 = tpu.vector_load %arg10[%parallel_loop3A_510] {strides = array<i32>} : memref<8192xf32, #tpu.memory_space<vmem>>, vector<16xf32>,
        tpu.vector_store %arg10[%parallel_loop3A_510], %parallel_loop3A_509 {strides = array<i32>} : memref<8192xf32, #tpu.memory_space<vmem>>, vector<16xf32>,
        %parallel_loop3A_512 = arith.constant 448 : i32
        %parallel_loop3A_513 = arith.addi %parallel_loop3A_147, %parallel_loop3A_512 : i32
        %parallel_loop3A_514 = arith.constant 448 : i32
        %parallel_loop3A_515 = vector.broadcast %parallel_loop3A_514 : i32 to vector<16xi32>
        %parallel_loop3A_516 = arith.addi %parallel_loop3A_143, %parallel_loop3A_515 : vector<16xi32>
        %parallel_loop3A_517 = tpu.vector_load_idx %arg7[%parallel_loop3A_516] : memref<51200xf32, #tpu.memory_space<vmem>>[vector<16xi32>], vector<16xf32>,
        %parallel_loop3A_518 = tpu.vector_load_idx %arg8[%parallel_loop3A_516] : memref<51200xf32, #tpu.memory_space<vmem>>[vector<16xi32>], vector<16xf32>,
        %parallel_loop3A_519 = arith.index_cast %parallel_loop3A_513 : i32 to index
        %parallel_loop3A_520 = tpu.vector_load %arg9[%parallel_loop3A_519] {strides = array<i32>} : memref<8192xf32, #tpu.memory_space<vmem>>, vector<16xf32>,
        %parallel_loop3A_521 = arith.mulf %parallel_loop3A_520, %parallel_loop3A_517 : vector<16xf32>
        %parallel_loop3A_522 = arith.addf %parallel_loop3A_521, %parallel_loop3A_518 : vector<16xf32>
        %parallel_loop3A_523 = arith.index_cast %parallel_loop3A_513 : i32 to index
        %parallel_loop3A_524 = tpu.vector_load %arg10[%parallel_loop3A_523] {strides = array<i32>} : memref<8192xf32, #tpu.memory_space<vmem>>, vector<16xf32>,
        tpu.vector_store %arg10[%parallel_loop3A_523], %parallel_loop3A_522 {strides = array<i32>} : memref<8192xf32, #tpu.memory_space<vmem>>, vector<16xf32>,
        %parallel_loop3A_525 = arith.constant 464 : i32
        %parallel_loop3A_526 = arith.addi %parallel_loop3A_147, %parallel_loop3A_525 : i32
        %parallel_loop3A_527 = arith.constant 464 : i32
        %parallel_loop3A_528 = vector.broadcast %parallel_loop3A_527 : i32 to vector<16xi32>
        %parallel_loop3A_529 = arith.addi %parallel_loop3A_143, %parallel_loop3A_528 : vector<16xi32>
        %parallel_loop3A_530 = tpu.vector_load_idx %arg7[%parallel_loop3A_529] : memref<51200xf32, #tpu.memory_space<vmem>>[vector<16xi32>], vector<16xf32>,
        %parallel_loop3A_531 = tpu.vector_load_idx %arg8[%parallel_loop3A_529] : memref<51200xf32, #tpu.memory_space<vmem>>[vector<16xi32>], vector<16xf32>,
        %parallel_loop3A_532 = arith.index_cast %parallel_loop3A_526 : i32 to index
        %parallel_loop3A_533 = tpu.vector_load %arg9[%parallel_loop3A_532] {strides = array<i32>} : memref<8192xf32, #tpu.memory_space<vmem>>, vector<16xf32>,
        %parallel_loop3A_534 = arith.mulf %parallel_loop3A_533, %parallel_loop3A_530 : vector<16xf32>
        %parallel_loop3A_535 = arith.addf %parallel_loop3A_534, %parallel_loop3A_531 : vector<16xf32>
        %parallel_loop3A_536 = arith.index_cast %parallel_loop3A_526 : i32 to index
        %parallel_loop3A_537 = tpu.vector_load %arg10[%parallel_loop3A_536] {strides = array<i32>} : memref<8192xf32, #tpu.memory_space<vmem>>, vector<16xf32>,
        tpu.vector_store %arg10[%parallel_loop3A_536], %parallel_loop3A_535 {strides = array<i32>} : memref<8192xf32, #tpu.memory_space<vmem>>, vector<16xf32>,
        %parallel_loop3A_538 = arith.constant 480 : i32
        %parallel_loop3A_539 = arith.addi %parallel_loop3A_147, %parallel_loop3A_538 : i32
        %parallel_loop3A_540 = arith.constant 480 : i32
        %parallel_loop3A_541 = vector.broadcast %parallel_loop3A_540 : i32 to vector<16xi32>
        %parallel_loop3A_542 = arith.addi %parallel_loop3A_143, %parallel_loop3A_541 : vector<16xi32>
        %parallel_loop3A_543 = tpu.vector_load_idx %arg7[%parallel_loop3A_542] : memref<51200xf32, #tpu.memory_space<vmem>>[vector<16xi32>], vector<16xf32>,
        %parallel_loop3A_544 = tpu.vector_load_idx %arg8[%parallel_loop3A_542] : memref<51200xf32, #tpu.memory_space<vmem>>[vector<16xi32>], vector<16xf32>,
        %parallel_loop3A_545 = arith.index_cast %parallel_loop3A_539 : i32 to index
        %parallel_loop3A_546 = tpu.vector_load %arg9[%parallel_loop3A_545] {strides = array<i32>} : memref<8192xf32, #tpu.memory_space<vmem>>, vector<16xf32>,
        %parallel_loop3A_547 = arith.mulf %parallel_loop3A_546, %parallel_loop3A_543 : vector<16xf32>
        %parallel_loop3A_548 = arith.addf %parallel_loop3A_547, %parallel_loop3A_544 : vector<16xf32>
        %parallel_loop3A_549 = arith.index_cast %parallel_loop3A_539 : i32 to index
        %parallel_loop3A_550 = tpu.vector_load %arg10[%parallel_loop3A_549] {strides = array<i32>} : memref<8192xf32, #tpu.memory_space<vmem>>, vector<16xf32>,
        tpu.vector_store %arg10[%parallel_loop3A_549], %parallel_loop3A_548 {strides = array<i32>} : memref<8192xf32, #tpu.memory_space<vmem>>, vector<16xf32>,
        %parallel_loop3A_551 = arith.constant 496 : i32
        %parallel_loop3A_552 = arith.addi %parallel_loop3A_147, %parallel_loop3A_551 : i32
        %parallel_loop3A_553 = arith.constant 496 : i32
        %parallel_loop3A_554 = vector.broadcast %parallel_loop3A_553 : i32 to vector<16xi32>
        %parallel_loop3A_555 = arith.addi %parallel_loop3A_143, %parallel_loop3A_554 : vector<16xi32>
        %parallel_loop3A_556 = tpu.vector_load_idx %arg7[%parallel_loop3A_555] : memref<51200xf32, #tpu.memory_space<vmem>>[vector<16xi32>], vector<16xf32>,
        %parallel_loop3A_557 = tpu.vector_load_idx %arg8[%parallel_loop3A_555] : memref<51200xf32, #tpu.memory_space<vmem>>[vector<16xi32>], vector<16xf32>,
        %parallel_loop3A_558 = arith.index_cast %parallel_loop3A_552 : i32 to index
        %parallel_loop3A_559 = tpu.vector_load %arg9[%parallel_loop3A_558] {strides = array<i32>} : memref<8192xf32, #tpu.memory_space<vmem>>, vector<16xf32>,
        %parallel_loop3A_560 = arith.mulf %parallel_loop3A_559, %parallel_loop3A_556 : vector<16xf32>
        %parallel_loop3A_561 = arith.addf %parallel_loop3A_560, %parallel_loop3A_557 : vector<16xf32>
        %parallel_loop3A_562 = arith.index_cast %parallel_loop3A_552 : i32 to index
        %parallel_loop3A_563 = tpu.vector_load %arg10[%parallel_loop3A_562] {strides = array<i32>} : memref<8192xf32, #tpu.memory_space<vmem>>, vector<16xf32>,
        tpu.vector_store %arg10[%parallel_loop3A_562], %parallel_loop3A_561 {strides = array<i32>} : memref<8192xf32, #tpu.memory_space<vmem>>, vector<16xf32>,
      } {sc.loop_unroll_factor = 1 : i64, sc.parallel_access}
      %mul3A_114 = arith.constant 8 : i32
      %mul3A_115 = arith.muli %add3A_97, %mul3A_114 : i32
      %add3A_116 = arith.addi %mul3A_2, %mul3A_115 : i32
      %mul3A_117 = arith.constant 512 : i32
      %mul3A_118 = arith.muli %add3A_116, %mul3A_117 : i32
      %dma_start3A_119 = arith.constant 4096 : i32
      %dma_start3A_120 = tpu.memref_slice %arg10[%dma_start3A_119] : memref<8192xf32, #tpu.memory_space<vmem>> -> memref<4096xf32, #tpu.memory_space<vmem>>
      %dma_start3A_121 = tpu.memref_slice %arg5[%mul3A_118] : memref<8388608xf32, #tpu.memory_space<hbm>> -> memref<4096xf32, #tpu.memory_space<hbm>>
      %dma_start3A_122 = tpu.memref_slice %arg5[%mul3A_118] : memref<8388608xf32, #tpu.memory_space<hbm>> -> memref<4096xf32, #tpu.memory_space<hbm>>
      %dma_start3A_123 = arith.constant 4096 : i32
      %dma_start3A_124 = tpu.memref_slice %arg10[%dma_start3A_123] : memref<8192xf32, #tpu.memory_space<vmem>> -> memref<4096xf32, #tpu.memory_space<vmem>>
      tpu.enqueue_dma source(%dma_start3A_124 : memref<4096xf32, #tpu.memory_space<vmem>>) target(%dma_start3A_122 : memref<4096xf32, #tpu.memory_space<hbm>>) target_semaphore(%arg16 : memref<!tpu.dma_semaphore, #tpu.memory_space<semaphore_mem>>)
      %add3A_125 = arith.constant 2 : i32
      %add3A_126 = arith.addi %add3A_97, %add3A_125 : i32
      %lt3A_127 = arith.constant 64 : i32
      %lt3A_128 = arith.cmpi slt, %add3A_126, %lt3A_127 : i32
      %convert_element_type3A_129 = arith.extui %lt3A_128 : i1 to i32
      %cond3A_130 = arith.constant 0 : i32
      %cond3A_131 = arith.cmpi ne, %convert_element_type3A_129, %cond3A_130 : i32
      scf.if %cond3A_131 {
        %add3A_132 = arith.constant 2 : i32
        %add3A_133 = arith.addi %add3A_97, %add3A_132 : i32
        %mul3A_134 = arith.constant 8 : i32
        %mul3A_135 = arith.muli %add3A_133, %mul3A_134 : i32
        %add3A_136 = arith.addi %mul3A_2, %mul3A_135 : i32
        %mul3A_137 = arith.constant 512 : i32
        %mul3A_138 = arith.muli %add3A_136, %mul3A_137 : i32
        %dma_start3A_139 = arith.constant 4096 : i32
        %dma_start3A_140 = tpu.memref_slice %arg9[%dma_start3A_139] : memref<8192xf32, #tpu.memory_space<vmem>> -> memref<4096xf32, #tpu.memory_space<vmem>>
        %dma_start3A_141 = tpu.memref_slice %arg2[%mul3A_138] : memref<8388608xf32, #tpu.memory_space<hbm>> -> memref<4096xf32, #tpu.memory_space<hbm>>
        %dma_start3A_142 = arith.constant 4096 : i32
        %dma_start3A_143 = tpu.memref_slice %arg9[%dma_start3A_142] : memref<8192xf32, #tpu.memory_space<vmem>> -> memref<4096xf32, #tpu.memory_space<vmem>>
        %dma_start3A_144 = tpu.memref_slice %arg2[%mul3A_138] : memref<8388608xf32, #tpu.memory_space<hbm>> -> memref<4096xf32, #tpu.memory_space<hbm>>
        tpu.enqueue_dma source(%dma_start3A_144 : memref<4096xf32, #tpu.memory_space<hbm>>) target(%dma_start3A_143 : memref<4096xf32, #tpu.memory_space<vmem>>) target_semaphore(%arg14 : memref<!tpu.dma_semaphore, #tpu.memory_space<semaphore_mem>>)
      } else {
      }
    }
    %scan3A_43 = arith.constant 32 : i32
    %dma_wait3A_44 = arith.constant 0 : i32
    %dma_wait3A_45 = tpu.memref_slice %arg10[%dma_wait3A_44] : memref<8192xf32, #tpu.memory_space<vmem>> -> memref<4096xf32, #tpu.memory_space<vmem>>
    %dma_wait3A_46 = arith.constant 0 : i32
    %dma_wait3A_47 = tpu.memref_slice %arg5[%dma_wait3A_46] : memref<8388608xf32, #tpu.memory_space<hbm>> -> memref<4096xf32, #tpu.memory_space<hbm>>
    %dma_wait3A_48 = arith.constant 0 : i32
    %dma_wait3A_49 = tpu.memref_slice %arg5[%dma_wait3A_48] : memref<8388608xf32, #tpu.memory_space<hbm>> -> memref<4096xf32, #tpu.memory_space<hbm>>
    %dma_wait3A_50 = arith.constant 0 : i32
    %dma_wait3A_51 = tpu.memref_slice %arg10[%dma_wait3A_50] : memref<8192xf32, #tpu.memory_space<vmem>> -> memref<4096xf32, #tpu.memory_space<vmem>>
    tpu.wait_dma2 semaphore(%arg15 : memref<!tpu.dma_semaphore, #tpu.memory_space<semaphore_mem>>) src(%dma_wait3A_51 : memref<4096xf32, #tpu.memory_space<vmem>>) dst(%dma_wait3A_49 : memref<4096xf32, #tpu.memory_space<hbm>>)
    %dma_wait3A_52 = arith.constant 4096 : i32
    %dma_wait3A_53 = tpu.memref_slice %arg10[%dma_wait3A_52] : memref<8192xf32, #tpu.memory_space<vmem>> -> memref<4096xf32, #tpu.memory_space<vmem>>
    %dma_wait3A_54 = arith.constant 0 : i32
    %dma_wait3A_55 = tpu.memref_slice %arg5[%dma_wait3A_54] : memref<8388608xf32, #tpu.memory_space<hbm>> -> memref<4096xf32, #tpu.memory_space<hbm>>
    %dma_wait3A_56 = arith.constant 0 : i32
    %dma_wait3A_57 = tpu.memref_slice %arg5[%dma_wait3A_56] : memref<8388608xf32, #tpu.memory_space<hbm>> -> memref<4096xf32, #tpu.memory_space<hbm>>
    %dma_wait3A_58 = arith.constant 4096 : i32
    %dma_wait3A_59 = tpu.memref_slice %arg10[%dma_wait3A_58] : memref<8192xf32, #tpu.memory_space<vmem>> -> memref<4096xf32, #tpu.memory_space<vmem>>
    tpu.wait_dma2 semaphore(%arg16 : memref<!tpu.dma_semaphore, #tpu.memory_space<semaphore_mem>>) src(%dma_wait3A_59 : memref<4096xf32, #tpu.memory_space<vmem>>) dst(%dma_wait3A_57 : memref<4096xf32, #tpu.memory_space<hbm>>)
    return
  }
}

module attributes {stable_mosaic.version = 14 : i64} {
  func.func @_tables_body(%arg0: memref<1x1xi32, #tpu.memory_space<smem>>, %arg1: memref<100x512xf32, #tpu.memory_space<vmem>>, %arg2: memref<100x512xf32, #tpu.memory_space<vmem>>, %arg3: memref<100x512xf32, #tpu.memory_space<vmem>>, %arg4: memref<100x512xf32, #tpu.memory_space<vmem>>, %arg5: memref<2x100x512xf32, #tpu.memory_space<vmem>>) attributes {dimension_semantics = [], scalar_prefetch = 0 : i64, scratch_operands = 0 : i64, tpu.core_type = #tpu.core_type<tc>} {
    %get3A = arith.constant 0 : index
    %get3A_0 = arith.constant 0 : index
    %get3A_1 = memref.load %arg0[%get3A, %get3A_0] : memref<1x1xi32, #tpu.memory_space<smem>>
    %ge3A = arith.constant 1 : i32
    %ge3A_2 = arith.cmpi sge, %get3A_1, %ge3A : i32
    %get3A_3 = arith.constant 0 : index
    %get3A_4 = arith.constant 0 : index
    %get3A_5 = vector.load %arg2[%get3A_3, %get3A_4] : memref<100x512xf32, #tpu.memory_space<vmem>>, vector<100x512xf32>
    %get3A_6 = arith.constant 0 : index
    %get3A_7 = arith.constant 0 : index
    %get3A_8 = vector.load %arg1[%get3A_6, %get3A_7] : memref<100x512xf32, #tpu.memory_space<vmem>>, vector<100x512xf32>
    %div3A = arith.divf %get3A_5, %get3A_8 : vector<100x512xf32>
    %jit3A = arith.constant 1.000000e-01 : f32
    %jit3A_9 = arith.constant 1.000000e+01 : f32
    %max3A = vector.broadcast %jit3A : f32 to vector<100x512xf32>
    %max3A_10 = arith.maximumf %max3A, %div3A : vector<100x512xf32>
    %min3A = vector.broadcast %jit3A_9 : f32 to vector<100x512xf32>
    %min3A_11 = arith.minimumf %min3A, %max3A_10 : vector<100x512xf32>
    %sqrt3A = math.sqrt %min3A_11 : vector<100x512xf32>
    %jit3A_12 = arith.constant 1.000000e+00 : f32
    %broadcast_in_dim3A = vector.broadcast %jit3A_12 : f32 to vector<100x512xf32>
    %select_n3A = arith.select %ge3A_2, %sqrt3A, %broadcast_in_dim3A : vector<100x512xf32>
    %get3A_13 = arith.constant 0 : index
    %get3A_14 = arith.constant 0 : index
    %get3A_15 = vector.load %arg4[%get3A_13, %get3A_14] : memref<100x512xf32, #tpu.memory_space<vmem>>, vector<100x512xf32>
    %get3A_16 = arith.constant 0 : index
    %get3A_17 = arith.constant 0 : index
    %get3A_18 = vector.load %arg3[%get3A_16, %get3A_17] : memref<100x512xf32, #tpu.memory_space<vmem>>, vector<100x512xf32>
    %mul3A = arith.mulf %get3A_18, %select_n3A : vector<100x512xf32>
    %sub3A = arith.subf %get3A_15, %mul3A : vector<100x512xf32>
    %jit3A_19 = arith.constant 0.000000e+00 : f32
    %broadcast_in_dim3A_20 = vector.broadcast %jit3A_19 : f32 to vector<100x512xf32>
    %select_n3A_21 = arith.select %ge3A_2, %sub3A, %broadcast_in_dim3A_20 : vector<100x512xf32>
    %swap3A = arith.constant 0 : index
    %swap3A_22 = arith.constant 0 : index
    %swap3A_23 = arith.constant 0 : index
    %swap3A_24 = vector.load %arg5[%swap3A, %swap3A_22, %swap3A_23] : memref<2x100x512xf32, #tpu.memory_space<vmem>>, vector<1x100x512xf32>
    %swap3A_25 = vector.shape_cast %swap3A_24 : vector<1x100x512xf32> to vector<100x512xf32>
    %swap3A_26 = vector.shape_cast %select_n3A : vector<100x512xf32> to vector<1x100x512xf32>
    tpu.vector_store %arg5[%swap3A, %swap3A_22, %swap3A_23], %swap3A_26 {strides = array<i32>} : memref<2x100x512xf32, #tpu.memory_space<vmem>>, vector<1x100x512xf32>,
    %swap3A_27 = arith.constant 1 : index
    %swap3A_28 = arith.constant 0 : index
    %swap3A_29 = arith.constant 0 : index
    %swap3A_30 = vector.load %arg5[%swap3A_27, %swap3A_28, %swap3A_29] : memref<2x100x512xf32, #tpu.memory_space<vmem>>, vector<1x100x512xf32>
    %swap3A_31 = vector.shape_cast %swap3A_30 : vector<1x100x512xf32> to vector<100x512xf32>
    %swap3A_32 = vector.shape_cast %select_n3A_21 : vector<100x512xf32> to vector<1x100x512xf32>
    tpu.vector_store %arg5[%swap3A_27, %swap3A_28, %swap3A_29], %swap3A_32 {strides = array<i32>} : memref<2x100x512xf32, #tpu.memory_space<vmem>>, vector<1x100x512xf32>,
    return
  }
}

</mosaic_0001>

<sc_bundles>
// kernel: kernel.4.cloned.1.call-start
scs
__scs_entry_jumppad:
0x0: {  	(pc) =	sbr.rel $0x88, $3  }
0x1: {  	(tag) =	ssettag $0x0;
	lr =	simm.s32 $0x1  }
0x2: {  	[smem:$0x3F9A] =	sst lr;
	_ =	strace $0xD0000000  }
0x3: {  	_ = 	snop  }
0x4: {  	_ = 	snop  }
0x5: {  	_ = 	snop  }
0x6: {  	_ = 	snop  }
0x7: {  	_ = 	snop  }
__scs_overlays_trampoline_lowered:
0x8: {  	[smem:$0x3FA9] =	sst s0  }
0x9: {  	[smem:$0x3FAA] =	sst s1  }
0xa: {  	[smem:$0x3FAB] =	sst s2  }
0xb: {  	[smem:$0x3FAC] =	sst s3  }
0xc: {  	[smem:$0x3FAD] =	sst s4  }
0xd: {  	[smem:$0x3FAE] =	sst s5  }
0xe: {  	[smem:$0x3FAF] =	sst s6  }
0xf: {  	[smem:$0x3FB0] =	sst s7  }
0x10: {  	[smem:$0x3FB1] =	sst s8  }
0x11: {  	[smem:$0x3FB2] =	sst s9;
	s0 =	simm.s32 @!p0 $0x0  }
0x12: {  	s1 =	sld [smem:$0x3F98];
	s0 =	simm.s32 @p0 $0x1  }
0x13: {  	[smem:$0x3FB3] =	sst s0;
	s0 =	simm.s32 @!p1 $0x0  }
0x14: {  	s2 =	sld [smem:$0x3F97];
	s0 =	simm.s32 @p1 $0x1  }
0x15: {  	[smem:$0x3FB4] =	sst s0;
	s0 =	simm.s32 @!p2 $0x0  }
0x16: {  	s3 =	sld [smem:$0x3FDB];
	s0 =	simm.s32 @p2 $0x1  }
0x17: {  	s4 =	simm.s32 $0x1BF5;
	[smem:$0x3FB6] =	sst s0  }
0x18: {  	s0 =	sld [smem:$0x3F99];
	_ =	swait.ge [sflag:s4], $0x0  }
0x19: {  	s7 =	sld [smem:$0x3F9A]  }
0x1a: {  	s8 =	sadd.s32 $0xFFFFE003, lr  }
0x1b: {  	s9 =	sadd.s32 $0xFFFFFEF7, lr;
	s5 =	simm.s32 $0xFFFFFFFF;
	p2 =	slt.u32 s8, $0xFFFFF086  }
0x1c: {  	p1 =	slt.u32 s9, $0xF7A;
	s5 =	simm.s32 @!p2 $0x0  }
0x1d: {  	s5 =	simm.s32 @p1 $0x1;
	p0 =	seq.s32 s7, s2  }
0x1e: {  	s7 =	smul.u32 @!p0 $0xF7A, s2;
	p2 =	seq.s32 @!p0 s5, $0x0  }
0x1f: {  	s9 =	smul.u32 $0xF7A, s1;
	s8 =	simm.s32 @!p0 $0x1BF5;
	p2 =	por !p2, p0  }
0x20: {  	[sflag:s8] =	ssyncset.s32 @!p0 $0xFFFFF086;
	s6 =	sadd.s32 @!p0 s3, s7;
	s7 =	simm.s32 @!p0 $0x108  }
0x21: {  	s3 =	sadd.s32 s3, s9;
	s6 =	sadd.s32 @!p0 $0x88, s6;
	s7 =	simm.s32 @p2 $0x1082  }
0x22: {  	[simem:s7], [sflag:s8] =	dma.local @!p0 [hbm:s6], $0xF7A  }
0x23: {  	s9 =	sor.u32 $0xD0000000, s2;
	s6 =	simm.s32 $0x108;
	_ =	swait.ge @!p0 [sflag:s8], $0x0  }
0x24: {  	s3 =	sadd.s32 $0x88, s3;
	s6 =	simm.s32 @!p1 $0x1082;
	[sflag:s4] =	ssyncset.s32 $0xFFFFF086  }
0x25: {  	[simem:s6], [sflag:s4] =	dma.local [hbm:s3], $0xF7A  }
0x26: {  	[smem:$0x3F9A] =	sst s1;
	(tag) =	ssettag s2;
	_ =	strace s9  }
0x27: {  	s1 =	sld [smem:$0x3FAA]  }
0x28: {  	s2 =	sld [smem:$0x3FAB]  }
0x29: {  	s4 =	sld [smem:$0x3FAD]  }
0x2a: {  	p0 =	seq.s32 s5, $0x0;
	s5 =	sld [smem:$0x3FAE]  }
0x2b: {  	s6 =	sld [smem:$0x3FAF]  }
0x2c: {  	s7 =	sld [smem:$0x3FB0]  }
0x2d: {  	s3 =	simm.s32 $0x108;
	s8 =	sld [smem:$0x3FB1]  }
0x2e: {  	s3 =	simm.s32 @!p0 $0x1082;
	s9 =	sld [smem:$0x3FB2]  }
0x2f: {  	lr =	sadd.s32 s0, s3;
	s0 =	sld [smem:$0x3FA9]  }
0x30: {  	s3 =	sld [smem:$0x3FAC]  }
0x31: {  	[smem:$0x3FB5] =	sst s10  }
0x32: {  	s10 =	sld [smem:$0x3FB3];
	_ =	sdelay $0x3  }
0x33: {  	p0 =	seq.s32 s10, $0x1;
	s10 =	sld [smem:$0x3FB5];
	_ =	sdelay $0x3  }
0x34: {  	[smem:$0x3FB5] =	sst s10  }
0x35: {  	s10 =	sld [smem:$0x3FB4];
	_ =	sdelay $0x3  }
0x36: {  	p1 =	seq.s32 s10, $0x1;
	s10 =	sld [smem:$0x3FB5];
	_ =	sdelay $0x3  }
0x37: {  	[smem:$0x3FB5] =	sst s10  }
0x38: {  	s10 =	sld [smem:$0x3FB6]  }
0x39: {  	_ = 	snop;
	(pc) =	sbr.ind lr, $3  }
0x3a: {  	_ = 	snop  }
0x3b: {  	_ = 	snop  }
0x3c: {  	p2 =	seq.s32 s10, $0x1;
	s10 =	sld [smem:$0x3FB5]  }
0x3d: {  	_ =	shalt  }
0x3e: {  	_ =	shalt  }
0x3f: {  	_ =	shalt  }
0x40: {  	_ =	shalt  }
0x41: {  	_ =	shalt  }
0x42: {  	_ =	shalt  }
0x43: {  	_ =	shalt  }
0x44: {  	_ =	shalt  }
0x45: {  	_ =	shalt  }
0x46: {  	_ =	shalt  }
0x47: {  	_ =	shalt  }
0x48: {  	_ =	shalt  }
0x49: {  	_ =	shalt  }
0x4a: {  	_ =	shalt  }
0x4b: {  	_ =	shalt  }
0x4c: {  	_ =	shalt  }
0x4d: {  	_ =	shalt  }
0x4e: {  	_ =	shalt  }
0x4f: {  	_ =	shalt  }
0x50: {  	_ =	shalt  }
0x51: {  	_ =	shalt  }
0x52: {  	_ =	shalt  }
0x53: {  	_ =	shalt  }
0x54: {  	_ =	shalt  }
0x55: {  	_ =	shalt  }
0x56: {  	_ =	shalt  }
0x57: {  	_ =	shalt  }
0x58: {  	_ =	shalt  }
0x59: {  	_ =	shalt  }
0x5a: {  	_ =	shalt  }
0x5b: {  	_ =	shalt  }
0x5c: {  	_ =	shalt  }
0x5d: {  	_ =	shalt  }
0x5e: {  	_ =	shalt  }
0x5f: {  	_ =	shalt  }
0x60: {  	_ =	shalt  }
0x61: {  	_ =	shalt  }
0x62: {  	_ =	shalt  }
0x63: {  	_ =	shalt  }
0x64: {  	_ =	shalt  }
0x65: {  	_ =	shalt  }
0x66: {  	_ =	shalt  }
0x67: {  	_ =	shalt  }
0x68: {  	_ =	shalt  }
0x69: {  	_ =	shalt  }
0x6a: {  	_ =	shalt  }
0x6b: {  	_ =	shalt  }
0x6c: {  	_ =	shalt  }
0x6d: {  	_ =	shalt  }
0x6e: {  	_ =	shalt  }
0x6f: {  	_ =	shalt  }
0x70: {  	_ =	shalt  }
0x71: {  	_ =	shalt  }
0x72: {  	_ =	shalt  }
0x73: {  	_ =	shalt  }
0x74: {  	_ =	shalt  }
0x75: {  	_ =	shalt  }
0x76: {  	_ =	shalt  }
0x77: {  	_ =	shalt  }
0x78: {  	_ =	shalt  }
0x79: {  	_ =	shalt  }
0x7a: {  	_ =	shalt  }
0x7b: {  	_ =	shalt  }
0x7c: {  	_ =	shalt  }
0x7d: {  	_ =	shalt  }
0x7e: {  	_ =	shalt  }
0x7f: {  	_ =	shalt  }
0x80: {  	_ =	shalt  }
0x81: {  	_ =	shalt  }
0x82: {  	_ =	shalt  }
0x83: {  	_ =	shalt  }
0x84: {  	_ =	shalt  }
0x85: {  	_ =	shalt  }
0x86: {  	_ =	shalt  }
0x87: {  	_ =	shalt  }
.Lfunc_end0:
.L_simem_size_0:
called_computation.1_lowered:
.L_overlay_start_0:
0x88: {  	s2 =	sld [smem:$0x3FD9]  }
0x89: {  	s3 =	sld [smem:$0x3FFE];
	_ =	sdelay $0x1  }
0x8a: {  	s1 =	srdreg.scid  }
0x8b: {  	s0 =	sand.u32 $0x1, s1  }
0x8c: {  	s17 =	sshll.u32 s0, $0xA;
	s2 =	sadd.s32 s3, s2  }
0x8d: {  	s2 =	sadd.s32 s2, s17  }
0x8e: {  	[smem:$0x3FC1] =	sst s2  }
0x8f: {  	_ = 	snop  }
0x90: {  	s2 =	sld [smem:$0x3FD0];
	(tm) =	ssettm $0x1  }
0x91: {  	s18 =	sld [smem:$0x3FFB];
	_ =	sdelay $0x3  }
0x92: {  	_ =	strace s18  }
0x93: {  	s3 =	sld [smem:$0x3FFC];
	_ =	sdelay $0x3  }
0x94: {  	_ =	strace s3  }
0x95: {  	s3 =	sld [smem:$0x3FFD];
	_ =	sdelay $0x3  }
0x96: {  	_ =	strace s3  }
0x97: {  	_ =	strace $0x8FFFFFFF  }
0x98: {  	s19 =	sld [smem:$0x3FDB];
	_ =	sdelay $0x1  }
0x99: {  	s4 =	simm.s32 $_scs_section_size  }
0x9a: {  	s5 =	simm.s32 $_size__tile_overlayer_lowered;
	s6 =	simm.s32 $_tile_overlayer_lowered  }
0x9b: {  	s22 =	simm.s32 $0x1BFF;
	s21 =	sshll.u32 s6, $0x1;
	s3 =	sadd.s32 s4, s19  }
0x9c: {  	s7 =	simm.s32 $0x0;
	s20 =	sshll.u32 s5, $0x1;
	s5 =	sadd.s32 s21, s3  }
0x9d: {  	[timem:s7], [sflag:s22] =	dma.local [hbm:s5], s20  }
0x9e: {  	_ =	swait.ge [sflag:s22], s20  }
0x9f: {  	s4 =	ssub.s32 $0x0, s20;
	[sflag:s22] =	ssyncset.done $0x0  }
0xa0: {  	[sflag:s22] =	ssyncadd.s32 s4;
	_ =	sdelay $0x1  }
0xa1: {  	s23 =	simm.s32 $0x1B8B  }
0xa2: {  	_ =	swait.ge [sflag:s23], $0x1  }
0xa3: {  	[sflag:s23] =	ssyncset.done $0x0  }
0xa4: {  	s25 =	simm.s32 $0x1B8E;
	s24 =	sld [smem:$0x3FFE];
	[sflag:s23] =	ssyncadd.s32 $0xFFFFFFFF  }
0xa5: {  	s26 =	simm.s32 $execute0_lowered;
	[smem:$0x3FD2] =	sst s25  }
0xa6: {  	s5 =	sshll.u32 s26, $0x1;
	_ =	strace $0x80000049;
	[dreg:$0x1] =	wrdreg $0xFFFFFFFF  }
0xa7: {  	s28 =	simm.s32 $_size_execute0_lowered;
	s3 =	sadd.s32 s3, s5;
	[dreg:$0x0] =	wrdreg $0x0  }
0xa8: {  	s5 =	sshll.u32 s28, $0x1;
	[dreg:$0x2] =	wrdreg s3  }
0xa9: {  	[dreg:$0x3] =	wrdreg s5  }
0xaa: {  	[dreg:$0x4] =	wrdreg $0xC0  }
0xab: {  	_ =	task [dreg:s7], $0x5FFFF  }
0xac: {  	[dreg:$0x1] =	wrdreg $0xFFFFFFFF  }
0xad: {  	[dreg:$0x0] =	wrdreg $0x60  }
0xae: {  	[dreg:$0x2] =	wrdreg s2  }
0xaf: {  	[dreg:$0x3] =	wrdreg s24  }
0xb0: {  	[dreg:$0x4] =	wrdreg $0x9  }
0xb1: {  	_ =	task.clear_ibuf [dreg:s7], $0x5FFFF;
	_ =	strace $0x90000049  }
0xb2: {  	s29 =	simm.s32 $0x9;
	_ =	strace $0x8000004B  }
0xb3: {  	_ =	swait.ge [sflag:s29], $0x1  }
0xb4: {  	[sflag:s29] =	ssyncadd.s32 $0xFFFFFFFF  }
0xb5: {  	_ =	strace $0x9000004B  }
0xb6: {  	_ =	sfence  }
0xb7: {  	s30 =	sld [smem:$0x0];
	_ =	sdelay $0x2  }
0xb8: {  	s31 =	sshll.u32 s1, $0xD;
	s1 =	sshrl.u32 s1, $0x2  }
0xb9: {  	s3 =	sand.u32 $0x4000, s31;
	s1 =	sadd.s32 s1, s30  }
0xba: {  	s0 =	sor.u32 s3, s0;
	s1 =	sshll.u32 s1, $0x11  }
0xbb: {  	s0 =	sor.u32 s1, s0  }
0xbc: {  	s0 =	sadd.s32 $0x8F2B, s0  }
0xbd: {  	[sflag:s0] =	ssyncadd.remote.s32 $0x1  }
0xbe: {  	_ =	sfence.sel $0xFFFF  }
0xbf: {  	[dreg:$0x0] =	wrdreg $0xFFFFFFFF;
	(pc) =	sbr.abs _section_cstart, $3  }
0xc0: {  	[dreg:$0x1] =	wrdreg $0xFFFFFFFF  }
0xc1: {  	_ =	task.clear_ibuf [dreg:s7], $0x2FFFF;
	_ =	strace $0x9FFFFFFF  }
0xc2: {  	(tm) =	ssettm $0x7FFFFFFF  }
0xc3: {  	_ =	shalt  }
tec
execute0_lowered:
.L_overlay_start_1:
0x0: {  	(tag) =	ssettag $0x1  }
0x1: {  	s0 =	rddreg [dreg:$0x0];
	s1 =	srdreg.scid  }
0x2: {  	s2 =	stileid.u32;
	s3 =	rddreg [dreg:$0x1];
	s12 =	simm.s32 $0x2000  }
0x3: {  	s13 =	simm.s32 $0xE800;
	s14 =	simm.s32 $0x7;
	s16 =	simm.s32 $0x1C000  }
0x4: {  	v0 =	vlaneseq.u32;
	s17 =	simm.s32 $0x1;
	s18 =	simm.s32 $0x2;
	s19 =	simm.s32 $0x3  }
0x5: {  	s20 =	simm.s32 $0x1D000;
	s21 =	simm.s32 $0x4;
	s22 =	simm.s32 $0x1E000;
	v1 =	vor.u32 $0x10, v0  }
0x6: {  	s23 =	simm.s32 $0x5;
	s24 =	simm.s32 $0x6;
	s25 =	simm.s32 $0x0;
	v2 =	vor.u32 $0x20, v0;
	v3 =	vor.u32 $0x30, v0;
	v4 =	vor.u32 $0x40, v0  }
0x7: {  	s1 =	sand.u32 $0x1, s1;
	s4 =	sshll.u32 s2, $0x1;
	s2 =	simm.s32 $0x0;
	v5 =	vor.u32 $0x50, v0;
	v6 =	vor.u32 $0x60, v0;
	v7 =	vor.u32 $0x70, v0  }
0x8: {  	s6 =	sadd.s32 $0x1200, s3;
	v8 =	vor.u32 $0x80, v0;
	v9 =	vor.u32 $0x90, v0;
	v10 =	vor.u32 $0xA0, v0;
	s29 =	sadd.s32 $0x2B00, s3;
	s4 =	sor.u32 s1, s4  }
0x9: {  	v11 =	vor.u32 $0xB0, v0;
	v12 =	vor.u32 $0xC0, v0;
	v13 =	vor.u32 $0xD0, v0;
	[smem:$0x7FF] =	sst s2;
	s1 =	ssub.s32 $0x2, s1;
	s5 =	sshll.u32 s4, $0xA  }
0xa: {  	v14 =	vor.u32 $0xE0, v0;
	v15 =	vor.u32 $0xF0, v0;
	v16 =	vor.u32 $0x100, v0;
	_ =	strace $0x8000004A;
	[dreg:$0x3] =	wrdreg s6;
	s4 =	sshll.u32 s4, $0xF  }
.Ltmp0:
0xb: {  	v17 =	vor.u32 $0x110, v0;
	v18 =	vor.u32 $0x120, v0;
	v19 =	vor.u32 $0x130, v0;
	s28 =	sshrl.u32 s1, $0x1;
	[dreg:$0x4] =	wrdreg s29;
	(pc) =	sbr.rel .LBB2_1-.Ltmp0, $4  }
0xc: {  	v20 =	vor.u32 $0x140, v0;
	v21 =	vor.u32 $0x150, v0;
	v22 =	vor.u32 $0x160, v0;
	s5 =	sadd.s32 s5, s3;
	s7 =	sadd.s32 s4, s3;
	s4 =	sadd.s32 s0, s4  }
0xd: {  	v23 =	vor.u32 $0x170, v0;
	v24 =	vor.u32 $0x180, v0;
	v25 =	vor.u32 $0x190, v0;
	s1 =	ssub.s32 s1, s28;
	s30 =	sadd.s32 $0x4400, s5;
	s31 =	sadd.s32 $0x200, s4  }
0xe: {  	v26 =	vor.u32 $0x1A0, v0;
	v27 =	vor.u32 $0x1B0, v0;
	v28 =	vor.u32 $0x1C0, v0;
	s8 =	sadd.s32 $0xC400, s7;
	s9 =	sadd.s32 $0x400, s4;
	[dreg:$0x5] =	wrdreg s30  }
0xf: {  	v29 =	vor.u32 $0x1D0, v0;
	v30 =	vor.u32 $0x1E0, v0;
	v31 =	vor.u32 $0x1F0, v0;
	s10 =	sadd.s32 $0x600, s4;
	s11 =	smax.u32 s1, $0x1;
	[dreg:$0x6] =	wrdreg s31  }
.LBB2_8:
0x10: {  	s25 =	sadd.s32 $0x1, s25  }
0x11: {  	_ =	swait.ge [sflag:s23], $0x1000;
	p0 =	sne.s32 s25, s11  }
.Ltmp1:
0x12: {  	[sflag:s23] =	ssyncset.done $0x0;
	(pc) =	sbr.rel @!p0 .LBB2_9-.Ltmp1, $4  }
0x13: {  	[sflag:s23] =	ssyncadd.s32 $0xFFFFF000  }
0x14: {  	_ =	swait.ge [sflag:s24], $0x1000  }
0x15: {  	[sflag:s24] =	ssyncset.done $0x0  }
0x16: {  	[sflag:s24] =	ssyncadd.s32 $0xFFFFF000  }
.LBB2_1:
0x17: {  	s0 =	rddreg [dreg:$0x3]  }
0x18: {  	[tilespmem:s12], [sflag:$0x1] =	stream.linear.gather [hbm4b:s0+s2], $0xC800, $0x38;
	[tilespmem:$0x1F000] =	vst v63  }
0x19: {  	s15 =	rddreg [dreg:$0x4]  }
0x1a: {  	[tilespmem:s13], [sflag:$0x2] =	stream.linear.gather [hbm4b:s15+s2], $0xC800, $0x38;
	[tilespmem:$0x1F000] =	vst v63  }
0x1b: {  	s26 =	rddreg [dreg:$0x5]  }
0x1c: {  	[tilespmem:s2], [sflag:$0x7] =	stream.linear.gather [hbm4b:s26+s2], $0x2000, $0x38;
	[tilespmem:$0x1F000] =	vst v63  }
0x1d: {  	_ =	swait.ge [sflag:s14], $0x2000  }
0x1e: {  	[sflag:s14] =	ssyncset.done $0x0  }
0x1f: {  	s30 =	simm.s32 $0x1B000;
	[sflag:s14] =	ssyncadd.s32 $0xFFFFE000  }
0x20: {  	[tilespmem:s30], [sflag:$0x3] =	stream.linear.gather [hbm4b:s4+s2], $0x1000, $0x38;
	[tilespmem:$0x1F000] =	vst v63  }
0x21: {  	s31 =	rddreg [dreg:$0x6]  }
0x22: {  	[tilespmem:s16], [sflag:$0x4] =	stream.linear.gather [hbm4b:s31+s2], $0x1000, $0x38;
	[tilespmem:$0x1F000] =	vst v63  }
0x23: {  	_ =	swait.ge [sflag:s17], $0xC800  }
0x24: {  	[sflag:s17] =	ssyncset.done $0x0  }
0x25: {  	[sflag:s17] =	ssyncadd.s32 $0xFFFF3800  }
0x26: {  	_ =	swait.ge [sflag:s18], $0xC800  }
0x27: {  	s28 =	simm.s32 $0x0;
	[sflag:s18] =	ssyncset.done $0x0  }
0x28: {  	s29 =	simm.s32 $0x0;
	s26 =	simm.s32 $0x80;
	[sflag:s18] =	ssyncadd.s32 $0xFFFF3800  }
.LBB2_2:
0x29: {  	_ =	swait.ge [sflag:s19], $0x1000  }
0x2a: {  	p0 =	seq.s32 s29, $0x0;
	[sflag:s19] =	ssyncset.done $0x0  }
0x2b: {  	s0 =	simm.s32 @!p0 $0x5;
	[sflag:s19] =	ssyncadd.s32 $0xFFFFF000  }
0x2c: {  	_ =	swait.ge @!p0 [sflag:s0], $0x1000  }
0x2d: {  	[sflag:s0] =	ssyncset.done @!p0 $0x0  }
0x2e: {  	[sflag:s0] =	ssyncadd.s32 @!p0 $0xFFFFF000  }
0x2f: {  	v32 =	vld [tilespmem:s28+$0x0];
	_ =	sdelay $0x4  }
0x30: {  	v32 =	vshll.u32 v32, $0x9  }
0x31: {  	v33 =	vor.u32 v0, v32;
	_ =	sdelay $0x2  }
0x32: {  	s31 =	simm.s32 $0x0  }
0x33: {  	v34 =	vld [tilespmem:s31+$0x1B000]  }
0x34: {  	v35 =	vld.idx.msk [tilespmem:v33+s12+$0x0], $0xffff;
	_ =	sdelay $0x1  }
0x35: {  	v33 =	vld.idx.msk [tilespmem:v33+s13+$0x0], $0xffff;
	_ =	sdelay $0x2  }
0x36: {  	v39 =	vor.u32 v1, v32;
	v34 =	vmul.f32 v34, v35;
	_ =	sdelay $0x1  }
0x37: {  	v33 =	vadd.f32 v34, v33;
	_ =	sdelay $0x1  }
0x38: {  	v40 =	vld [tilespmem:s31+$0x1B010];
	[tilespmem:s31+$0x1D000] =	vst v33  }
0x39: {  	v41 =	vld.idx.msk [tilespmem:v39+s12+$0x0], $0xffff;
	_ =	sdelay $0x1  }
0x3a: {  	v35 =	vld.idx.msk [tilespmem:v39+s13+$0x0], $0xffff;
	_ =	sdelay $0x2  }
0x3b: {  	v42 =	vor.u32 v2, v32;
	v33 =	vmul.f32 v40, v41;
	_ =	sdelay $0x1  }
0x3c: {  	v33 =	vadd.f32 v33, v35;
	_ =	sdelay $0x1  }
0x3d: {  	v43 =	vld [tilespmem:s31+$0x1B020];
	[tilespmem:s31+$0x1D010] =	vst v33  }
0x3e: {  	v44 =	vld.idx.msk [tilespmem:v42+s12+$0x0], $0xffff;
	_ =	sdelay $0x1  }
0x3f: {  	v34 =	vld.idx.msk [tilespmem:v42+s13+$0x0], $0xffff;
	_ =	sdelay $0x2  }
0x40: {  	v45 =	vor.u32 v3, v32;
	v33 =	vmul.f32 v43, v44;
	_ =	sdelay $0x1  }
0x41: {  	v33 =	vadd.f32 v33, v34;
	_ =	sdelay $0x1  }
0x42: {  	v46 =	vld [tilespmem:s31+$0x1B030];
	[tilespmem:s31+$0x1D020] =	vst v33  }
0x43: {  	v47 =	vld.idx.msk [tilespmem:v45+s12+$0x0], $0xffff;
	_ =	sdelay $0x1  }
0x44: {  	v35 =	vld.idx.msk [tilespmem:v45+s13+$0x0], $0xffff;
	_ =	sdelay $0x2  }
0x45: {  	v48 =	vor.u32 v4, v32;
	v33 =	vmul.f32 v46, v47;
	_ =	sdelay $0x1  }
0x46: {  	v33 =	vadd.f32 v33, v35;
	_ =	sdelay $0x1  }
0x47: {  	v49 =	vld [tilespmem:s31+$0x1B040];
	[tilespmem:s31+$0x1D030] =	vst v33  }
0x48: {  	v50 =	vld.idx.msk [tilespmem:v48+s12+$0x0], $0xffff;
	_ =	sdelay $0x1  }
0x49: {  	v34 =	vld.idx.msk [tilespmem:v48+s13+$0x0], $0xffff;
	_ =	sdelay $0x2  }
0x4a: {  	v51 =	vor.u32 v5, v32;
	v33 =	vmul.f32 v49, v50;
	_ =	sdelay $0x1  }
0x4b: {  	v33 =	vadd.f32 v33, v34;
	_ =	sdelay $0x1  }
0x4c: {  	v52 =	vld [tilespmem:s31+$0x1B050];
	[tilespmem:s31+$0x1D040] =	vst v33  }
0x4d: {  	v53 =	vld.idx.msk [tilespmem:v51+s12+$0x0], $0xffff;
	_ =	sdelay $0x1  }
0x4e: {  	v35 =	vld.idx.msk [tilespmem:v51+s13+$0x0], $0xffff;
	_ =	sdelay $0x2  }
0x4f: {  	v54 =	vor.u32 v6, v32;
	v33 =	vmul.f32 v52, v53;
	_ =	sdelay $0x1  }
0x50: {  	v33 =	vadd.f32 v33, v35;
	_ =	sdelay $0x1  }
0x51: {  	v55 =	vld [tilespmem:s31+$0x1B060];
	[tilespmem:s31+$0x1D050] =	vst v33  }
0x52: {  	v56 =	vld.idx.msk [tilespmem:v54+s12+$0x0], $0xffff;
	_ =	sdelay $0x1  }
0x53: {  	v34 =	vld.idx.msk [tilespmem:v54+s13+$0x0], $0xffff;
	_ =	sdelay $0x2  }
0x54: {  	v57 =	vor.u32 v7, v32;
	v33 =	vmul.f32 v55, v56;
	_ =	sdelay $0x1  }
0x55: {  	v33 =	vadd.f32 v33, v34;
	_ =	sdelay $0x1  }
0x56: {  	v58 =	vld [tilespmem:s31+$0x1B070];
	[tilespmem:s31+$0x1D060] =	vst v33  }
0x57: {  	v59 =	vld.idx.msk [tilespmem:v57+s12+$0x0], $0xffff;
	_ =	sdelay $0x1  }
0x58: {  	v35 =	vld.idx.msk [tilespmem:v57+s13+$0x0], $0xffff;
	_ =	sdelay $0x2  }
0x59: {  	s15 =	sadd.s32 $0x10, s28;
	v60 =	vor.u32 v8, v32;
	v33 =	vmul.f32 v58, v59  }
0x5a: {  	v36 =	vld [tilespmem:s15+$0x0]  }
0x5b: {  	v35 =	vadd.f32 v33, v35;
	_ =	sdelay $0x1  }
0x5c: {  	v62 =	vld [tilespmem:s31+$0x1B080];
	[tilespmem:s31+$0x1D070] =	vst v35  }
0x5d: {  	v37 =	vld.idx.msk [tilespmem:v60+s12+$0x0], $0xffff  }
0x5e: {  	v33 =	vshll.u32 v36, $0x9  }
0x5f: {  	v61 =	vor.u32 v0, v33;
	v34 =	vld.idx.msk [tilespmem:v60+s13+$0x0], $0xffff;
	_ =	sdelay $0x2  }
0x60: {  	s1 =	simm.s32 $0x200;
	v63 =	vor.u32 v9, v32;
	v36 =	vmul.f32 v62, v37  }
0x61: {  	v38 =	vld [tilespmem:s1+$0x1B000]  }
0x62: {  	v39 =	vld.idx.msk [tilespmem:v61+s12+$0x0], $0xffff;
	v34 =	vadd.f32 v36, v34  }
0x63: {  	v43 =	vld [tilespmem:s31+$0x1B090]  }
0x64: {  	v35 =	vld.idx.msk [tilespmem:v61+s13+$0x0], $0xffff;
	[tilespmem:s31+$0x1D080] =	vst v34  }
0x65: {  	v46 =	vld.idx.msk [tilespmem:v63+s12+$0x0], $0xffff;
	_ =	sdelay $0x1  }
0x66: {  	v44 =	vor.u32 v1, v33;
	v42 =	vmul.f32 v38, v39;
	v47 =	vld.idx.msk [tilespmem:v63+s13+$0x0], $0xffff;
	_ =	sdelay $0x1  }
0x67: {  	v45 =	vadd.f32 v42, v35  }
0x68: {  	v50 =	vor.u32 v10, v32;
	v35 =	vmul.f32 v43, v46  }
0x69: {  	v48 =	vld [tilespmem:s1+$0x1B010];
	[tilespmem:s1+$0x1D000] =	vst v45  }
0x6a: {  	v49 =	vld.idx.msk [tilespmem:v44+s12+$0x0], $0xffff;
	v35 =	vadd.f32 v35, v47  }
0x6b: {  	v51 =	vld [tilespmem:s31+$0x1B0A0]  }
0x6c: {  	v39 =	vld.idx.msk [tilespmem:v44+s13+$0x0], $0xffff;
	[tilespmem:s31+$0x1D090] =	vst v35  }
0x6d: {  	v35 =	vld.idx.msk [tilespmem:v50+s12+$0x0], $0xffff;
	_ =	sdelay $0x1  }
0x6e: {  	v52 =	vor.u32 v2, v33;
	v34 =	vmul.f32 v48, v49;
	v38 =	vld.idx.msk [tilespmem:v50+s13+$0x0], $0xffff;
	_ =	sdelay $0x1  }
0x6f: {  	v34 =	vadd.f32 v34, v39  }
0x70: {  	v55 =	vor.u32 v11, v32;
	v35 =	vmul.f32 v51, v35  }
0x71: {  	v53 =	vld [tilespmem:s1+$0x1B020];
	[tilespmem:s1+$0x1D010] =	vst v34  }
0x72: {  	v54 =	vld.idx.msk [tilespmem:v52+s12+$0x0], $0xffff;
	v35 =	vadd.f32 v35, v38  }
0x73: {  	v56 =	vld [tilespmem:s31+$0x1B0B0]  }
0x74: {  	v37 =	vld.idx.msk [tilespmem:v52+s13+$0x0], $0xffff;
	[tilespmem:s31+$0x1D0A0] =	vst v35  }
0x75: {  	v35 =	vld.idx.msk [tilespmem:v55+s12+$0x0], $0xffff;
	_ =	sdelay $0x1  }
0x76: {  	v57 =	vor.u32 v3, v33;
	v34 =	vmul.f32 v53, v54;
	v36 =	vld.idx.msk [tilespmem:v55+s13+$0x0], $0xffff;
	_ =	sdelay $0x1  }
0x77: {  	v34 =	vadd.f32 v34, v37  }
0x78: {  	v60 =	vor.u32 v12, v32;
	v35 =	vmul.f32 v56, v35  }
0x79: {  	v58 =	vld [tilespmem:s1+$0x1B030];
	[tilespmem:s1+$0x1D020] =	vst v34  }
0x7a: {  	v59 =	vld.idx.msk [tilespmem:v57+s12+$0x0], $0xffff;
	v35 =	vadd.f32 v35, v36  }
0x7b: {  	v61 =	vld [tilespmem:s31+$0x1B0C0]  }
0x7c: {  	v39 =	vld.idx.msk [tilespmem:v57+s13+$0x0], $0xffff;
	[tilespmem:s31+$0x1D0B0] =	vst v35  }
0x7d: {  	v63 =	vld.idx.msk [tilespmem:v60+s12+$0x0], $0xffff;
	_ =	sdelay $0x1  }
0x7e: {  	v62 =	vor.u32 v4, v33;
	v34 =	vmul.f32 v58, v59;
	v38 =	vld.idx.msk [tilespmem:v60+s13+$0x0], $0xffff;
	_ =	sdelay $0x1  }
0x7f: {  	v34 =	vadd.f32 v34, v39  }
0x80: {  	v44 =	vor.u32 v13, v32;
	v36 =	vmul.f32 v61, v63  }
0x81: {  	v42 =	vld [tilespmem:s1+$0x1B040];
	[tilespmem:s1+$0x1D030] =	vst v34  }
0x82: {  	v43 =	vld.idx.msk [tilespmem:v62+s12+$0x0], $0xffff;
	v36 =	vadd.f32 v36, v38  }
0x83: {  	v45 =	vld [tilespmem:s31+$0x1B0D0]  }
0x84: {  	v35 =	vld.idx.msk [tilespmem:v62+s13+$0x0], $0xffff;
	[tilespmem:s31+$0x1D0C0] =	vst v36  }
0x85: {  	v36 =	vld.idx.msk [tilespmem:v44+s12+$0x0], $0xffff;
	_ =	sdelay $0x1  }
0x86: {  	v46 =	vor.u32 v5, v33;
	v34 =	vmul.f32 v42, v43;
	v47 =	vld.idx.msk [tilespmem:v44+s13+$0x0], $0xffff;
	_ =	sdelay $0x1  }
0x87: {  	v34 =	vadd.f32 v34, v35  }
0x88: {  	v49 =	vor.u32 v14, v32;
	v36 =	vmul.f32 v45, v36  }
0x89: {  	v48 =	vld [tilespmem:s1+$0x1B050];
	[tilespmem:s1+$0x1D040] =	vst v34  }
0x8a: {  	v50 =	vld.idx.msk [tilespmem:v46+s12+$0x0], $0xffff;
	v35 =	vadd.f32 v36, v47  }
0x8b: {  	v52 =	vld [tilespmem:s31+$0x1B0E0]  }
0x8c: {  	v51 =	vld.idx.msk [tilespmem:v46+s13+$0x0], $0xffff;
	[tilespmem:s31+$0x1D0D0] =	vst v35  }
0x8d: {  	v35 =	vld.idx.msk [tilespmem:v49+s12+$0x0], $0xffff;
	_ =	sdelay $0x1  }
0x8e: {  	v53 =	vor.u32 v6, v33;
	v34 =	vmul.f32 v48, v50;
	v37 =	vld.idx.msk [tilespmem:v49+s13+$0x0], $0xffff;
	_ =	sdelay $0x1  }
0x8f: {  	v34 =	vadd.f32 v34, v51  }
0x90: {  	v55 =	vor.u32 v15, v32;
	v54 =	vmul.f32 v52, v35  }
0x91: {  	v56 =	vld [tilespmem:s1+$0x1B060];
	[tilespmem:s1+$0x1D050] =	vst v34  }
0x92: {  	v57 =	vld.idx.msk [tilespmem:v53+s12+$0x0], $0xffff;
	v34 =	vadd.f32 v54, v37  }
0x93: {  	v40 =	vld [tilespmem:s31+$0x1B0F0]  }
0x94: {  	v58 =	vld.idx.msk [tilespmem:v53+s13+$0x0], $0xffff;
	[tilespmem:s31+$0x1D0E0] =	vst v34  }
0x95: {  	v34 =	vld.idx.msk [tilespmem:v55+s12+$0x0], $0xffff;
	_ =	sdelay $0x1  }
0x96: {  	v59 =	vor.u32 v7, v33;
	v36 =	vmul.f32 v56, v57;
	v35 =	vld.idx.msk [tilespmem:v55+s13+$0x0], $0xffff;
	_ =	sdelay $0x1  }
0x97: {  	v36 =	vadd.f32 v36, v58  }
0x98: {  	v60 =	vor.u32 v16, v32;
	v34 =	vmul.f32 v40, v34  }
0x99: {  	v61 =	vld [tilespmem:s1+$0x1B070];
	[tilespmem:s1+$0x1D060] =	vst v36  }
0x9a: {  	v62 =	vld.idx.msk [tilespmem:v59+s12+$0x0], $0xffff;
	v34 =	vadd.f32 v34, v35  }
0x9b: {  	v63 =	vld [tilespmem:s31+$0x1B100]  }
0x9c: {  	v38 =	vld.idx.msk [tilespmem:v59+s13+$0x0], $0xffff;
	[tilespmem:s31+$0x1D0F0] =	vst v34  }
0x9d: {  	v34 =	vld.idx.msk [tilespmem:v60+s12+$0x0], $0xffff;
	_ =	sdelay $0x1  }
0x9e: {  	v45 =	vor.u32 v8, v33;
	v35 =	vmul.f32 v61, v62;
	v37 =	vld.idx.msk [tilespmem:v60+s13+$0x0], $0xffff  }
0x9f: {  	s3 =	sadd.s32 $0x10, s15  }
0xa0: {  	v44 =	vld [tilespmem:s3+$0x0];
	v35 =	vadd.f32 v35, v38  }
0xa1: {  	v46 =	vor.u32 v17, v32;
	v34 =	vmul.f32 v63, v34  }
0xa2: {  	v48 =	vld [tilespmem:s1+$0x1B080];
	[tilespmem:s1+$0x1D070] =	vst v35  }
0xa3: {  	v49 =	vld.idx.msk [tilespmem:v45+s12+$0x0], $0xffff;
	v37 =	vadd.f32 v34, v37  }
0xa4: {  	v47 =	vld [tilespmem:s31+$0x1B110]  }
0xa5: {  	v40 =	vld.idx.msk [tilespmem:v45+s13+$0x0], $0xffff;
	v34 =	vshll.u32 v44, $0x9;
	[tilespmem:s31+$0x1D100] =	vst v37  }
0xa6: {  	v41 =	vor.u32 v0, v34;
	v37 =	vld.idx.msk [tilespmem:v46+s12+$0x0], $0xffff;
	_ =	sdelay $0x1  }
0xa7: {  	s0 =	simm.s32 $0x400;
	v50 =	vor.u32 v9, v33;
	v35 =	vmul.f32 v48, v49;
	v38 =	vld.idx.msk [tilespmem:v46+s13+$0x0], $0xffff  }
0xa8: {  	v42 =	vld [tilespmem:s0+$0x1B000]  }
0xa9: {  	v52 =	vld [tilespmem:s1+$0x1B090];
	v35 =	vadd.f32 v35, v40  }
0xaa: {  	v51 =	vor.u32 v18, v32;
	v43 =	vld.idx.msk [tilespmem:v41+s12+$0x0], $0xffff;
	v37 =	vmul.f32 v47, v37  }
0xab: {  	[tilespmem:s1+$0x1D080] =	vst v35;
	v41 =	vld.idx.msk [tilespmem:v41+s13+$0x0], $0xffff  }
0xac: {  	v55 =	vld.idx.msk [tilespmem:v50+s12+$0x0], $0xffff;
	v53 =	vadd.f32 v37, v38  }
0xad: {  	v44 =	vld [tilespmem:s31+$0x1B120]  }
0xae: {  	v36 =	vld.idx.msk [tilespmem:v50+s13+$0x0], $0xffff;
	[tilespmem:s31+$0x1D110] =	vst v53  }
0xaf: {  	v56 =	vor.u32 v1, v34;
	v54 =	vmul.f32 v42, v43;
	v58 =	vld.idx.msk [tilespmem:v51+s12+$0x0], $0xffff;
	_ =	sdelay $0x1  }
0xb0: {  	v61 =	vor.u32 v10, v33;
	v38 =	vmul.f32 v52, v55;
	v57 =	vadd.f32 v54, v41;
	v39 =	vld.idx.msk [tilespmem:v51+s13+$0x0], $0xffff  }
0xb1: {  	v59 =	vld [tilespmem:s0+$0x1B010]  }
0xb2: {  	v63 =	vld [tilespmem:s1+$0x1B0A0];
	v36 =	vadd.f32 v38, v36;
	[tilespmem:s0+$0x1D000] =	vst v57  }
0xb3: {  	v62 =	vor.u32 v19, v32;
	v60 =	vld.idx.msk [tilespmem:v56+s12+$0x0], $0xffff;
	v37 =	vmul.f32 v44, v58  }
0xb4: {  	[tilespmem:s1+$0x1D090] =	vst v36;
	v42 =	vld.idx.msk [tilespmem:v56+s13+$0x0], $0xffff  }
0xb5: {  	v50 =	vld.idx.msk [tilespmem:v61+s12+$0x0], $0xffff;
	v49 =	vadd.f32 v37, v39  }
0xb6: {  	v48 =	vld [tilespmem:s31+$0x1B130]  }
0xb7: {  	v40 =	vld.idx.msk [tilespmem:v61+s13+$0x0], $0xffff;
	[tilespmem:s31+$0x1D120] =	vst v49  }
0xb8: {  	v51 =	vor.u32 v2, v34;
	v35 =	vmul.f32 v59, v60;
	v36 =	vld.idx.msk [tilespmem:v62+s12+$0x0], $0xffff;
	_ =	sdelay $0x1  }
0xb9: {  	v53 =	vor.u32 v11, v33;
	v37 =	vmul.f32 v63, v50;
	v35 =	vadd.f32 v35, v42;
	v38 =	vld.idx.msk [tilespmem:v62+s13+$0x0], $0xffff  }
0xba: {  	v52 =	vld [tilespmem:s0+$0x1B020]  }
0xbb: {  	v56 =	vld [tilespmem:s1+$0x1B0B0];
	v37 =	vadd.f32 v37, v40;
	[tilespmem:s0+$0x1D010] =	vst v35  }
0xbc: {  	v55 =	vor.u32 v20, v32;
	v54 =	vld.idx.msk [tilespmem:v51+s12+$0x0], $0xffff;
	v36 =	vmul.f32 v48, v36  }
0xbd: {  	[tilespmem:s1+$0x1D0A0] =	vst v37;
	v39 =	vld.idx.msk [tilespmem:v51+s13+$0x0], $0xffff  }
0xbe: {  	v37 =	vld.idx.msk [tilespmem:v53+s12+$0x0], $0xffff;
	v36 =	vadd.f32 v36, v38  }
0xbf: {  	v57 =	vld [tilespmem:s31+$0x1B140]  }
0xc0: {  	v58 =	vld.idx.msk [tilespmem:v53+s13+$0x0], $0xffff;
	[tilespmem:s31+$0x1D130] =	vst v36  }
0xc1: {  	v59 =	vor.u32 v3, v34;
	v35 =	vmul.f32 v52, v54;
	v60 =	vld.idx.msk [tilespmem:v55+s12+$0x0], $0xffff;
	_ =	sdelay $0x1  }
0xc2: {  	v63 =	vor.u32 v12, v33;
	v62 =	vmul.f32 v56, v37;
	v35 =	vadd.f32 v35, v39;
	v61 =	vld.idx.msk [tilespmem:v55+s13+$0x0], $0xffff  }
0xc3: {  	v50 =	vld [tilespmem:s1+$0x1B0C0]  }
0xc4: {  	v48 =	vld [tilespmem:s0+$0x1B030];
	[tilespmem:s0+$0x1D020] =	vst v35;
	v35 =	vadd.f32 v62, v58  }
0xc5: {  	v52 =	vor.u32 v21, v32;
	v49 =	vld.idx.msk [tilespmem:v59+s12+$0x0], $0xffff;
	v51 =	vmul.f32 v57, v60  }
0xc6: {  	v36 =	vld.idx.msk [tilespmem:v59+s13+$0x0], $0xffff;
	[tilespmem:s1+$0x1D0B0] =	vst v35  }
0xc7: {  	v55 =	vld.idx.msk [tilespmem:v63+s12+$0x0], $0xffff;
	v54 =	vadd.f32 v51, v61  }
0xc8: {  	v53 =	vld [tilespmem:s31+$0x1B150]  }
0xc9: {  	v37 =	vld.idx.msk [tilespmem:v63+s13+$0x0], $0xffff;
	[tilespmem:s31+$0x1D140] =	vst v54  }
0xca: {  	v58 =	vor.u32 v4, v34;
	v56 =	vmul.f32 v48, v49;
	v57 =	vld.idx.msk [tilespmem:v52+s12+$0x0], $0xffff  }
0xcb: {  	v45 =	vld [tilespmem:s1+$0x1B0F0]  }
0xcc: {  	v61 =	vor.u32 v13, v33;
	v35 =	vadd.f32 v56, v36;
	v59 =	vld.idx.msk [tilespmem:v52+s13+$0x0], $0xffff;
	v38 =	vmul.f32 v50, v55  }
0xcd: {  	v62 =	vld [tilespmem:s0+$0x1B040]  }
0xce: {  	v50 =	vld [tilespmem:s1+$0x1B0D0];
	[tilespmem:s0+$0x1D030] =	vst v35;
	v37 =	vadd.f32 v38, v37  }
0xcf: {  	v48 =	vor.u32 v22, v32;
	v49 =	vld.idx.msk [tilespmem:v58+s12+$0x0], $0xffff;
	v63 =	vmul.f32 v53, v57  }
0xd0: {  	v40 =	vld.idx.msk [tilespmem:v58+s13+$0x0], $0xffff;
	[tilespmem:s1+$0x1D0C0] =	vst v37  }
0xd1: {  	v37 =	vld.idx.msk [tilespmem:v61+s12+$0x0], $0xffff;
	v36 =	vadd.f32 v63, v59  }
0xd2: {  	v60 =	vld [tilespmem:s31+$0x1B160]  }
0xd3: {  	v51 =	vld.idx.msk [tilespmem:v61+s13+$0x0], $0xffff;
	[tilespmem:s31+$0x1D150] =	vst v36  }
0xd4: {  	v52 =	vor.u32 v5, v34;
	v35 =	vmul.f32 v62, v49;
	v36 =	vld.idx.msk [tilespmem:v48+s12+$0x0], $0xffff  }
0xd5: {  	v46 =	vld [tilespmem:s31+$0x1B180]  }
0xd6: {  	v53 =	vor.u32 v14, v33;
	v39 =	vld.idx.msk [tilespmem:v48+s13+$0x0], $0xffff;
	v35 =	vadd.f32 v35, v40;
	v37 =	vmul.f32 v50, v37  }
0xd7: {  	v54 =	vld [tilespmem:s1+$0x1B0E0]  }
0xd8: {  	v55 =	vld [tilespmem:s0+$0x1B050];
	[tilespmem:s0+$0x1D040] =	vst v35;
	v37 =	vadd.f32 v37, v51  }
0xd9: {  	v56 =	vor.u32 v23, v32;
	v57 =	vld.idx.msk [tilespmem:v52+s12+$0x0], $0xffff;
	v36 =	vmul.f32 v60, v36  }
0xda: {  	v42 =	vld.idx.msk [tilespmem:v52+s13+$0x0], $0xffff;
	[tilespmem:s1+$0x1D0D0] =	vst v37  }
0xdb: {  	v37 =	vld.idx.msk [tilespmem:v53+s12+$0x0], $0xffff;
	v36 =	vadd.f32 v36, v39  }
0xdc: {  	v58 =	vld.idx.msk [tilespmem:v53+s13+$0x0], $0xffff  }
0xdd: {  	v60 =	vld [tilespmem:s31+$0x1B170];
	[tilespmem:s31+$0x1D160] =	vst v36  }
0xde: {  	v59 =	vld.idx.msk [tilespmem:v56+s12+$0x0], $0xffff  }
0xdf: {  	v47 =	vld [tilespmem:s1+$0x1B100];
	v62 =	vor.u32 v6, v34;
	v61 =	vmul.f32 v55, v57  }
0xe0: {  	v38 =	vld.idx.msk [tilespmem:v56+s13+$0x0], $0xffff  }
0xe1: {  	v63 =	vor.u32 v15, v33;
	v48 =	vld [tilespmem:s0+$0x1B060];
	v42 =	vadd.f32 v61, v42;
	v37 =	vmul.f32 v54, v37  }
0xe2: {  	v35 =	vld [tilespmem:s31+$0x1B1E0]  }
0xe3: {  	v50 =	vor.u32 v24, v32;
	v36 =	vld [tilespmem:s31+$0x1B1D0];
	[tilespmem:s0+$0x1D050] =	vst v42;
	v37 =	vadd.f32 v37, v58;
	v49 =	vmul.f32 v60, v59  }
0xe4: {  	v51 =	vld.idx.msk [tilespmem:v62+s12+$0x0], $0xffff  }
0xe5: {  	v41 =	vld.idx.msk [tilespmem:v62+s13+$0x0], $0xffff;
	[tilespmem:s1+$0x1D0E0] =	vst v37;
	v52 =	vadd.f32 v49, v38  }
0xe6: {  	v53 =	vld.idx.msk [tilespmem:v63+s12+$0x0], $0xffff  }
0xe7: {  	v54 =	vld.idx.msk [tilespmem:v63+s13+$0x0], $0xffff;
	[tilespmem:s31+$0x1D170] =	vst v52  }
0xe8: {  	v55 =	vld.idx.msk [tilespmem:v50+s12+$0x0], $0xffff  }
0xe9: {  	v56 =	vor.u32 v7, v34;
	v37 =	vld [tilespmem:s31+$0x1B1C0];
	v42 =	vmul.f32 v48, v51  }
0xea: {  	v40 =	vld.idx.msk [tilespmem:v50+s13+$0x0], $0xffff  }
0xeb: {  	v58 =	vor.u32 v16, v33;
	v59 =	vld [tilespmem:s0+$0x1B070];
	v41 =	vadd.f32 v42, v41;
	v57 =	vmul.f32 v45, v53  }
0xec: {  	v38 =	vld [tilespmem:s31+$0x1B1B0]  }
0xed: {  	v61 =	vor.u32 v25, v32;
	v45 =	vld [tilespmem:s31+$0x1B190];
	[tilespmem:s0+$0x1D060] =	vst v41;
	v39 =	vadd.f32 v57, v54;
	v60 =	vmul.f32 v46, v55  }
0xee: {  	v48 =	vld.idx.msk [tilespmem:v56+s12+$0x0], $0xffff  }
0xef: {  	v49 =	vld.idx.msk [tilespmem:v56+s13+$0x0], $0xffff;
	[tilespmem:s1+$0x1D0F0] =	vst v39;
	v62 =	vadd.f32 v60, v40  }
0xf0: {  	v50 =	vld.idx.msk [tilespmem:v58+s12+$0x0], $0xffff  }
0xf1: {  	v42 =	vld.idx.msk [tilespmem:v58+s13+$0x0], $0xffff;
	[tilespmem:s31+$0x1D180] =	vst v62  }
0xf2: {  	v43 =	vld.idx.msk [tilespmem:v61+s12+$0x0], $0xffff  }
0xf3: {  	v44 =	vor.u32 v8, v34;
	v41 =	vld [tilespmem:s31+$0x1B1A0];
	v63 =	vmul.f32 v59, v48  }
0xf4: {  	v39 =	vld.idx.msk [tilespmem:v61+s13+$0x0], $0xffff  }
0xf5: {  	s15 =	sadd.s32 $0x10, s3;
	v46 =	vor.u32 v17, v33;
	v40 =	vld [tilespmem:s1+$0x1B110];
	v49 =	vadd.f32 v63, v49;
	v48 =	vmul.f32 v47, v50  }
0xf6: {  	s30 =	sshll.u32 s29, $0xA;
	s5 =	simm.s32 $0x2000;
	s3 =	simm.s32 $0x1800;
	v47 =	vld [tilespmem:s15+$0x0]  }
.LBB2_3:
0xf7: {  	p1 =	sne.s32 s5, $0x3800;
	[tilespmem:s0+$0x1D070] =	vst v49;
	v49 =	vld [tilespmem:s0+$0x1B080];
	v42 =	vadd.f32 v48, v42;
	v43 =	vmul.f32 v45, v43;
	v45 =	vor.u32 v26, v32  }
0xf8: {  	v48 =	vld.idx.msk [tilespmem:v44+s12+$0x0], $0xffff  }
0xf9: {  	v44 =	vld.idx.msk [tilespmem:v44+s13+$0x0], $0xffff;
	[tilespmem:s1+$0x1D100] =	vst v42;
	v42 =	vadd.f32 v43, v39  }
0xfa: {  	v43 =	vld.idx.msk [tilespmem:v46+s12+$0x0], $0xffff  }
0xfb: {  	v39 =	vshll.u32 v47, $0x9;
	v46 =	vld.idx.msk [tilespmem:v46+s13+$0x0], $0xffff;
	[tilespmem:s31+$0x1D190] =	vst v42  }
0xfc: {  	v42 =	vor.u32 v0, v39;
	v47 =	vld.idx.msk [tilespmem:v45+s12+$0x0], $0xffff  }
0xfd: {  	v50 =	vld [tilespmem:s1+$0x1B120]  }
0xfe: {  	v48 =	vmul.f32 v49, v48;
	v49 =	vor.u32 v9, v34;
	v45 =	vld.idx.msk [tilespmem:v45+s13+$0x0], $0xffff  }
0xff: {  	s6 =	sshra.s32 s3, $0x2;
	s3 =	smov.u32 s5;
	v51 =	vld [tilespmem:s0+$0x1B090]  }
0x100: {  	v44 =	vadd.f32 v48, v44;
	v40 =	vmul.f32 v40, v43;
	v43 =	vor.u32 v18, v33;
	v52 =	vld [tilespmem:s6+$0x1B000]  }
0x101: {  	v53 =	vor.u32 v27, v32;
	v48 =	vld.idx.msk [tilespmem:v42+s12+$0x0], $0xffff  }
0x102: {  	v40 =	vadd.f32 v40, v46;
	v41 =	vmul.f32 v41, v47;
	v42 =	vld.idx.msk [tilespmem:v42+s13+$0x0], $0xffff;
	[tilespmem:s0+$0x1D080] =	vst v44  }
0x103: {  	v44 =	vld.idx.msk [tilespmem:v49+s12+$0x0], $0xffff  }
0x104: {  	v46 =	vld.idx.msk [tilespmem:v49+s13+$0x0], $0xffff;
	[tilespmem:s1+$0x1D110] =	vst v40;
	v40 =	vadd.f32 v41, v45  }
0x105: {  	v41 =	vld.idx.msk [tilespmem:v43+s12+$0x0], $0xffff  }
0x106: {  	v43 =	vld.idx.msk [tilespmem:v43+s13+$0x0], $0xffff;
	[tilespmem:s31+$0x1D1A0] =	vst v40  }
0x107: {  	v45 =	vor.u32 v1, v39;
	v40 =	vmul.f32 v52, v48;
	v47 =	vld.idx.msk [tilespmem:v53+s12+$0x0], $0xffff  }
0x108: {  	v48 =	vld [tilespmem:s1+$0x1B130]  }
0x109: {  	v40 =	vadd.f32 v40, v42;
	v42 =	vmul.f32 v51, v44;
	v44 =	vor.u32 v10, v34;
	v49 =	vld.idx.msk [tilespmem:v53+s13+$0x0], $0xffff  }
0x10a: {  	v51 =	vld [tilespmem:s0+$0x1B0A0]  }
0x10b: {  	v42 =	vadd.f32 v42, v46;
	v41 =	vmul.f32 v50, v41;
	v46 =	vor.u32 v19, v33;
	[tilespmem:s6+$0x1D000] =	vst v40;
	v40 =	vld [tilespmem:s6+$0x1B010]  }
0x10c: {  	v52 =	vor.u32 v28, v32;
	v50 =	vld.idx.msk [tilespmem:v45+s12+$0x0], $0xffff  }
0x10d: {  	v41 =	vadd.f32 v41, v43;
	v38 =	vmul.f32 v38, v47;
	v45 =	vld.idx.msk [tilespmem:v45+s13+$0x0], $0xffff;
	[tilespmem:s0+$0x1D090] =	vst v42  }
0x10e: {  	v42 =	vld.idx.msk [tilespmem:v44+s12+$0x0], $0xffff  }
0x10f: {  	v38 =	vadd.f32 v38, v49;
	v43 =	vld.idx.msk [tilespmem:v44+s13+$0x0], $0xffff;
	[tilespmem:s1+$0x1D120] =	vst v41  }
0x110: {  	v41 =	vld.idx.msk [tilespmem:v46+s12+$0x0], $0xffff  }
0x111: {  	v44 =	vld.idx.msk [tilespmem:v46+s13+$0x0], $0xffff;
	[tilespmem:s31+$0x1D1B0] =	vst v38  }
0x112: {  	v38 =	vmul.f32 v40, v50;
	v40 =	vor.u32 v2, v39;
	v46 =	vld.idx.msk [tilespmem:v52+s12+$0x0], $0xffff  }
0x113: {  	v47 =	vld [tilespmem:s1+$0x1B140]  }
0x114: {  	v38 =	vadd.f32 v38, v45;
	v42 =	vmul.f32 v51, v42;
	v45 =	vor.u32 v11, v34;
	v49 =	vld.idx.msk [tilespmem:v52+s13+$0x0], $0xffff  }
0x115: {  	v50 =	vld [tilespmem:s0+$0x1B0B0]  }
0x116: {  	v42 =	vadd.f32 v42, v43;
	v41 =	vmul.f32 v48, v41;
	v43 =	vor.u32 v20, v33;
	[tilespmem:s6+$0x1D010] =	vst v38;
	v38 =	vld [tilespmem:s6+$0x1B020]  }
0x117: {  	v51 =	vor.u32 v29, v32;
	v48 =	vld.idx.msk [tilespmem:v40+s12+$0x0], $0xffff  }
0x118: {  	v41 =	vadd.f32 v41, v44;
	v37 =	vmul.f32 v37, v46;
	v40 =	vld.idx.msk [tilespmem:v40+s13+$0x0], $0xffff;
	[tilespmem:s0+$0x1D0A0] =	vst v42  }
0x119: {  	v42 =	vld.idx.msk [tilespmem:v45+s12+$0x0], $0xffff  }
0x11a: {  	v37 =	vadd.f32 v37, v49;
	v44 =	vld.idx.msk [tilespmem:v45+s13+$0x0], $0xffff;
	[tilespmem:s1+$0x1D130] =	vst v41  }
0x11b: {  	v41 =	vld.idx.msk [tilespmem:v43+s12+$0x0], $0xffff  }
0x11c: {  	v43 =	vld.idx.msk [tilespmem:v43+s13+$0x0], $0xffff;
	[tilespmem:s31+$0x1D1C0] =	vst v37  }
0x11d: {  	v37 =	vmul.f32 v38, v48;
	v38 =	vor.u32 v3, v39;
	v45 =	vld.idx.msk [tilespmem:v51+s12+$0x0], $0xffff  }
0x11e: {  	v46 =	vld [tilespmem:s1+$0x1B150]  }
0x11f: {  	v37 =	vadd.f32 v37, v40;
	v40 =	vmul.f32 v50, v42;
	v42 =	vor.u32 v12, v34;
	v48 =	vld.idx.msk [tilespmem:v51+s13+$0x0], $0xffff  }
0x120: {  	v49 =	vld [tilespmem:s0+$0x1B0C0]  }
0x121: {  	v40 =	vadd.f32 v40, v44;
	v41 =	vmul.f32 v47, v41;
	v44 =	vor.u32 v21, v33;
	[tilespmem:s6+$0x1D020] =	vst v37;
	v37 =	vld [tilespmem:s6+$0x1B030]  }
0x122: {  	v50 =	vor.u32 v30, v32;
	v47 =	vld.idx.msk [tilespmem:v38+s12+$0x0], $0xffff  }
0x123: {  	v36 =	vmul.f32 v36, v45;
	v38 =	vld.idx.msk [tilespmem:v38+s13+$0x0], $0xffff;
	[tilespmem:s0+$0x1D0B0] =	vst v40;
	v40 =	vadd.f32 v41, v43  }
0x124: {  	v41 =	vld.idx.msk [tilespmem:v42+s12+$0x0], $0xffff  }
0x125: {  	v36 =	vadd.f32 v36, v48;
	v42 =	vld.idx.msk [tilespmem:v42+s13+$0x0], $0xffff;
	[tilespmem:s1+$0x1D140] =	vst v40  }
0x126: {  	v40 =	vld.idx.msk [tilespmem:v44+s12+$0x0], $0xffff  }
0x127: {  	v43 =	vld.idx.msk [tilespmem:v44+s13+$0x0], $0xffff;
	[tilespmem:s31+$0x1D1D0] =	vst v36  }
0x128: {  	v36 =	vmul.f32 v37, v47;
	v37 =	vor.u32 v4, v39;
	v44 =	vld.idx.msk [tilespmem:v50+s12+$0x0], $0xffff  }
0x129: {  	v45 =	vld [tilespmem:s1+$0x1B160]  }
0x12a: {  	v36 =	vadd.f32 v36, v38;
	v38 =	vmul.f32 v49, v41;
	v41 =	vor.u32 v13, v34;
	v47 =	vld.idx.msk [tilespmem:v50+s13+$0x0], $0xffff  }
0x12b: {  	v48 =	vld [tilespmem:s0+$0x1B0D0]  }
0x12c: {  	v38 =	vadd.f32 v38, v42;
	v40 =	vmul.f32 v46, v40;
	v42 =	vor.u32 v22, v33;
	[tilespmem:s6+$0x1D030] =	vst v36;
	v36 =	vld [tilespmem:s6+$0x1B040]  }
0x12d: {  	v49 =	vor.u32 v31, v32;
	v32 =	vmovc v33;
	v33 =	vmov v34;
	v34 =	vmov v39;
	v46 =	vld.idx.msk [tilespmem:v37+s12+$0x0], $0xffff  }
0x12e: {  	v35 =	vmul.f32 v35, v44;
	v37 =	vld.idx.msk [tilespmem:v37+s13+$0x0], $0xffff;
	[tilespmem:s0+$0x1D0C0] =	vst v38;
	v38 =	vadd.f32 v40, v43  }
0x12f: {  	v39 =	vld.idx.msk [tilespmem:v41+s12+$0x0], $0xffff  }
0x130: {  	v35 =	vadd.f32 v35, v47;
	v40 =	vld.idx.msk [tilespmem:v41+s13+$0x0], $0xffff;
	[tilespmem:s1+$0x1D150] =	vst v38  }
0x131: {  	v38 =	vld.idx.msk [tilespmem:v42+s12+$0x0], $0xffff  }
0x132: {  	v41 =	vld.idx.msk [tilespmem:v42+s13+$0x0], $0xffff;
	[tilespmem:s31+$0x1D1E0] =	vst v35  }
0x133: {  	v35 =	vmul.f32 v36, v46;
	v36 =	vor.u32 v5, v34;
	v42 =	vld.idx.msk [tilespmem:v49+s12+$0x0], $0xffff  }
0x134: {  	v43 =	vld [tilespmem:s31+$0x1B1F0]  }
0x135: {  	v35 =	vadd.f32 v35, v37;
	v37 =	vmul.f32 v48, v39;
	v39 =	vor.u32 v14, v33;
	v44 =	vld.idx.msk [tilespmem:v49+s13+$0x0], $0xffff  }
0x136: {  	v46 =	vld [tilespmem:s0+$0x1B0E0]  }
0x137: {  	v37 =	vadd.f32 v37, v40;
	v38 =	vmul.f32 v45, v38;
	v40 =	vor.u32 v23, v32;
	[tilespmem:s6+$0x1D040] =	vst v35;
	v35 =	vld [tilespmem:s6+$0x1B050]  }
0x138: {  	v45 =	vld.idx.msk [tilespmem:v36+s12+$0x0], $0xffff  }
0x139: {  	v36 =	vld.idx.msk [tilespmem:v36+s13+$0x0], $0xffff;
	[tilespmem:s0+$0x1D0D0] =	vst v37;
	v37 =	vadd.f32 v38, v41;
	v38 =	vmul.f32 v43, v42  }
0x13a: {  	v41 =	vld.idx.msk [tilespmem:v39+s12+$0x0], $0xffff  }
0x13b: {  	v39 =	vld.idx.msk [tilespmem:v39+s13+$0x0], $0xffff;
	[tilespmem:s1+$0x1D160] =	vst v37;
	v37 =	vadd.f32 v38, v44  }
0x13c: {  	v38 =	vld.idx.msk [tilespmem:v40+s12+$0x0], $0xffff  }
0x13d: {  	v42 =	vld [tilespmem:s1+$0x1B170];
	[tilespmem:s31+$0x1D1F0] =	vst v37;
	s31 =	smov.u32 s1;
	s1 =	smov.u32 s0;
	s0 =	smov.u32 s6  }
0x13e: {  	v43 =	vor.u32 v6, v34;
	v37 =	vmul.f32 v35, v45;
	v40 =	vld.idx.msk [tilespmem:v40+s13+$0x0], $0xffff  }
0x13f: {  	v35 =	vld [tilespmem:s31+$0x1B1E0]  }
0x140: {  	v44 =	vor.u32 v15, v33;
	v37 =	vadd.f32 v37, v36;
	v41 =	vmul.f32 v46, v41;
	v36 =	vld [tilespmem:s31+$0x1B1D0]  }
0x141: {  	v45 =	vld [tilespmem:s1+$0x1B0F0]  }
0x142: {  	v39 =	vadd.f32 v41, v39;
	v41 =	vor.u32 v24, v32;
	[tilespmem:s0+$0x1D050] =	vst v37;
	v37 =	vld [tilespmem:s0+$0x1B060];
	v38 =	vmul.f32 v42, v38  }
0x143: {  	v42 =	vld.idx.msk [tilespmem:v43+s12+$0x0], $0xffff  }
0x144: {  	v43 =	vld.idx.msk [tilespmem:v43+s13+$0x0], $0xffff;
	[tilespmem:s1+$0x1D0E0] =	vst v39;
	v38 =	vadd.f32 v38, v40  }
0x145: {  	v39 =	vld.idx.msk [tilespmem:v44+s12+$0x0], $0xffff  }
0x146: {  	v40 =	vld.idx.msk [tilespmem:v44+s13+$0x0], $0xffff;
	[tilespmem:s31+$0x1D170] =	vst v38  }
0x147: {  	v44 =	vld.idx.msk [tilespmem:v41+s12+$0x0], $0xffff  }
0x148: {  	v46 =	vld [tilespmem:s31+$0x1B180]  }
0x149: {  	v38 =	vmul.f32 v37, v42;
	v42 =	vor.u32 v7, v34;
	v41 =	vld.idx.msk [tilespmem:v41+s13+$0x0], $0xffff  }
0x14a: {  	v37 =	vld [tilespmem:s31+$0x1B1C0]  }
0x14b: {  	v43 =	vadd.f32 v38, v43;
	v39 =	vmul.f32 v45, v39;
	v45 =	vor.u32 v16, v33;
	v38 =	vld [tilespmem:s31+$0x1B1B0]  }
0x14c: {  	v47 =	vld [tilespmem:s1+$0x1B100]  }
0x14d: {  	v39 =	vadd.f32 v39, v40;
	[tilespmem:s0+$0x1D060] =	vst v43;
	v48 =	vld [tilespmem:s0+$0x1B070];
	v40 =	vmul.f32 v46, v44;
	v46 =	vor.u32 v25, v32  }
0x14e: {  	v44 =	vld.idx.msk [tilespmem:v42+s12+$0x0], $0xffff  }
0x14f: {  	v49 =	vld.idx.msk [tilespmem:v42+s13+$0x0], $0xffff;
	[tilespmem:s1+$0x1D0F0] =	vst v39;
	v39 =	vadd.f32 v40, v41  }
0x150: {  	v40 =	vld.idx.msk [tilespmem:v45+s12+$0x0], $0xffff  }
0x151: {  	v42 =	vld.idx.msk [tilespmem:v45+s13+$0x0], $0xffff;
	[tilespmem:s31+$0x1D180] =	vst v39  }
0x152: {  	v43 =	vld.idx.msk [tilespmem:v46+s12+$0x0], $0xffff  }
.Ltmp2:
0x153: {  	v45 =	vld [tilespmem:s31+$0x1B190];
	(pc) =	sbr.rel @p1 .LBB2_3-.Ltmp2, $4  }
0x154: {  	v48 =	vmul.f32 v48, v44;
	v44 =	vor.u32 v8, v34;
	v39 =	vld.idx.msk [tilespmem:v46+s13+$0x0], $0xffff  }
0x155: {  	v41 =	vld [tilespmem:s31+$0x1B1A0]  }
0x156: {  	s15 =	sadd.s32 $0x10, s15;
	v46 =	vor.u32 v17, v33;
	v49 =	vadd.f32 v48, v49;
	v48 =	vmul.f32 v47, v40;
	v40 =	vld [tilespmem:s1+$0x1B110]  }
0x157: {  	s5 =	sadd.s32 $0x800, s5;
	v47 =	vld [tilespmem:s15+$0x0]  }
0x158: {  	_ =	sdelay $0x2  }
0x159: {  	[tilespmem:s0+$0x1D070] =	vst v49;
	v52 =	vld [tilespmem:s0+$0x1B080];
	v43 =	vmul.f32 v45, v43  }
0x15a: {  	v42 =	vadd.f32 v48, v42;
	v53 =	vor.u32 v26, v32;
	v54 =	vld.idx.msk [tilespmem:v44+s12+$0x0], $0xffff  }
0x15b: {  	s3 =	sshra.s32 s3, $0x2;
	v55 =	vld.idx.msk [tilespmem:v44+s13+$0x0], $0xffff;
	v56 =	vadd.f32 v43, v39;
	v39 =	vshll.u32 v47, $0x9  }
0x15c: {  	v51 =	vld [tilespmem:s3+$0x1B000];
	[tilespmem:s1+$0x1D100] =	vst v42;
	v47 =	vor.u32 v0, v39  }
0x15d: {  	v57 =	vld.idx.msk [tilespmem:v46+s12+$0x0], $0xffff  }
0x15e: {  	v58 =	vld.idx.msk [tilespmem:v46+s13+$0x0], $0xffff;
	[tilespmem:s31+$0x1D190] =	vst v56  }
0x15f: {  	v50 =	vld.idx.msk [tilespmem:v53+s12+$0x0], $0xffff  }
0x160: {  	v59 =	vor.u32 v9, v34;
	v45 =	vld.idx.msk [tilespmem:v53+s13+$0x0], $0xffff;
	v48 =	vmul.f32 v52, v54  }
0x161: {  	v60 =	vld.idx.msk [tilespmem:v47+s12+$0x0], $0xffff  }
0x162: {  	v42 =	vld [tilespmem:s1+$0x1B120];
	v53 =	vor.u32 v18, v33;
	v44 =	vadd.f32 v48, v55;
	v43 =	vmul.f32 v40, v57  }
0x163: {  	v47 =	vld.idx.msk [tilespmem:v47+s13+$0x0], $0xffff  }
0x164: {  	v52 =	vld [tilespmem:s0+$0x1B090];
	v40 =	vor.u32 v27, v32;
	[tilespmem:s0+$0x1D080] =	vst v44;
	v43 =	vadd.f32 v43, v58;
	v41 =	vmul.f32 v41, v50  }
0x165: {  	v62 =	vor.u32 v1, v39;
	v46 =	vld.idx.msk [tilespmem:v59+s12+$0x0], $0xffff  }
0x166: {  	v49 =	vld.idx.msk [tilespmem:v59+s13+$0x0], $0xffff;
	[tilespmem:s1+$0x1D110] =	vst v43;
	v41 =	vadd.f32 v41, v45;
	v61 =	vmul.f32 v51, v60  }
0x167: {  	v44 =	vld.idx.msk [tilespmem:v53+s12+$0x0], $0xffff  }
0x168: {  	v43 =	vld.idx.msk [tilespmem:v53+s13+$0x0], $0xffff;
	[tilespmem:s31+$0x1D1A0] =	vst v41;
	v45 =	vadd.f32 v61, v47  }
0x169: {  	v41 =	vld.idx.msk [tilespmem:v40+s12+$0x0], $0xffff  }
0x16a: {  	v63 =	vld [tilespmem:s3+$0x1B010];
	[tilespmem:s3+$0x1D000] =	vst v45  }
0x16b: {  	v53 =	vld.idx.msk [tilespmem:v62+s12+$0x0], $0xffff;
	_ =	sdelay $0x1  }
0x16c: {  	v48 =	vld.idx.msk [tilespmem:v62+s13+$0x0], $0xffff;
	_ =	sdelay $0x2  }
0x16d: {  	v54 =	vor.u32 v2, v39;
	v45 =	vmul.f32 v63, v53;
	_ =	sdelay $0x1  }
0x16e: {  	v45 =	vadd.f32 v45, v48;
	_ =	sdelay $0x1  }
0x16f: {  	v55 =	vld [tilespmem:s3+$0x1B020];
	[tilespmem:s3+$0x1D010] =	vst v45  }
0x170: {  	v56 =	vld.idx.msk [tilespmem:v54+s12+$0x0], $0xffff;
	_ =	sdelay $0x1  }
0x171: {  	v47 =	vld.idx.msk [tilespmem:v54+s13+$0x0], $0xffff;
	_ =	sdelay $0x2  }
0x172: {  	v57 =	vor.u32 v3, v39;
	v45 =	vmul.f32 v55, v56;
	_ =	sdelay $0x1  }
0x173: {  	v45 =	vadd.f32 v45, v47;
	_ =	sdelay $0x1  }
0x174: {  	v58 =	vld [tilespmem:s3+$0x1B030];
	[tilespmem:s3+$0x1D020] =	vst v45  }
0x175: {  	v59 =	vld.idx.msk [tilespmem:v57+s12+$0x0], $0xffff;
	_ =	sdelay $0x1  }
0x176: {  	v48 =	vld.idx.msk [tilespmem:v57+s13+$0x0], $0xffff;
	_ =	sdelay $0x2  }
0x177: {  	v60 =	vor.u32 v4, v39;
	v45 =	vmul.f32 v58, v59;
	_ =	sdelay $0x1  }
0x178: {  	v45 =	vadd.f32 v45, v48;
	_ =	sdelay $0x1  }
0x179: {  	v61 =	vld [tilespmem:s3+$0x1B040];
	[tilespmem:s3+$0x1D030] =	vst v45  }
0x17a: {  	v62 =	vld.idx.msk [tilespmem:v60+s12+$0x0], $0xffff;
	_ =	sdelay $0x1  }
0x17b: {  	v47 =	vld.idx.msk [tilespmem:v60+s13+$0x0], $0xffff;
	_ =	sdelay $0x2  }
0x17c: {  	v63 =	vor.u32 v5, v39;
	v45 =	vmul.f32 v61, v62;
	_ =	sdelay $0x1  }
0x17d: {  	v45 =	vadd.f32 v45, v47;
	_ =	sdelay $0x1  }
0x17e: {  	v53 =	vld [tilespmem:s3+$0x1B050];
	[tilespmem:s3+$0x1D040] =	vst v45  }
0x17f: {  	v54 =	vld.idx.msk [tilespmem:v63+s12+$0x0], $0xffff;
	_ =	sdelay $0x1  }
0x180: {  	v48 =	vld.idx.msk [tilespmem:v63+s13+$0x0], $0xffff;
	_ =	sdelay $0x2  }
0x181: {  	v55 =	vor.u32 v6, v39;
	v45 =	vmul.f32 v53, v54;
	_ =	sdelay $0x1  }
0x182: {  	v45 =	vadd.f32 v45, v48;
	_ =	sdelay $0x1  }
0x183: {  	v56 =	vld [tilespmem:s3+$0x1B060];
	[tilespmem:s3+$0x1D050] =	vst v45  }
0x184: {  	v57 =	vld.idx.msk [tilespmem:v55+s12+$0x0], $0xffff;
	_ =	sdelay $0x1  }
0x185: {  	v47 =	vld.idx.msk [tilespmem:v55+s13+$0x0], $0xffff;
	_ =	sdelay $0x2  }
0x186: {  	v58 =	vor.u32 v7, v39;
	v45 =	vmul.f32 v56, v57;
	_ =	sdelay $0x1  }
0x187: {  	v45 =	vadd.f32 v45, v47;
	_ =	sdelay $0x1  }
0x188: {  	v59 =	vld [tilespmem:s3+$0x1B070];
	[tilespmem:s3+$0x1D060] =	vst v45  }
0x189: {  	v60 =	vld.idx.msk [tilespmem:v58+s12+$0x0], $0xffff;
	_ =	sdelay $0x1  }
0x18a: {  	v48 =	vld.idx.msk [tilespmem:v58+s13+$0x0], $0xffff;
	_ =	sdelay $0x2  }
0x18b: {  	v61 =	vor.u32 v8, v39;
	v45 =	vmul.f32 v59, v60;
	_ =	sdelay $0x1  }
0x18c: {  	v45 =	vadd.f32 v45, v48;
	_ =	sdelay $0x1  }
0x18d: {  	v62 =	vld [tilespmem:s3+$0x1B080];
	[tilespmem:s3+$0x1D070] =	vst v45  }
0x18e: {  	v63 =	vld.idx.msk [tilespmem:v61+s12+$0x0], $0xffff;
	_ =	sdelay $0x1  }
0x18f: {  	v47 =	vld.idx.msk [tilespmem:v61+s13+$0x0], $0xffff;
	_ =	sdelay $0x2  }
0x190: {  	v53 =	vor.u32 v9, v39;
	v45 =	vmul.f32 v62, v63;
	_ =	sdelay $0x1  }
0x191: {  	v45 =	vadd.f32 v45, v47;
	_ =	sdelay $0x1  }
0x192: {  	v54 =	vld [tilespmem:s3+$0x1B090];
	[tilespmem:s3+$0x1D080] =	vst v45  }
0x193: {  	v46 =	vmul.f32 v52, v46;
	v55 =	vor.u32 v10, v34;
	v45 =	vld.idx.msk [tilespmem:v53+s12+$0x0], $0xffff;
	_ =	sdelay $0x1  }
0x194: {  	v46 =	vadd.f32 v46, v49;
	v48 =	vld.idx.msk [tilespmem:v53+s13+$0x0], $0xffff;
	_ =	sdelay $0x1  }
0x195: {  	[tilespmem:s0+$0x1D090] =	vst v46;
	v56 =	vld [tilespmem:s0+$0x1B0A0]  }
0x196: {  	v57 =	vor.u32 v10, v39;
	v46 =	vld.idx.msk [tilespmem:v55+s12+$0x0], $0xffff;
	v45 =	vmul.f32 v54, v45;
	_ =	sdelay $0x1  }
0x197: {  	v58 =	vld.idx.msk [tilespmem:v55+s13+$0x0], $0xffff;
	v45 =	vadd.f32 v45, v48;
	_ =	sdelay $0x1  }
0x198: {  	v59 =	vld [tilespmem:s3+$0x1B0A0];
	[tilespmem:s3+$0x1D090] =	vst v45  }
0x199: {  	v46 =	vmul.f32 v56, v46;
	v60 =	vor.u32 v11, v34;
	v45 =	vld.idx.msk [tilespmem:v57+s12+$0x0], $0xffff;
	_ =	sdelay $0x1  }
0x19a: {  	v46 =	vadd.f32 v46, v58;
	v47 =	vld.idx.msk [tilespmem:v57+s13+$0x0], $0xffff;
	_ =	sdelay $0x1  }
0x19b: {  	[tilespmem:s0+$0x1D0A0] =	vst v46;
	v61 =	vld [tilespmem:s0+$0x1B0B0]  }
0x19c: {  	v46 =	vld.idx.msk [tilespmem:v60+s12+$0x0], $0xffff;
	v62 =	vor.u32 v11, v39;
	v45 =	vmul.f32 v59, v45;
	_ =	sdelay $0x1  }
0x19d: {  	v63 =	vld.idx.msk [tilespmem:v60+s13+$0x0], $0xffff;
	v45 =	vadd.f32 v45, v47;
	_ =	sdelay $0x1  }
0x19e: {  	v52 =	vld [tilespmem:s3+$0x1B0B0];
	[tilespmem:s3+$0x1D0A0] =	vst v45  }
0x19f: {  	v46 =	vmul.f32 v61, v46;
	v53 =	vor.u32 v12, v34;
	v45 =	vld.idx.msk [tilespmem:v62+s12+$0x0], $0xffff;
	_ =	sdelay $0x1  }
0x1a0: {  	v46 =	vadd.f32 v46, v63;
	v50 =	vld.idx.msk [tilespmem:v62+s13+$0x0], $0xffff;
	_ =	sdelay $0x1  }
0x1a1: {  	[tilespmem:s0+$0x1D0B0] =	vst v46;
	v54 =	vld [tilespmem:s0+$0x1B0C0]  }
0x1a2: {  	v55 =	vor.u32 v12, v39;
	v46 =	vld.idx.msk [tilespmem:v53+s12+$0x0], $0xffff;
	v45 =	vmul.f32 v52, v45;
	_ =	sdelay $0x1  }
0x1a3: {  	v48 =	vld.idx.msk [tilespmem:v53+s13+$0x0], $0xffff;
	v45 =	vadd.f32 v45, v50;
	_ =	sdelay $0x1  }
0x1a4: {  	v56 =	vld [tilespmem:s3+$0x1B0C0];
	[tilespmem:s3+$0x1D0B0] =	vst v45  }
0x1a5: {  	v46 =	vmul.f32 v54, v46;
	v57 =	vor.u32 v13, v34;
	v45 =	vld.idx.msk [tilespmem:v55+s12+$0x0], $0xffff;
	_ =	sdelay $0x1  }
0x1a6: {  	v46 =	vadd.f32 v46, v48;
	v49 =	vld.idx.msk [tilespmem:v55+s13+$0x0], $0xffff;
	_ =	sdelay $0x1  }
0x1a7: {  	v58 =	vld [tilespmem:s0+$0x1B0D0];
	[tilespmem:s0+$0x1D0C0] =	vst v46  }
0x1a8: {  	v59 =	vor.u32 v13, v39;
	v46 =	vld.idx.msk [tilespmem:v57+s12+$0x0], $0xffff;
	v45 =	vmul.f32 v56, v45;
	_ =	sdelay $0x1  }
0x1a9: {  	v47 =	vld.idx.msk [tilespmem:v57+s13+$0x0], $0xffff;
	v45 =	vadd.f32 v45, v49;
	_ =	sdelay $0x1  }
0x1aa: {  	v60 =	vld [tilespmem:s3+$0x1B0D0];
	[tilespmem:s3+$0x1D0C0] =	vst v45  }
0x1ab: {  	v61 =	vor.u32 v14, v34;
	v46 =	vmul.f32 v58, v46;
	v45 =	vld.idx.msk [tilespmem:v59+s12+$0x0], $0xffff;
	_ =	sdelay $0x1  }
0x1ac: {  	v46 =	vadd.f32 v46, v47;
	v50 =	vld.idx.msk [tilespmem:v59+s13+$0x0], $0xffff;
	_ =	sdelay $0x1  }
0x1ad: {  	v62 =	vld [tilespmem:s0+$0x1B0E0];
	[tilespmem:s0+$0x1D0D0] =	vst v46  }
0x1ae: {  	v63 =	vor.u32 v14, v39;
	v46 =	vld.idx.msk [tilespmem:v61+s12+$0x0], $0xffff;
	v45 =	vmul.f32 v60, v45;
	_ =	sdelay $0x1  }
0x1af: {  	v48 =	vld.idx.msk [tilespmem:v61+s13+$0x0], $0xffff;
	v45 =	vadd.f32 v45, v50;
	_ =	sdelay $0x1  }
0x1b0: {  	v52 =	vld [tilespmem:s3+$0x1B0E0];
	[tilespmem:s3+$0x1D0D0] =	vst v45  }
0x1b1: {  	v53 =	vor.u32 v15, v34;
	v46 =	vmul.f32 v62, v46;
	v45 =	vld.idx.msk [tilespmem:v63+s12+$0x0], $0xffff;
	_ =	sdelay $0x1  }
0x1b2: {  	v46 =	vadd.f32 v46, v48;
	v49 =	vld.idx.msk [tilespmem:v63+s13+$0x0], $0xffff;
	_ =	sdelay $0x1  }
0x1b3: {  	v54 =	vld [tilespmem:s0+$0x1B0F0];
	[tilespmem:s0+$0x1D0E0] =	vst v46  }
0x1b4: {  	v55 =	vor.u32 v15, v39;
	v46 =	vld.idx.msk [tilespmem:v53+s12+$0x0], $0xffff;
	v45 =	vmul.f32 v52, v45;
	_ =	sdelay $0x1  }
0x1b5: {  	v47 =	vld.idx.msk [tilespmem:v53+s13+$0x0], $0xffff;
	v45 =	vadd.f32 v45, v49;
	_ =	sdelay $0x1  }
0x1b6: {  	v56 =	vld [tilespmem:s3+$0x1B0F0];
	[tilespmem:s3+$0x1D0E0] =	vst v45  }
0x1b7: {  	v57 =	vor.u32 v16, v34;
	v46 =	vmul.f32 v54, v46;
	v45 =	vld.idx.msk [tilespmem:v55+s12+$0x0], $0xffff;
	_ =	sdelay $0x1  }
0x1b8: {  	v46 =	vadd.f32 v46, v47;
	v50 =	vld.idx.msk [tilespmem:v55+s13+$0x0], $0xffff;
	_ =	sdelay $0x1  }
0x1b9: {  	v58 =	vld [tilespmem:s0+$0x1B100];
	[tilespmem:s0+$0x1D0F0] =	vst v46  }
0x1ba: {  	v59 =	vor.u32 v16, v39;
	v46 =	vld.idx.msk [tilespmem:v57+s12+$0x0], $0xffff;
	v45 =	vmul.f32 v56, v45;
	_ =	sdelay $0x1  }
0x1bb: {  	v48 =	vld.idx.msk [tilespmem:v57+s13+$0x0], $0xffff;
	v45 =	vadd.f32 v45, v50;
	_ =	sdelay $0x1  }
0x1bc: {  	v60 =	vld [tilespmem:s3+$0x1B100];
	[tilespmem:s3+$0x1D0F0] =	vst v45  }
0x1bd: {  	v61 =	vor.u32 v17, v34;
	v46 =	vmul.f32 v58, v46;
	v45 =	vld.idx.msk [tilespmem:v59+s12+$0x0], $0xffff;
	_ =	sdelay $0x1  }
0x1be: {  	v46 =	vadd.f32 v46, v48;
	v49 =	vld.idx.msk [tilespmem:v59+s13+$0x0], $0xffff;
	_ =	sdelay $0x1  }
0x1bf: {  	v62 =	vld [tilespmem:s0+$0x1B110];
	[tilespmem:s0+$0x1D100] =	vst v46  }
0x1c0: {  	v63 =	vor.u32 v17, v39;
	v46 =	vld.idx.msk [tilespmem:v61+s12+$0x0], $0xffff;
	v45 =	vmul.f32 v60, v45;
	_ =	sdelay $0x1  }
0x1c1: {  	v47 =	vld.idx.msk [tilespmem:v61+s13+$0x0], $0xffff;
	v45 =	vadd.f32 v45, v49  }
0x1c2: {  	v42 =	vmul.f32 v42, v44;
	v52 =	vor.u32 v19, v33  }
0x1c3: {  	v53 =	vld [tilespmem:s3+$0x1B110];
	[tilespmem:s3+$0x1D100] =	vst v45  }
0x1c4: {  	v42 =	vadd.f32 v42, v43;
	v57 =	vor.u32 v18, v34;
	v56 =	vmul.f32 v62, v46;
	v54 =	vld.idx.msk [tilespmem:v63+s12+$0x0], $0xffff  }
0x1c5: {  	v55 =	vld [tilespmem:s1+$0x1B130]  }
0x1c6: {  	[tilespmem:s1+$0x1D120] =	vst v42;
	v42 =	vadd.f32 v56, v47;
	v58 =	vld.idx.msk [tilespmem:v63+s13+$0x0], $0xffff  }
0x1c7: {  	v59 =	vld.idx.msk [tilespmem:v52+s12+$0x0], $0xffff  }
0x1c8: {  	v44 =	vld.idx.msk [tilespmem:v52+s13+$0x0], $0xffff;
	[tilespmem:s0+$0x1D110] =	vst v42  }
0x1c9: {  	v61 =	vor.u32 v18, v39;
	v42 =	vld.idx.msk [tilespmem:v57+s12+$0x0], $0xffff;
	v43 =	vmul.f32 v53, v54  }
0x1ca: {  	v60 =	vld [tilespmem:s0+$0x1B120]  }
0x1cb: {  	v43 =	vadd.f32 v43, v58  }
0x1cc: {  	v62 =	vor.u32 v20, v33;
	v46 =	vld.idx.msk [tilespmem:v57+s13+$0x0], $0xffff;
	v45 =	vmul.f32 v55, v59  }
0x1cd: {  	v63 =	vld [tilespmem:s3+$0x1B120];
	[tilespmem:s3+$0x1D110] =	vst v43  }
0x1ce: {  	v52 =	vadd.f32 v45, v44;
	v53 =	vld.idx.msk [tilespmem:v61+s12+$0x0], $0xffff  }
0x1cf: {  	v55 =	vor.u32 v19, v34;
	v42 =	vmul.f32 v60, v42  }
0x1d0: {  	[tilespmem:s1+$0x1D130] =	vst v52;
	v56 =	vld.idx.msk [tilespmem:v61+s13+$0x0], $0xffff  }
0x1d1: {  	v42 =	vadd.f32 v42, v46;
	v57 =	vld.idx.msk [tilespmem:v62+s12+$0x0], $0xffff  }
0x1d2: {  	v54 =	vld [tilespmem:s1+$0x1B140]  }
0x1d3: {  	v59 =	vor.u32 v19, v39;
	v48 =	vld.idx.msk [tilespmem:v62+s13+$0x0], $0xffff;
	[tilespmem:s0+$0x1D120] =	vst v42;
	v44 =	vmul.f32 v63, v53  }
0x1d4: {  	v42 =	vld.idx.msk [tilespmem:v55+s12+$0x0], $0xffff  }
0x1d5: {  	v58 =	vld [tilespmem:s0+$0x1B130];
	v44 =	vadd.f32 v44, v56  }
0x1d6: {  	v43 =	vld.idx.msk [tilespmem:v55+s13+$0x0], $0xffff  }
0x1d7: {  	v60 =	vor.u32 v21, v33;
	v45 =	vmul.f32 v54, v57;
	v61 =	vld [tilespmem:s3+$0x1B130];
	[tilespmem:s3+$0x1D120] =	vst v44  }
0x1d8: {  	v63 =	vld.idx.msk [tilespmem:v59+s12+$0x0], $0xffff  }
0x1d9: {  	v62 =	vadd.f32 v45, v48  }
0x1da: {  	v42 =	vmul.f32 v58, v42;
	v53 =	vor.u32 v20, v34;
	v54 =	vld.idx.msk [tilespmem:v59+s13+$0x0], $0xffff  }
0x1db: {  	v52 =	vld [tilespmem:s1+$0x1B150];
	[tilespmem:s1+$0x1D140] =	vst v62  }
0x1dc: {  	v42 =	vadd.f32 v42, v43;
	v55 =	vld.idx.msk [tilespmem:v60+s12+$0x0], $0xffff  }
0x1dd: {  	v57 =	vor.u32 v20, v39;
	v47 =	vld.idx.msk [tilespmem:v60+s13+$0x0], $0xffff;
	v45 =	vmul.f32 v61, v63  }
0x1de: {  	[tilespmem:s0+$0x1D130] =	vst v42;
	v56 =	vld [tilespmem:s0+$0x1B140]  }
0x1df: {  	v42 =	vld.idx.msk [tilespmem:v53+s12+$0x0], $0xffff;
	v45 =	vadd.f32 v45, v54  }
0x1e0: {  	v60 =	vld [tilespmem:s3+$0x1B140]  }
0x1e1: {  	v58 =	vmul.f32 v52, v55;
	v59 =	vor.u32 v22, v33;
	v44 =	vld.idx.msk [tilespmem:v53+s13+$0x0], $0xffff;
	[tilespmem:s3+$0x1D130] =	vst v45  }
0x1e2: {  	v62 =	vld.idx.msk [tilespmem:v57+s12+$0x0], $0xffff  }
0x1e3: {  	v61 =	vadd.f32 v58, v47  }
0x1e4: {  	v52 =	vor.u32 v21, v34;
	v42 =	vmul.f32 v56, v42;
	v53 =	vld.idx.msk [tilespmem:v57+s13+$0x0], $0xffff  }
0x1e5: {  	v63 =	vld [tilespmem:s1+$0x1B160];
	[tilespmem:s1+$0x1D150] =	vst v61  }
0x1e6: {  	v42 =	vadd.f32 v42, v44;
	v54 =	vld.idx.msk [tilespmem:v59+s12+$0x0], $0xffff  }
0x1e7: {  	v55 =	vld [tilespmem:s0+$0x1B150];
	v56 =	vor.u32 v21, v39;
	v46 =	vmul.f32 v60, v62  }
0x1e8: {  	v48 =	vld.idx.msk [tilespmem:v59+s13+$0x0], $0xffff;
	[tilespmem:s0+$0x1D140] =	vst v42  }
0x1e9: {  	v42 =	vld.idx.msk [tilespmem:v52+s12+$0x0], $0xffff;
	v45 =	vadd.f32 v46, v53  }
0x1ea: {  	v59 =	vld [tilespmem:s3+$0x1B150]  }
0x1eb: {  	v58 =	vor.u32 v23, v33;
	v43 =	vld.idx.msk [tilespmem:v52+s13+$0x0], $0xffff;
	v57 =	vmul.f32 v63, v54;
	[tilespmem:s3+$0x1D140] =	vst v45  }
0x1ec: {  	v61 =	vld.idx.msk [tilespmem:v56+s12+$0x0], $0xffff  }
0x1ed: {  	v60 =	vadd.f32 v57, v48  }
0x1ee: {  	v42 =	vmul.f32 v55, v42;
	v62 =	vor.u32 v22, v34;
	v63 =	vld.idx.msk [tilespmem:v56+s13+$0x0], $0xffff  }
0x1ef: {  	v55 =	vld [tilespmem:s1+$0x1B170];
	[tilespmem:s1+$0x1D160] =	vst v60  }
0x1f0: {  	v42 =	vadd.f32 v42, v43;
	v54 =	vld.idx.msk [tilespmem:v58+s12+$0x0], $0xffff  }
0x1f1: {  	v57 =	vor.u32 v22, v39;
	v47 =	vld.idx.msk [tilespmem:v58+s13+$0x0], $0xffff;
	v46 =	vmul.f32 v59, v61  }
0x1f2: {  	[tilespmem:s0+$0x1D150] =	vst v42;
	v56 =	vld [tilespmem:s0+$0x1B160]  }
0x1f3: {  	v58 =	vld.idx.msk [tilespmem:v62+s12+$0x0], $0xffff;
	v59 =	vadd.f32 v46, v63  }
0x1f4: {  	v60 =	vld.idx.msk [tilespmem:v62+s13+$0x0], $0xffff  }
0x1f5: {  	v61 =	vld [tilespmem:s3+$0x1B160];
	[tilespmem:s3+$0x1D150] =	vst v59  }
0x1f6: {  	v62 =	vmul.f32 v55, v54;
	v55 =	vld.idx.msk [tilespmem:v57+s12+$0x0], $0xffff;
	_ =	sdelay $0x1  }
0x1f7: {  	v43 =	vmul.f32 v56, v58;
	v56 =	vor.u32 v23, v34;
	v49 =	vld.idx.msk [tilespmem:v57+s13+$0x0], $0xffff;
	_ =	sdelay $0x1  }
0x1f8: {  	v47 =	vadd.f32 v62, v47;
	v62 =	vld [tilespmem:s3+$0x1B170];
	v63 =	vor.u32 v24, v33;
	v43 =	vadd.f32 v43, v60  }
0x1f9: {  	v58 =	vor.u32 v23, v39;
	v60 =	vld [tilespmem:s0+$0x1B170];
	v57 =	vmul.f32 v61, v55  }
0x1fa: {  	v59 =	vld [tilespmem:s1+$0x1B180];
	[tilespmem:s0+$0x1D160] =	vst v43  }
0x1fb: {  	v43 =	vld.idx.msk [tilespmem:v56+s12+$0x0], $0xffff;
	v45 =	vadd.f32 v57, v49  }
0x1fc: {  	[tilespmem:s1+$0x1D170] =	vst v47;
	v51 =	vld.idx.msk [tilespmem:v56+s13+$0x0], $0xffff  }
0x1fd: {  	v47 =	vld.idx.msk [tilespmem:v63+s12+$0x0], $0xffff;
	[tilespmem:s3+$0x1D160] =	vst v45  }
0x1fe: {  	v61 =	vld.idx.msk [tilespmem:v58+s12+$0x0], $0xffff  }
0x1ff: {  	v48 =	vld.idx.msk [tilespmem:v63+s13+$0x0], $0xffff  }
0x200: {  	v63 =	vmul.f32 v60, v43;
	v57 =	vor.u32 v24, v34;
	v46 =	vld.idx.msk [tilespmem:v58+s13+$0x0], $0xffff;
	_ =	sdelay $0x1  }
0x201: {  	v40 =	vld.idx.msk [tilespmem:v40+s13+$0x0], $0xffff;
	v51 =	vadd.f32 v63, v51  }
0x202: {  	v44 =	vld [tilespmem:s1+$0x1B1D0];
	v58 =	vor.u32 v24, v39;
	v52 =	vmul.f32 v62, v61  }
0x203: {  	v47 =	vmul.f32 v59, v47;
	v59 =	vld [tilespmem:s0+$0x1B180];
	[tilespmem:s0+$0x1D170] =	vst v51  }
0x204: {  	v51 =	vld.idx.msk [tilespmem:v57+s12+$0x0], $0xffff;
	v46 =	vadd.f32 v52, v46  }
0x205: {  	v60 =	vld.idx.msk [tilespmem:v57+s13+$0x0], $0xffff  }
0x206: {  	v50 =	vor.u32 v25, v33;
	v61 =	vld [tilespmem:s3+$0x1B180];
	[tilespmem:s3+$0x1D170] =	vst v46  }
0x207: {  	v46 =	vld.idx.msk [tilespmem:v58+s12+$0x0], $0xffff  }
0x208: {  	v42 =	vld [tilespmem:s1+$0x1B1E0];
	v47 =	vadd.f32 v47, v48  }
0x209: {  	v63 =	vor.u32 v25, v34;
	v51 =	vmul.f32 v59, v51;
	v53 =	vld.idx.msk [tilespmem:v58+s13+$0x0], $0xffff  }
0x20a: {  	v56 =	vld [tilespmem:s1+$0x1B190];
	[tilespmem:s1+$0x1D180] =	vst v47  }
0x20b: {  	v62 =	vld.idx.msk [tilespmem:v50+s12+$0x0], $0xffff;
	v48 =	vadd.f32 v51, v60  }
0x20c: {  	v47 =	vor.u32 v25, v39;
	v50 =	vld.idx.msk [tilespmem:v50+s13+$0x0], $0xffff;
	v46 =	vmul.f32 v61, v46  }
0x20d: {  	v60 =	vld [tilespmem:s0+$0x1B190];
	[tilespmem:s0+$0x1D180] =	vst v48  }
0x20e: {  	v48 =	vld.idx.msk [tilespmem:v63+s12+$0x0], $0xffff;
	v46 =	vadd.f32 v46, v53  }
0x20f: {  	v58 =	vld [tilespmem:s3+$0x1B190]  }
0x210: {  	v52 =	vld.idx.msk [tilespmem:v63+s13+$0x0], $0xffff;
	[tilespmem:s3+$0x1D180] =	vst v46  }
0x211: {  	v49 =	vor.u32 v26, v33;
	v61 =	vmul.f32 v56, v62;
	v62 =	vld.idx.msk [tilespmem:v47+s12+$0x0], $0xffff  }
0x212: {  	v54 =	vld [tilespmem:s1+$0x1B1C0]  }
0x213: {  	v63 =	vor.u32 v26, v34;
	v48 =	vmul.f32 v60, v48;
	v46 =	vadd.f32 v61, v50;
	v47 =	vld.idx.msk [tilespmem:v47+s13+$0x0], $0xffff  }
0x214: {  	v60 =	vld [tilespmem:s0+$0x1B1A0]  }
0x215: {  	v50 =	vld [tilespmem:s1+$0x1B1A0];
	v48 =	vadd.f32 v48, v52;
	[tilespmem:s1+$0x1D190] =	vst v46  }
0x216: {  	v61 =	vor.u32 v26, v39;
	v46 =	vld.idx.msk [tilespmem:v49+s12+$0x0], $0xffff;
	v56 =	vmul.f32 v58, v62  }
0x217: {  	[tilespmem:s0+$0x1D190] =	vst v48;
	v49 =	vld.idx.msk [tilespmem:v49+s13+$0x0], $0xffff  }
0x218: {  	v48 =	vld.idx.msk [tilespmem:v63+s12+$0x0], $0xffff;
	v47 =	vadd.f32 v56, v47  }
0x219: {  	v53 =	vld.idx.msk [tilespmem:v63+s13+$0x0], $0xffff  }
0x21a: {  	v56 =	vld [tilespmem:s3+$0x1B1A0];
	[tilespmem:s3+$0x1D190] =	vst v47  }
0x21b: {  	v62 =	vor.u32 v27, v33;
	v46 =	vmul.f32 v50, v46;
	v63 =	vld.idx.msk [tilespmem:v61+s12+$0x0], $0xffff  }
0x21c: {  	v43 =	vld [tilespmem:s0+$0x1B1E0]  }
0x21d: {  	v46 =	vadd.f32 v46, v49;
	v59 =	vld.idx.msk [tilespmem:v61+s13+$0x0], $0xffff  }
0x21e: {  	v55 =	vld [tilespmem:s1+$0x1B1B0];
	v48 =	vmul.f32 v60, v48;
	v49 =	vor.u32 v27, v34  }
0x21f: {  	v51 =	vld [tilespmem:s0+$0x1B1B0];
	[tilespmem:s1+$0x1D1A0] =	vst v46  }
0x220: {  	v60 =	vadd.f32 v48, v53;
	v53 =	vor.u32 v27, v39;
	v61 =	vld.idx.msk [tilespmem:v62+s12+$0x0], $0xffff;
	v50 =	vmul.f32 v56, v63  }
0x221: {  	v38 =	vmul.f32 v38, v41;
	v41 =	vor.u32 v28, v32;
	v58 =	vld [tilespmem:s3+$0x1B1B0]  }
0x222: {  	[tilespmem:s0+$0x1D1A0] =	vst v60;
	v46 =	vld.idx.msk [tilespmem:v62+s13+$0x0], $0xffff;
	v62 =	vadd.f32 v50, v59  }
0x223: {  	v38 =	vadd.f32 v38, v40;
	v63 =	vld.idx.msk [tilespmem:v49+s12+$0x0], $0xffff  }
0x224: {  	v56 =	vld.idx.msk [tilespmem:v49+s13+$0x0], $0xffff;
	[tilespmem:s3+$0x1D1A0] =	vst v62  }
0x225: {  	[tilespmem:s31+$0x1D1B0] =	vst v38;
	v38 =	vor.u32 v28, v33;
	v59 =	vmul.f32 v55, v61;
	v60 =	vld.idx.msk [tilespmem:v53+s12+$0x0], $0xffff  }
0x226: {  	v61 =	vld.idx.msk [tilespmem:v41+s12+$0x0], $0xffff  }
0x227: {  	v46 =	vadd.f32 v59, v46;
	v55 =	vld.idx.msk [tilespmem:v53+s13+$0x0], $0xffff  }
0x228: {  	v57 =	vld [tilespmem:s0+$0x1B1C0];
	v62 =	vmul.f32 v51, v63;
	v63 =	vor.u32 v28, v34  }
0x229: {  	v41 =	vld.idx.msk [tilespmem:v41+s13+$0x0], $0xffff;
	[tilespmem:s1+$0x1D1B0] =	vst v46  }
0x22a: {  	v40 =	vadd.f32 v62, v56;
	v46 =	vld.idx.msk [tilespmem:v38+s12+$0x0], $0xffff;
	v56 =	vmul.f32 v58, v60;
	v58 =	vor.u32 v28, v39  }
0x22b: {  	v38 =	vld.idx.msk [tilespmem:v38+s13+$0x0], $0xffff  }
0x22c: {  	v37 =	vmul.f32 v37, v61;
	v61 =	vld [tilespmem:s3+$0x1B1C0];
	[tilespmem:s0+$0x1D1B0] =	vst v40;
	v47 =	vadd.f32 v56, v55  }
0x22d: {  	v59 =	vor.u32 v29, v32;
	v40 =	vld.idx.msk [tilespmem:v63+s12+$0x0], $0xffff  }
0x22e: {  	v60 =	vld.idx.msk [tilespmem:v63+s13+$0x0], $0xffff;
	[tilespmem:s3+$0x1D1B0] =	vst v47  }
0x22f: {  	v62 =	vor.u32 v29, v33;
	v37 =	vadd.f32 v37, v41;
	v46 =	vmul.f32 v54, v46;
	v47 =	vld.idx.msk [tilespmem:v58+s12+$0x0], $0xffff  }
0x230: {  	v45 =	vld [tilespmem:s0+$0x1B1D0]  }
0x231: {  	[tilespmem:s31+$0x1D1C0] =	vst v37;
	v38 =	vadd.f32 v46, v38;
	v48 =	vld.idx.msk [tilespmem:v58+s13+$0x0], $0xffff  }
0x232: {  	v53 =	vor.u32 v29, v34;
	v63 =	vld.idx.msk [tilespmem:v59+s12+$0x0], $0xffff;
	v40 =	vmul.f32 v57, v40  }
0x233: {  	v49 =	vld.idx.msk [tilespmem:v59+s13+$0x0], $0xffff;
	[tilespmem:s1+$0x1D1C0] =	vst v38  }
0x234: {  	v56 =	vor.u32 v29, v39;
	v54 =	vadd.f32 v40, v60;
	v55 =	vld.idx.msk [tilespmem:v62+s12+$0x0], $0xffff;
	v47 =	vmul.f32 v61, v47  }
0x235: {  	v58 =	vld [tilespmem:s3+$0x1B1D0]  }
0x236: {  	v37 =	vld.idx.msk [tilespmem:v62+s13+$0x0], $0xffff;
	[tilespmem:s0+$0x1D1C0] =	vst v54;
	v47 =	vadd.f32 v47, v48  }
0x237: {  	v57 =	vor.u32 v30, v32;
	v36 =	vmul.f32 v36, v63;
	v38 =	vld.idx.msk [tilespmem:v53+s12+$0x0], $0xffff  }
0x238: {  	v46 =	vld.idx.msk [tilespmem:v53+s13+$0x0], $0xffff;
	[tilespmem:s3+$0x1D1C0] =	vst v47  }
0x239: {  	v59 =	vor.u32 v30, v33;
	v36 =	vadd.f32 v36, v49;
	v40 =	vmul.f32 v44, v55;
	v60 =	vld.idx.msk [tilespmem:v56+s12+$0x0], $0xffff  }
0x23a: {  	v53 =	vld [tilespmem:s3+$0x1B1E0]  }
0x23b: {  	[tilespmem:s31+$0x1D1D0] =	vst v36;
	v37 =	vadd.f32 v40, v37;
	v41 =	vld.idx.msk [tilespmem:v56+s13+$0x0], $0xffff  }
0x23c: {  	v61 =	vld.idx.msk [tilespmem:v57+s12+$0x0], $0xffff  }
0x23d: {  	v62 =	vor.u32 v30, v34;
	v63 =	vld.idx.msk [tilespmem:v57+s13+$0x0], $0xffff;
	v38 =	vmul.f32 v45, v38;
	[tilespmem:s1+$0x1D1D0] =	vst v37  }
0x23e: {  	v51 =	vor.u32 v30, v39;
	v50 =	vld.idx.msk [tilespmem:v59+s12+$0x0], $0xffff;
	v44 =	vmul.f32 v58, v60  }
0x23f: {  	v49 =	vadd.f32 v38, v46;
	v36 =	vld.idx.msk [tilespmem:v59+s13+$0x0], $0xffff  }
0x240: {  	v59 =	vld [tilespmem:s31+$0x1B1F0];
	v41 =	vadd.f32 v44, v41  }
0x241: {  	v35 =	vmul.f32 v35, v61;
	v61 =	vld [tilespmem:s1+$0x1B1F0];
	[tilespmem:s0+$0x1D1D0] =	vst v49  }
0x242: {  	v37 =	vld.idx.msk [tilespmem:v62+s12+$0x0], $0xffff;
	[tilespmem:s3+$0x1D1D0] =	vst v41  }
0x243: {  	v52 =	vor.u32 v31, v32;
	v56 =	vld.idx.msk [tilespmem:v51+s12+$0x0], $0xffff  }
0x244: {  	v40 =	vld.idx.msk [tilespmem:v62+s13+$0x0], $0xffff  }
0x245: {  	v54 =	vor.u32 v31, v33;
	v35 =	vadd.f32 v35, v63;
	v55 =	vmul.f32 v42, v50;
	v58 =	vld.idx.msk [tilespmem:v51+s13+$0x0], $0xffff  }
0x246: {  	v63 =	vld [tilespmem:s3+$0x1B1F0]  }
0x247: {  	v60 =	vor.u32 v31, v34;
	v62 =	vld [tilespmem:s0+$0x1B1F0];
	[tilespmem:s31+$0x1D1E0] =	vst v35;
	v35 =	vadd.f32 v55, v36;
	v37 =	vmul.f32 v43, v37  }
0x248: {  	v39 =	vor.u32 v31, v39;
	v57 =	vld.idx.msk [tilespmem:v52+s12+$0x0], $0xffff;
	v38 =	vmul.f32 v53, v56  }
0x249: {  	v32 =	vld.idx.msk [tilespmem:v52+s13+$0x0], $0xffff;
	[tilespmem:s1+$0x1D1E0] =	vst v35;
	v37 =	vadd.f32 v37, v40  }
0x24a: {  	v35 =	vld.idx.msk [tilespmem:v54+s12+$0x0], $0xffff;
	v36 =	vadd.f32 v38, v58  }
0x24b: {  	v33 =	vld.idx.msk [tilespmem:v54+s13+$0x0], $0xffff;
	[tilespmem:s0+$0x1D1E0] =	vst v37  }
0x24c: {  	v37 =	vld.idx.msk [tilespmem:v60+s12+$0x0], $0xffff;
	[tilespmem:s3+$0x1D1E0] =	vst v36  }
0x24d: {  	v36 =	vld.idx.msk [tilespmem:v39+s12+$0x0], $0xffff  }
0x24e: {  	v34 =	vld.idx.msk [tilespmem:v60+s13+$0x0], $0xffff  }
0x24f: {  	v41 =	vmul.f32 v59, v57;
	v39 =	vld.idx.msk [tilespmem:v39+s13+$0x0], $0xffff  }
0x250: {  	v35 =	vmul.f32 v61, v35  }
0x251: {  	v32 =	vadd.f32 v41, v32;
	v37 =	vmul.f32 v62, v37  }
0x252: {  	v33 =	vadd.f32 v35, v33;
	v36 =	vmul.f32 v63, v36  }
0x253: {  	[tilespmem:s31+$0x1D1F0] =	vst v32;
	v37 =	vadd.f32 v37, v34  }
0x254: {  	[tilespmem:s1+$0x1D1F0] =	vst v33;
	v38 =	vadd.f32 v36, v39  }
0x255: {  	[tilespmem:s0+$0x1D1F0] =	vst v37  }
0x256: {  	s6 =	sadd.s32 s30, s8;
	p1 =	seq.s32 s29, $0x1F;
	[tilespmem:s3+$0x1D1F0] =	vst v38  }
0x257: {  	[hbm4b:s6+s2] =	stream.linear.scatter [tilespmem:s20], [sflag:$0x5], $0x1000, $0x38;
	[tilespmem:$0x1F000] =	vst v63  }
0x258: {  	s1 =	simm.s32 @!p1 $0x0;
	s0 =	sadd.s32 @!p1 s30, s9;
	s3 =	simm.s32 @!p1 $0x1B000  }
0x259: {  	[tilespmem:s3], [sflag:$0x3] =	stream.linear.gather @!p1 [hbm4b:s0+s1], $0x1000, $0x38;
	[tilespmem:$0x1F000] =	vst v63  }
0x25a: {  	_ =	swait.ge [sflag:s21], $0x1000  }
0x25b: {  	[sflag:s21] =	ssyncset.done $0x0  }
0x25c: {  	s0 =	simm.s32 @!p0 $0x6;
	[sflag:s21] =	ssyncadd.s32 $0xFFFFF000  }
0x25d: {  	_ =	swait.ge @!p0 [sflag:s0], $0x1000  }
0x25e: {  	[sflag:s0] =	ssyncset.done @!p0 $0x0  }
0x25f: {  	[sflag:s0] =	ssyncadd.s32 @!p0 $0xFFFFF000  }
0x260: {  	v39 =	vld [tilespmem:s26+$0x0];
	_ =	sdelay $0x4  }
0x261: {  	v32 =	vshll.u32 v39, $0x9  }
0x262: {  	v40 =	vor.u32 v0, v32;
	_ =	sdelay $0x2  }
0x263: {  	s31 =	simm.s32 $0x0  }
0x264: {  	v41 =	vld [tilespmem:s31+$0x1C000]  }
0x265: {  	v42 =	vld.idx.msk [tilespmem:v40+s12+$0x0], $0xffff;
	_ =	sdelay $0x1  }
0x266: {  	v33 =	vld.idx.msk [tilespmem:v40+s13+$0x0], $0xffff;
	_ =	sdelay $0x2  }
0x267: {  	v43 =	vor.u32 v1, v32;
	v34 =	vmul.f32 v41, v42;
	_ =	sdelay $0x1  }
0x268: {  	v33 =	vadd.f32 v34, v33;
	_ =	sdelay $0x1  }
0x269: {  	v44 =	vld [tilespmem:s31+$0x1C010];
	[tilespmem:s31+$0x1E000] =	vst v33  }
0x26a: {  	v45 =	vld.idx.msk [tilespmem:v43+s12+$0x0], $0xffff;
	_ =	sdelay $0x1  }
0x26b: {  	v35 =	vld.idx.msk [tilespmem:v43+s13+$0x0], $0xffff;
	_ =	sdelay $0x2  }
0x26c: {  	v46 =	vor.u32 v2, v32;
	v33 =	vmul.f32 v44, v45;
	_ =	sdelay $0x1  }
0x26d: {  	v33 =	vadd.f32 v33, v35;
	_ =	sdelay $0x1  }
0x26e: {  	v47 =	vld [tilespmem:s31+$0x1C020];
	[tilespmem:s31+$0x1E010] =	vst v33  }
0x26f: {  	v48 =	vld.idx.msk [tilespmem:v46+s12+$0x0], $0xffff;
	_ =	sdelay $0x1  }
0x270: {  	v34 =	vld.idx.msk [tilespmem:v46+s13+$0x0], $0xffff;
	_ =	sdelay $0x2  }
0x271: {  	v49 =	vor.u32 v3, v32;
	v33 =	vmul.f32 v47, v48;
	_ =	sdelay $0x1  }
0x272: {  	v33 =	vadd.f32 v33, v34;
	_ =	sdelay $0x1  }
0x273: {  	v50 =	vld [tilespmem:s31+$0x1C030];
	[tilespmem:s31+$0x1E020] =	vst v33  }
0x274: {  	v51 =	vld.idx.msk [tilespmem:v49+s12+$0x0], $0xffff;
	_ =	sdelay $0x1  }
0x275: {  	v35 =	vld.idx.msk [tilespmem:v49+s13+$0x0], $0xffff;
	_ =	sdelay $0x2  }
0x276: {  	v52 =	vor.u32 v4, v32;
	v33 =	vmul.f32 v50, v51;
	_ =	sdelay $0x1  }
0x277: {  	v33 =	vadd.f32 v33, v35;
	_ =	sdelay $0x1  }
0x278: {  	v53 =	vld [tilespmem:s31+$0x1C040];
	[tilespmem:s31+$0x1E030] =	vst v33  }
0x279: {  	v54 =	vld.idx.msk [tilespmem:v52+s12+$0x0], $0xffff;
	_ =	sdelay $0x1  }
0x27a: {  	v34 =	vld.idx.msk [tilespmem:v52+s13+$0x0], $0xffff;
	_ =	sdelay $0x2  }
0x27b: {  	v55 =	vor.u32 v5, v32;
	v33 =	vmul.f32 v53, v54;
	_ =	sdelay $0x1  }
0x27c: {  	v33 =	vadd.f32 v33, v34;
	_ =	sdelay $0x1  }
0x27d: {  	v56 =	vld [tilespmem:s31+$0x1C050];
	[tilespmem:s31+$0x1E040] =	vst v33  }
0x27e: {  	v57 =	vld.idx.msk [tilespmem:v55+s12+$0x0], $0xffff;
	_ =	sdelay $0x1  }
0x27f: {  	v35 =	vld.idx.msk [tilespmem:v55+s13+$0x0], $0xffff;
	_ =	sdelay $0x2  }
0x280: {  	v58 =	vor.u32 v6, v32;
	v33 =	vmul.f32 v56, v57;
	_ =	sdelay $0x1  }
0x281: {  	v33 =	vadd.f32 v33, v35;
	_ =	sdelay $0x1  }
0x282: {  	v59 =	vld [tilespmem:s31+$0x1C060];
	[tilespmem:s31+$0x1E050] =	vst v33  }
0x283: {  	v60 =	vld.idx.msk [tilespmem:v58+s12+$0x0], $0xffff;
	_ =	sdelay $0x1  }
0x284: {  	v34 =	vld.idx.msk [tilespmem:v58+s13+$0x0], $0xffff;
	_ =	sdelay $0x2  }
0x285: {  	v61 =	vor.u32 v7, v32;
	v33 =	vmul.f32 v59, v60;
	_ =	sdelay $0x1  }
0x286: {  	v33 =	vadd.f32 v33, v34;
	_ =	sdelay $0x1  }
0x287: {  	v62 =	vld [tilespmem:s31+$0x1C070];
	[tilespmem:s31+$0x1E060] =	vst v33  }
0x288: {  	v63 =	vld.idx.msk [tilespmem:v61+s12+$0x0], $0xffff;
	_ =	sdelay $0x1  }
0x289: {  	v35 =	vld.idx.msk [tilespmem:v61+s13+$0x0], $0xffff;
	_ =	sdelay $0x2  }
0x28a: {  	s7 =	sadd.s32 $0x10, s26;
	v41 =	vor.u32 v8, v32;
	v33 =	vmul.f32 v62, v63  }
0x28b: {  	v40 =	vld [tilespmem:s7+$0x0]  }
0x28c: {  	v35 =	vadd.f32 v33, v35;
	_ =	sdelay $0x1  }
0x28d: {  	v43 =	vld [tilespmem:s31+$0x1C080];
	[tilespmem:s31+$0x1E070] =	vst v35  }
0x28e: {  	v44 =	vld.idx.msk [tilespmem:v41+s12+$0x0], $0xffff  }
0x28f: {  	v33 =	vshll.u32 v40, $0x9  }
0x290: {  	v42 =	vor.u32 v0, v33;
	v34 =	vld.idx.msk [tilespmem:v41+s13+$0x0], $0xffff;
	_ =	sdelay $0x2  }
0x291: {  	s1 =	simm.s32 $0x200;
	v47 =	vor.u32 v9, v32;
	v36 =	vmul.f32 v43, v44  }
0x292: {  	v45 =	vld [tilespmem:s1+$0x1C000]  }
0x293: {  	v46 =	vld.idx.msk [tilespmem:v42+s12+$0x0], $0xffff;
	v34 =	vadd.f32 v36, v34  }
0x294: {  	v49 =	vld [tilespmem:s31+$0x1C090]  }
0x295: {  	v35 =	vld.idx.msk [tilespmem:v42+s13+$0x0], $0xffff;
	[tilespmem:s31+$0x1E080] =	vst v34  }
0x296: {  	v52 =	vld.idx.msk [tilespmem:v47+s12+$0x0], $0xffff;
	_ =	sdelay $0x1  }
0x297: {  	v50 =	vor.u32 v1, v33;
	v48 =	vmul.f32 v45, v46;
	v53 =	vld.idx.msk [tilespmem:v47+s13+$0x0], $0xffff;
	_ =	sdelay $0x1  }
0x298: {  	v51 =	vadd.f32 v48, v35  }
0x299: {  	v56 =	vor.u32 v10, v32;
	v35 =	vmul.f32 v49, v52  }
0x29a: {  	v54 =	vld [tilespmem:s1+$0x1C010];
	[tilespmem:s1+$0x1E000] =	vst v51  }
0x29b: {  	v55 =	vld.idx.msk [tilespmem:v50+s12+$0x0], $0xffff;
	v35 =	vadd.f32 v35, v53  }
0x29c: {  	v57 =	vld [tilespmem:s31+$0x1C0A0]  }
0x29d: {  	v39 =	vld.idx.msk [tilespmem:v50+s13+$0x0], $0xffff;
	[tilespmem:s31+$0x1E090] =	vst v35  }
0x29e: {  	v35 =	vld.idx.msk [tilespmem:v56+s12+$0x0], $0xffff;
	_ =	sdelay $0x1  }
0x29f: {  	v58 =	vor.u32 v2, v33;
	v34 =	vmul.f32 v54, v55;
	v38 =	vld.idx.msk [tilespmem:v56+s13+$0x0], $0xffff;
	_ =	sdelay $0x1  }
0x2a0: {  	v34 =	vadd.f32 v34, v39  }
0x2a1: {  	v61 =	vor.u32 v11, v32;
	v35 =	vmul.f32 v57, v35  }
0x2a2: {  	v59 =	vld [tilespmem:s1+$0x1C020];
	[tilespmem:s1+$0x1E010] =	vst v34  }
0x2a3: {  	v60 =	vld.idx.msk [tilespmem:v58+s12+$0x0], $0xffff;
	v35 =	vadd.f32 v35, v38  }
0x2a4: {  	v62 =	vld [tilespmem:s31+$0x1C0B0]  }
0x2a5: {  	v37 =	vld.idx.msk [tilespmem:v58+s13+$0x0], $0xffff;
	[tilespmem:s31+$0x1E0A0] =	vst v35  }
0x2a6: {  	v35 =	vld.idx.msk [tilespmem:v61+s12+$0x0], $0xffff;
	_ =	sdelay $0x1  }
0x2a7: {  	v63 =	vor.u32 v3, v33;
	v34 =	vmul.f32 v59, v60;
	v36 =	vld.idx.msk [tilespmem:v61+s13+$0x0], $0xffff;
	_ =	sdelay $0x1  }
0x2a8: {  	v34 =	vadd.f32 v34, v37  }
0x2a9: {  	v44 =	vor.u32 v12, v32;
	v35 =	vmul.f32 v62, v35  }
0x2aa: {  	v42 =	vld [tilespmem:s1+$0x1C030];
	[tilespmem:s1+$0x1E020] =	vst v34  }
0x2ab: {  	v43 =	vld.idx.msk [tilespmem:v63+s12+$0x0], $0xffff;
	v35 =	vadd.f32 v35, v36  }
0x2ac: {  	v45 =	vld [tilespmem:s31+$0x1C0C0]  }
0x2ad: {  	v39 =	vld.idx.msk [tilespmem:v63+s13+$0x0], $0xffff;
	[tilespmem:s31+$0x1E0B0] =	vst v35  }
0x2ae: {  	v47 =	vld.idx.msk [tilespmem:v44+s12+$0x0], $0xffff;
	_ =	sdelay $0x1  }
0x2af: {  	v46 =	vor.u32 v4, v33;
	v34 =	vmul.f32 v42, v43;
	v38 =	vld.idx.msk [tilespmem:v44+s13+$0x0], $0xffff;
	_ =	sdelay $0x1  }
0x2b0: {  	v34 =	vadd.f32 v34, v39  }
0x2b1: {  	v50 =	vor.u32 v13, v32;
	v36 =	vmul.f32 v45, v47  }
0x2b2: {  	v48 =	vld [tilespmem:s1+$0x1C040];
	[tilespmem:s1+$0x1E030] =	vst v34  }
0x2b3: {  	v49 =	vld.idx.msk [tilespmem:v46+s12+$0x0], $0xffff;
	v36 =	vadd.f32 v36, v38  }
0x2b4: {  	v51 =	vld [tilespmem:s31+$0x1C0D0]  }
0x2b5: {  	v35 =	vld.idx.msk [tilespmem:v46+s13+$0x0], $0xffff;
	[tilespmem:s31+$0x1E0C0] =	vst v36  }
0x2b6: {  	v36 =	vld.idx.msk [tilespmem:v50+s12+$0x0], $0xffff;
	_ =	sdelay $0x1  }
0x2b7: {  	v52 =	vor.u32 v5, v33;
	v34 =	vmul.f32 v48, v49;
	v53 =	vld.idx.msk [tilespmem:v50+s13+$0x0], $0xffff;
	_ =	sdelay $0x1  }
0x2b8: {  	v34 =	vadd.f32 v34, v35  }
0x2b9: {  	v55 =	vor.u32 v14, v32;
	v36 =	vmul.f32 v51, v36  }
0x2ba: {  	v54 =	vld [tilespmem:s1+$0x1C050];
	[tilespmem:s1+$0x1E040] =	vst v34  }
0x2bb: {  	v56 =	vld.idx.msk [tilespmem:v52+s12+$0x0], $0xffff;
	v35 =	vadd.f32 v36, v53  }
0x2bc: {  	v58 =	vld [tilespmem:s31+$0x1C0E0]  }
0x2bd: {  	v57 =	vld.idx.msk [tilespmem:v52+s13+$0x0], $0xffff;
	[tilespmem:s31+$0x1E0D0] =	vst v35  }
0x2be: {  	v35 =	vld.idx.msk [tilespmem:v55+s12+$0x0], $0xffff;
	_ =	sdelay $0x1  }
0x2bf: {  	v59 =	vor.u32 v6, v33;
	v34 =	vmul.f32 v54, v56;
	v37 =	vld.idx.msk [tilespmem:v55+s13+$0x0], $0xffff;
	_ =	sdelay $0x1  }
0x2c0: {  	v34 =	vadd.f32 v34, v57  }
0x2c1: {  	v61 =	vor.u32 v15, v32;
	v60 =	vmul.f32 v58, v35  }
0x2c2: {  	v62 =	vld [tilespmem:s1+$0x1C060];
	[tilespmem:s1+$0x1E050] =	vst v34  }
0x2c3: {  	v63 =	vld.idx.msk [tilespmem:v59+s12+$0x0], $0xffff;
	v34 =	vadd.f32 v60, v37  }
0x2c4: {  	v44 =	vld [tilespmem:s31+$0x1C0F0]  }
0x2c5: {  	v45 =	vld.idx.msk [tilespmem:v59+s13+$0x0], $0xffff;
	[tilespmem:s31+$0x1E0E0] =	vst v34  }
0x2c6: {  	v34 =	vld.idx.msk [tilespmem:v61+s12+$0x0], $0xffff;
	_ =	sdelay $0x1  }
0x2c7: {  	v46 =	vor.u32 v7, v33;
	v36 =	vmul.f32 v62, v63;
	v35 =	vld.idx.msk [tilespmem:v61+s13+$0x0], $0xffff;
	_ =	sdelay $0x1  }
0x2c8: {  	v36 =	vadd.f32 v36, v45  }
0x2c9: {  	v47 =	vor.u32 v16, v32;
	v34 =	vmul.f32 v44, v34  }
0x2ca: {  	v48 =	vld [tilespmem:s1+$0x1C070];
	[tilespmem:s1+$0x1E060] =	vst v36  }
0x2cb: {  	v49 =	vld.idx.msk [tilespmem:v46+s12+$0x0], $0xffff;
	v34 =	vadd.f32 v34, v35  }
0x2cc: {  	v50 =	vld [tilespmem:s31+$0x1C100]  }
0x2cd: {  	v38 =	vld.idx.msk [tilespmem:v46+s13+$0x0], $0xffff;
	[tilespmem:s31+$0x1E0F0] =	vst v34  }
0x2ce: {  	v34 =	vld.idx.msk [tilespmem:v47+s12+$0x0], $0xffff;
	_ =	sdelay $0x1  }
0x2cf: {  	v52 =	vor.u32 v8, v33;
	v35 =	vmul.f32 v48, v49;
	v37 =	vld.idx.msk [tilespmem:v47+s13+$0x0], $0xffff  }
0x2d0: {  	s15 =	sadd.s32 $0x10, s7  }
0x2d1: {  	v51 =	vld [tilespmem:s15+$0x0];
	v35 =	vadd.f32 v35, v38  }
0x2d2: {  	v53 =	vor.u32 v17, v32;
	v34 =	vmul.f32 v50, v34  }
0x2d3: {  	v55 =	vld [tilespmem:s1+$0x1C080];
	[tilespmem:s1+$0x1E070] =	vst v35  }
0x2d4: {  	v56 =	vld.idx.msk [tilespmem:v52+s12+$0x0], $0xffff;
	v37 =	vadd.f32 v34, v37  }
0x2d5: {  	v54 =	vld [tilespmem:s31+$0x1C110]  }
0x2d6: {  	v40 =	vld.idx.msk [tilespmem:v52+s13+$0x0], $0xffff;
	v34 =	vshll.u32 v51, $0x9;
	[tilespmem:s31+$0x1E100] =	vst v37  }
0x2d7: {  	v57 =	vor.u32 v0, v34;
	v37 =	vld.idx.msk [tilespmem:v53+s12+$0x0], $0xffff;
	_ =	sdelay $0x1  }
0x2d8: {  	s0 =	simm.s32 $0x400;
	v60 =	vor.u32 v9, v33;
	v35 =	vmul.f32 v55, v56;
	v38 =	vld.idx.msk [tilespmem:v53+s13+$0x0], $0xffff  }
0x2d9: {  	v58 =	vld [tilespmem:s0+$0x1C000]  }
0x2da: {  	v62 =	vld [tilespmem:s1+$0x1C090];
	v35 =	vadd.f32 v35, v40  }
0x2db: {  	v61 =	vor.u32 v18, v32;
	v59 =	vld.idx.msk [tilespmem:v57+s12+$0x0], $0xffff;
	v37 =	vmul.f32 v54, v37  }
0x2dc: {  	[tilespmem:s1+$0x1E080] =	vst v35;
	v41 =	vld.idx.msk [tilespmem:v57+s13+$0x0], $0xffff  }
0x2dd: {  	v48 =	vld.idx.msk [tilespmem:v60+s12+$0x0], $0xffff;
	v46 =	vadd.f32 v37, v38  }
0x2de: {  	v63 =	vld [tilespmem:s31+$0x1C120]  }
0x2df: {  	v36 =	vld.idx.msk [tilespmem:v60+s13+$0x0], $0xffff;
	[tilespmem:s31+$0x1E110] =	vst v46  }
0x2e0: {  	v49 =	vor.u32 v1, v34;
	v47 =	vmul.f32 v58, v59;
	v51 =	vld.idx.msk [tilespmem:v61+s12+$0x0], $0xffff;
	_ =	sdelay $0x1  }
0x2e1: {  	v54 =	vor.u32 v10, v33;
	v38 =	vmul.f32 v62, v48;
	v50 =	vadd.f32 v47, v41;
	v39 =	vld.idx.msk [tilespmem:v61+s13+$0x0], $0xffff  }
0x2e2: {  	v52 =	vld [tilespmem:s0+$0x1C010]  }
0x2e3: {  	v56 =	vld [tilespmem:s1+$0x1C0A0];
	v36 =	vadd.f32 v38, v36;
	[tilespmem:s0+$0x1E000] =	vst v50  }
0x2e4: {  	v55 =	vor.u32 v19, v32;
	v53 =	vld.idx.msk [tilespmem:v49+s12+$0x0], $0xffff;
	v37 =	vmul.f32 v63, v51  }
0x2e5: {  	[tilespmem:s1+$0x1E090] =	vst v36;
	v42 =	vld.idx.msk [tilespmem:v49+s13+$0x0], $0xffff  }
0x2e6: {  	v59 =	vld.idx.msk [tilespmem:v54+s12+$0x0], $0xffff;
	v58 =	vadd.f32 v37, v39  }
0x2e7: {  	v57 =	vld [tilespmem:s31+$0x1C130]  }
0x2e8: {  	v40 =	vld.idx.msk [tilespmem:v54+s13+$0x0], $0xffff;
	[tilespmem:s31+$0x1E120] =	vst v58  }
0x2e9: {  	v60 =	vor.u32 v2, v34;
	v35 =	vmul.f32 v52, v53;
	v36 =	vld.idx.msk [tilespmem:v55+s12+$0x0], $0xffff;
	_ =	sdelay $0x1  }
0x2ea: {  	v62 =	vor.u32 v11, v33;
	v37 =	vmul.f32 v56, v59;
	v35 =	vadd.f32 v35, v42;
	v38 =	vld.idx.msk [tilespmem:v55+s13+$0x0], $0xffff  }
0x2eb: {  	v61 =	vld [tilespmem:s0+$0x1C020]  }
0x2ec: {  	v49 =	vld [tilespmem:s1+$0x1C0B0];
	v37 =	vadd.f32 v37, v40;
	[tilespmem:s0+$0x1E010] =	vst v35  }
0x2ed: {  	v48 =	vor.u32 v20, v32;
	v63 =	vld.idx.msk [tilespmem:v60+s12+$0x0], $0xffff;
	v36 =	vmul.f32 v57, v36  }
0x2ee: {  	[tilespmem:s1+$0x1E0A0] =	vst v37;
	v39 =	vld.idx.msk [tilespmem:v60+s13+$0x0], $0xffff  }
0x2ef: {  	v37 =	vld.idx.msk [tilespmem:v62+s12+$0x0], $0xffff;
	v36 =	vadd.f32 v36, v38  }
0x2f0: {  	v50 =	vld [tilespmem:s31+$0x1C140]  }
0x2f1: {  	v51 =	vld.idx.msk [tilespmem:v62+s13+$0x0], $0xffff;
	[tilespmem:s31+$0x1E130] =	vst v36  }
0x2f2: {  	v52 =	vor.u32 v3, v34;
	v35 =	vmul.f32 v61, v63;
	v53 =	vld.idx.msk [tilespmem:v48+s12+$0x0], $0xffff;
	_ =	sdelay $0x1  }
0x2f3: {  	v56 =	vor.u32 v12, v33;
	v55 =	vmul.f32 v49, v37;
	v35 =	vadd.f32 v35, v39;
	v54 =	vld.idx.msk [tilespmem:v48+s13+$0x0], $0xffff  }
0x2f4: {  	v59 =	vld [tilespmem:s1+$0x1C0C0]  }
0x2f5: {  	v57 =	vld [tilespmem:s0+$0x1C030];
	[tilespmem:s0+$0x1E020] =	vst v35;
	v35 =	vadd.f32 v55, v51  }
0x2f6: {  	v61 =	vor.u32 v21, v32;
	v58 =	vld.idx.msk [tilespmem:v52+s12+$0x0], $0xffff;
	v60 =	vmul.f32 v50, v53  }
0x2f7: {  	v36 =	vld.idx.msk [tilespmem:v52+s13+$0x0], $0xffff;
	[tilespmem:s1+$0x1E0B0] =	vst v35  }
0x2f8: {  	v45 =	vld.idx.msk [tilespmem:v56+s12+$0x0], $0xffff;
	v63 =	vadd.f32 v60, v54  }
0x2f9: {  	v62 =	vld [tilespmem:s31+$0x1C150]  }
0x2fa: {  	v37 =	vld.idx.msk [tilespmem:v56+s13+$0x0], $0xffff;
	[tilespmem:s31+$0x1E140] =	vst v63  }
0x2fb: {  	v48 =	vor.u32 v4, v34;
	v46 =	vmul.f32 v57, v58;
	v47 =	vld.idx.msk [tilespmem:v61+s12+$0x0], $0xffff  }
0x2fc: {  	v43 =	vld [tilespmem:s31+$0x1C190]  }
0x2fd: {  	v51 =	vor.u32 v13, v33;
	v35 =	vadd.f32 v46, v36;
	v49 =	vld.idx.msk [tilespmem:v61+s13+$0x0], $0xffff;
	v38 =	vmul.f32 v59, v45  }
0x2fe: {  	v52 =	vld [tilespmem:s0+$0x1C040]  }
0x2ff: {  	v56 =	vld [tilespmem:s1+$0x1C0D0];
	[tilespmem:s0+$0x1E030] =	vst v35;
	v37 =	vadd.f32 v38, v37  }
0x300: {  	v54 =	vor.u32 v22, v32;
	v55 =	vld.idx.msk [tilespmem:v48+s12+$0x0], $0xffff;
	v53 =	vmul.f32 v62, v47  }
0x301: {  	v40 =	vld.idx.msk [tilespmem:v48+s13+$0x0], $0xffff;
	[tilespmem:s1+$0x1E0C0] =	vst v37  }
0x302: {  	v37 =	vld.idx.msk [tilespmem:v51+s12+$0x0], $0xffff;
	v36 =	vadd.f32 v53, v49  }
0x303: {  	v50 =	vld [tilespmem:s31+$0x1C160]  }
0x304: {  	v57 =	vld.idx.msk [tilespmem:v51+s13+$0x0], $0xffff;
	[tilespmem:s31+$0x1E150] =	vst v36  }
0x305: {  	v58 =	vor.u32 v5, v34;
	v35 =	vmul.f32 v52, v55;
	v36 =	vld.idx.msk [tilespmem:v54+s12+$0x0], $0xffff  }
0x306: {  	v44 =	vld [tilespmem:s1+$0x1C110]  }
0x307: {  	v59 =	vor.u32 v14, v33;
	v39 =	vld.idx.msk [tilespmem:v54+s13+$0x0], $0xffff;
	v35 =	vadd.f32 v35, v40;
	v37 =	vmul.f32 v56, v37  }
0x308: {  	v60 =	vld [tilespmem:s1+$0x1C0E0]  }
0x309: {  	v61 =	vld [tilespmem:s0+$0x1C050];
	[tilespmem:s0+$0x1E040] =	vst v35;
	v37 =	vadd.f32 v37, v57  }
0x30a: {  	v62 =	vor.u32 v23, v32;
	v63 =	vld.idx.msk [tilespmem:v58+s12+$0x0], $0xffff;
	v36 =	vmul.f32 v50, v36  }
0x30b: {  	v42 =	vld.idx.msk [tilespmem:v58+s13+$0x0], $0xffff;
	[tilespmem:s1+$0x1E0D0] =	vst v37  }
0x30c: {  	v37 =	vld.idx.msk [tilespmem:v59+s12+$0x0], $0xffff;
	v36 =	vadd.f32 v36, v39  }
0x30d: {  	v48 =	vld.idx.msk [tilespmem:v59+s13+$0x0], $0xffff  }
0x30e: {  	v50 =	vld [tilespmem:s31+$0x1C170];
	[tilespmem:s31+$0x1E160] =	vst v36  }
0x30f: {  	v49 =	vld.idx.msk [tilespmem:v62+s12+$0x0], $0xffff  }
0x310: {  	v52 =	vor.u32 v6, v34;
	v55 =	vld [tilespmem:s0+$0x1C060];
	v51 =	vmul.f32 v61, v63  }
0x311: {  	v38 =	vld.idx.msk [tilespmem:v62+s13+$0x0], $0xffff  }
0x312: {  	v53 =	vor.u32 v15, v33;
	v54 =	vld [tilespmem:s1+$0x1C0F0];
	v42 =	vadd.f32 v51, v42;
	v37 =	vmul.f32 v60, v37  }
0x313: {  	v35 =	vld [tilespmem:s31+$0x1C1E0]  }
0x314: {  	v57 =	vor.u32 v24, v32;
	v63 =	vld [tilespmem:s31+$0x1C180];
	[tilespmem:s0+$0x1E050] =	vst v42;
	v37 =	vadd.f32 v37, v48;
	v56 =	vmul.f32 v50, v49  }
0x315: {  	v58 =	vld.idx.msk [tilespmem:v52+s12+$0x0], $0xffff  }
0x316: {  	v41 =	vld.idx.msk [tilespmem:v52+s13+$0x0], $0xffff;
	[tilespmem:s1+$0x1E0E0] =	vst v37;
	v59 =	vadd.f32 v56, v38  }
0x317: {  	v60 =	vld.idx.msk [tilespmem:v53+s12+$0x0], $0xffff  }
0x318: {  	v61 =	vld.idx.msk [tilespmem:v53+s13+$0x0], $0xffff;
	[tilespmem:s31+$0x1E170] =	vst v59  }
0x319: {  	v62 =	vld.idx.msk [tilespmem:v57+s12+$0x0], $0xffff  }
0x31a: {  	v36 =	vld [tilespmem:s31+$0x1C1D0];
	v52 =	vor.u32 v7, v34;
	v42 =	vmul.f32 v55, v58  }
0x31b: {  	v40 =	vld.idx.msk [tilespmem:v57+s13+$0x0], $0xffff  }
0x31c: {  	v37 =	vld [tilespmem:s31+$0x1C1C0];
	v41 =	vadd.f32 v42, v41;
	v53 =	vmul.f32 v54, v60;
	v54 =	vor.u32 v16, v33  }
0x31d: {  	v56 =	vld [tilespmem:s0+$0x1C070]  }
0x31e: {  	v55 =	vld [tilespmem:s1+$0x1C100];
	v58 =	vor.u32 v25, v32;
	[tilespmem:s0+$0x1E060] =	vst v41;
	v39 =	vadd.f32 v53, v61;
	v57 =	vmul.f32 v63, v62  }
0x31f: {  	v59 =	vld.idx.msk [tilespmem:v52+s12+$0x0], $0xffff  }
0x320: {  	v60 =	vld.idx.msk [tilespmem:v52+s13+$0x0], $0xffff;
	[tilespmem:s1+$0x1E0F0] =	vst v39;
	v61 =	vadd.f32 v57, v40  }
0x321: {  	v62 =	vld.idx.msk [tilespmem:v54+s12+$0x0], $0xffff  }
0x322: {  	v45 =	vld.idx.msk [tilespmem:v54+s13+$0x0], $0xffff;
	[tilespmem:s31+$0x1E180] =	vst v61  }
0x323: {  	v42 =	vld.idx.msk [tilespmem:v58+s12+$0x0], $0xffff  }
0x324: {  	v48 =	vor.u32 v8, v34;
	v38 =	vld [tilespmem:s31+$0x1C1B0];
	v63 =	vmul.f32 v56, v59  }
0x325: {  	s3 =	sadd.s32 $0x10, s15;
	v41 =	vld.idx.msk [tilespmem:v58+s13+$0x0], $0xffff  }
0x326: {  	v46 =	vor.u32 v17, v33;
	v39 =	vld [tilespmem:s3+$0x0];
	v49 =	vadd.f32 v63, v60;
	v47 =	vmul.f32 v55, v62  }
0x327: {  	s5 =	simm.s32 $0x1800;
	s6 =	simm.s32 $0x2000;
	s15 =	sor.u32 $0x200, s30;
	v40 =	vld [tilespmem:s31+$0x1C1A0]  }
.LBB2_5:
0x328: {  	p0 =	sne.s32 s6, $0x3800;
	[tilespmem:s0+$0x1E070] =	vst v49;
	v49 =	vld [tilespmem:s0+$0x1C080];
	v45 =	vadd.f32 v47, v45;
	v42 =	vmul.f32 v43, v42;
	v43 =	vor.u32 v26, v32  }
0x329: {  	v47 =	vld.idx.msk [tilespmem:v48+s12+$0x0], $0xffff  }
0x32a: {  	v48 =	vld.idx.msk [tilespmem:v48+s13+$0x0], $0xffff;
	[tilespmem:s1+$0x1E100] =	vst v45;
	v41 =	vadd.f32 v42, v41  }
0x32b: {  	v42 =	vld.idx.msk [tilespmem:v46+s12+$0x0], $0xffff  }
0x32c: {  	v39 =	vshll.u32 v39, $0x9;
	v45 =	vld.idx.msk [tilespmem:v46+s13+$0x0], $0xffff;
	[tilespmem:s31+$0x1E190] =	vst v41  }
0x32d: {  	v41 =	vor.u32 v0, v39;
	v46 =	vld.idx.msk [tilespmem:v43+s12+$0x0], $0xffff  }
0x32e: {  	v50 =	vld [tilespmem:s1+$0x1C120]  }
0x32f: {  	v47 =	vmul.f32 v49, v47;
	v49 =	vor.u32 v9, v34;
	v43 =	vld.idx.msk [tilespmem:v43+s13+$0x0], $0xffff  }
0x330: {  	s7 =	sshra.s32 s5, $0x2;
	s5 =	smov.u32 s6;
	v51 =	vld [tilespmem:s0+$0x1C090]  }
0x331: {  	v47 =	vadd.f32 v47, v48;
	v42 =	vmul.f32 v44, v42;
	v44 =	vor.u32 v18, v33;
	v52 =	vld [tilespmem:s7+$0x1C000]  }
0x332: {  	v53 =	vor.u32 v27, v32;
	v48 =	vld.idx.msk [tilespmem:v41+s12+$0x0], $0xffff  }
0x333: {  	v42 =	vadd.f32 v42, v45;
	v40 =	vmul.f32 v40, v46;
	v41 =	vld.idx.msk [tilespmem:v41+s13+$0x0], $0xffff;
	[tilespmem:s0+$0x1E080] =	vst v47  }
0x334: {  	v45 =	vld.idx.msk [tilespmem:v49+s12+$0x0], $0xffff  }
0x335: {  	v40 =	vadd.f32 v40, v43;
	v46 =	vld.idx.msk [tilespmem:v49+s13+$0x0], $0xffff;
	[tilespmem:s1+$0x1E110] =	vst v42  }
0x336: {  	v42 =	vld.idx.msk [tilespmem:v44+s12+$0x0], $0xffff  }
0x337: {  	v43 =	vld.idx.msk [tilespmem:v44+s13+$0x0], $0xffff;
	[tilespmem:s31+$0x1E1A0] =	vst v40  }
0x338: {  	v40 =	vmul.f32 v52, v48;
	v44 =	vor.u32 v1, v39;
	v47 =	vld.idx.msk [tilespmem:v53+s12+$0x0], $0xffff  }
0x339: {  	v48 =	vld [tilespmem:s1+$0x1C130]  }
0x33a: {  	v40 =	vadd.f32 v40, v41;
	v41 =	vmul.f32 v51, v45;
	v45 =	vor.u32 v10, v34;
	v49 =	vld.idx.msk [tilespmem:v53+s13+$0x0], $0xffff  }
0x33b: {  	v51 =	vld [tilespmem:s0+$0x1C0A0]  }
0x33c: {  	v41 =	vadd.f32 v41, v46;
	v42 =	vmul.f32 v50, v42;
	v46 =	vor.u32 v19, v33;
	[tilespmem:s7+$0x1E000] =	vst v40;
	v40 =	vld [tilespmem:s7+$0x1C010]  }
0x33d: {  	v52 =	vor.u32 v28, v32;
	v50 =	vld.idx.msk [tilespmem:v44+s12+$0x0], $0xffff  }
0x33e: {  	v38 =	vmul.f32 v38, v47;
	v44 =	vld.idx.msk [tilespmem:v44+s13+$0x0], $0xffff;
	[tilespmem:s0+$0x1E090] =	vst v41;
	v41 =	vadd.f32 v42, v43  }
0x33f: {  	v42 =	vld.idx.msk [tilespmem:v45+s12+$0x0], $0xffff  }
0x340: {  	v38 =	vadd.f32 v38, v49;
	v43 =	vld.idx.msk [tilespmem:v45+s13+$0x0], $0xffff;
	[tilespmem:s1+$0x1E120] =	vst v41  }
0x341: {  	v41 =	vld.idx.msk [tilespmem:v46+s12+$0x0], $0xffff  }
0x342: {  	v45 =	vld.idx.msk [tilespmem:v46+s13+$0x0], $0xffff;
	[tilespmem:s31+$0x1E1B0] =	vst v38  }
0x343: {  	v38 =	vmul.f32 v40, v50;
	v40 =	vor.u32 v2, v39;
	v46 =	vld.idx.msk [tilespmem:v52+s12+$0x0], $0xffff  }
0x344: {  	v47 =	vld [tilespmem:s1+$0x1C140]  }
0x345: {  	v38 =	vadd.f32 v38, v44;
	v42 =	vmul.f32 v51, v42;
	v44 =	vor.u32 v11, v34;
	v49 =	vld.idx.msk [tilespmem:v52+s13+$0x0], $0xffff  }
0x346: {  	v50 =	vld [tilespmem:s0+$0x1C0B0]  }
0x347: {  	v42 =	vadd.f32 v42, v43;
	v41 =	vmul.f32 v48, v41;
	v43 =	vor.u32 v20, v33;
	[tilespmem:s7+$0x1E010] =	vst v38;
	v38 =	vld [tilespmem:s7+$0x1C020]  }
0x348: {  	v51 =	vor.u32 v29, v32;
	v48 =	vld.idx.msk [tilespmem:v40+s12+$0x0], $0xffff  }
0x349: {  	v41 =	vadd.f32 v41, v45;
	v37 =	vmul.f32 v37, v46;
	v40 =	vld.idx.msk [tilespmem:v40+s13+$0x0], $0xffff;
	[tilespmem:s0+$0x1E0A0] =	vst v42  }
0x34a: {  	v42 =	vld.idx.msk [tilespmem:v44+s12+$0x0], $0xffff  }
0x34b: {  	v37 =	vadd.f32 v37, v49;
	v44 =	vld.idx.msk [tilespmem:v44+s13+$0x0], $0xffff;
	[tilespmem:s1+$0x1E130] =	vst v41  }
0x34c: {  	v41 =	vld.idx.msk [tilespmem:v43+s12+$0x0], $0xffff  }
0x34d: {  	v43 =	vld.idx.msk [tilespmem:v43+s13+$0x0], $0xffff;
	[tilespmem:s31+$0x1E1C0] =	vst v37  }
0x34e: {  	v37 =	vmul.f32 v38, v48;
	v38 =	vor.u32 v3, v39;
	v45 =	vld.idx.msk [tilespmem:v51+s12+$0x0], $0xffff  }
0x34f: {  	v46 =	vld [tilespmem:s1+$0x1C150]  }
0x350: {  	v37 =	vadd.f32 v37, v40;
	v40 =	vmul.f32 v50, v42;
	v42 =	vor.u32 v12, v34;
	v48 =	vld.idx.msk [tilespmem:v51+s13+$0x0], $0xffff  }
0x351: {  	v49 =	vld [tilespmem:s0+$0x1C0C0]  }
0x352: {  	v40 =	vadd.f32 v40, v44;
	v41 =	vmul.f32 v47, v41;
	v44 =	vor.u32 v21, v33;
	[tilespmem:s7+$0x1E020] =	vst v37;
	v37 =	vld [tilespmem:s7+$0x1C030]  }
0x353: {  	v50 =	vor.u32 v30, v32;
	v47 =	vld.idx.msk [tilespmem:v38+s12+$0x0], $0xffff  }
0x354: {  	v36 =	vmul.f32 v36, v45;
	v38 =	vld.idx.msk [tilespmem:v38+s13+$0x0], $0xffff;
	[tilespmem:s0+$0x1E0B0] =	vst v40;
	v40 =	vadd.f32 v41, v43  }
0x355: {  	v41 =	vld.idx.msk [tilespmem:v42+s12+$0x0], $0xffff  }
0x356: {  	v36 =	vadd.f32 v36, v48;
	v42 =	vld.idx.msk [tilespmem:v42+s13+$0x0], $0xffff;
	[tilespmem:s1+$0x1E140] =	vst v40  }
0x357: {  	v40 =	vld.idx.msk [tilespmem:v44+s12+$0x0], $0xffff  }
0x358: {  	v43 =	vld.idx.msk [tilespmem:v44+s13+$0x0], $0xffff;
	[tilespmem:s31+$0x1E1D0] =	vst v36  }
0x359: {  	v36 =	vmul.f32 v37, v47;
	v37 =	vor.u32 v4, v39;
	v44 =	vld.idx.msk [tilespmem:v50+s12+$0x0], $0xffff  }
0x35a: {  	v45 =	vld [tilespmem:s1+$0x1C160]  }
0x35b: {  	v36 =	vadd.f32 v36, v38;
	v38 =	vmul.f32 v49, v41;
	v41 =	vor.u32 v13, v34;
	v47 =	vld.idx.msk [tilespmem:v50+s13+$0x0], $0xffff  }
0x35c: {  	v48 =	vld [tilespmem:s0+$0x1C0D0]  }
0x35d: {  	v38 =	vadd.f32 v38, v42;
	v40 =	vmul.f32 v46, v40;
	v42 =	vor.u32 v22, v33;
	[tilespmem:s7+$0x1E030] =	vst v36;
	v36 =	vld [tilespmem:s7+$0x1C040]  }
0x35e: {  	v49 =	vor.u32 v31, v32;
	v32 =	vmovc v33;
	v33 =	vmov v34;
	v34 =	vmov v39;
	v46 =	vld.idx.msk [tilespmem:v37+s12+$0x0], $0xffff  }
0x35f: {  	v35 =	vmul.f32 v35, v44;
	v37 =	vld.idx.msk [tilespmem:v37+s13+$0x0], $0xffff;
	[tilespmem:s0+$0x1E0C0] =	vst v38;
	v38 =	vadd.f32 v40, v43  }
0x360: {  	v39 =	vld.idx.msk [tilespmem:v41+s12+$0x0], $0xffff  }
0x361: {  	v35 =	vadd.f32 v35, v47;
	v40 =	vld.idx.msk [tilespmem:v41+s13+$0x0], $0xffff;
	[tilespmem:s1+$0x1E150] =	vst v38  }
0x362: {  	v38 =	vld.idx.msk [tilespmem:v42+s12+$0x0], $0xffff  }
0x363: {  	v41 =	vld.idx.msk [tilespmem:v42+s13+$0x0], $0xffff;
	[tilespmem:s31+$0x1E1E0] =	vst v35  }
0x364: {  	v35 =	vmul.f32 v36, v46;
	v36 =	vor.u32 v5, v34;
	v42 =	vld.idx.msk [tilespmem:v49+s12+$0x0], $0xffff  }
0x365: {  	v43 =	vld [tilespmem:s31+$0x1C1F0]  }
0x366: {  	v35 =	vadd.f32 v35, v37;
	v37 =	vmul.f32 v48, v39;
	v39 =	vor.u32 v14, v33;
	v44 =	vld.idx.msk [tilespmem:v49+s13+$0x0], $0xffff  }
0x367: {  	v46 =	vld [tilespmem:s0+$0x1C0E0]  }
0x368: {  	v37 =	vadd.f32 v37, v40;
	v38 =	vmul.f32 v45, v38;
	v40 =	vor.u32 v23, v32;
	[tilespmem:s7+$0x1E040] =	vst v35;
	v35 =	vld [tilespmem:s7+$0x1C050]  }
0x369: {  	v45 =	vld.idx.msk [tilespmem:v36+s12+$0x0], $0xffff  }
0x36a: {  	v36 =	vld.idx.msk [tilespmem:v36+s13+$0x0], $0xffff;
	[tilespmem:s0+$0x1E0D0] =	vst v37;
	v37 =	vadd.f32 v38, v41;
	v38 =	vmul.f32 v43, v42  }
0x36b: {  	v41 =	vld.idx.msk [tilespmem:v39+s12+$0x0], $0xffff  }
0x36c: {  	v39 =	vld.idx.msk [tilespmem:v39+s13+$0x0], $0xffff;
	[tilespmem:s1+$0x1E160] =	vst v37;
	v37 =	vadd.f32 v38, v44  }
0x36d: {  	v38 =	vld.idx.msk [tilespmem:v40+s12+$0x0], $0xffff  }
0x36e: {  	v42 =	vld [tilespmem:s1+$0x1C170];
	[tilespmem:s31+$0x1E1F0] =	vst v37;
	s31 =	smov.u32 s1;
	s1 =	smov.u32 s0;
	s0 =	smov.u32 s7  }
0x36f: {  	v43 =	vor.u32 v6, v34;
	v37 =	vmul.f32 v35, v45;
	v40 =	vld.idx.msk [tilespmem:v40+s13+$0x0], $0xffff  }
0x370: {  	v35 =	vld [tilespmem:s31+$0x1C1E0]  }
0x371: {  	v44 =	vor.u32 v15, v33;
	v37 =	vadd.f32 v37, v36;
	v41 =	vmul.f32 v46, v41;
	v36 =	vld [tilespmem:s31+$0x1C1D0]  }
0x372: {  	v45 =	vld [tilespmem:s1+$0x1C0F0]  }
0x373: {  	v39 =	vadd.f32 v41, v39;
	v41 =	vor.u32 v24, v32;
	[tilespmem:s0+$0x1E050] =	vst v37;
	v37 =	vld [tilespmem:s0+$0x1C060];
	v38 =	vmul.f32 v42, v38  }
0x374: {  	v42 =	vld.idx.msk [tilespmem:v43+s12+$0x0], $0xffff  }
0x375: {  	v43 =	vld.idx.msk [tilespmem:v43+s13+$0x0], $0xffff;
	[tilespmem:s1+$0x1E0E0] =	vst v39;
	v38 =	vadd.f32 v38, v40  }
0x376: {  	v39 =	vld.idx.msk [tilespmem:v44+s12+$0x0], $0xffff  }
0x377: {  	v40 =	vld.idx.msk [tilespmem:v44+s13+$0x0], $0xffff;
	[tilespmem:s31+$0x1E170] =	vst v38  }
0x378: {  	v44 =	vld.idx.msk [tilespmem:v41+s12+$0x0], $0xffff  }
0x379: {  	v46 =	vld [tilespmem:s31+$0x1C180]  }
0x37a: {  	v38 =	vmul.f32 v37, v42;
	v42 =	vor.u32 v7, v34;
	v41 =	vld.idx.msk [tilespmem:v41+s13+$0x0], $0xffff  }
0x37b: {  	v37 =	vld [tilespmem:s31+$0x1C1C0]  }
0x37c: {  	v43 =	vadd.f32 v38, v43;
	v39 =	vmul.f32 v45, v39;
	v45 =	vor.u32 v16, v33;
	v38 =	vld [tilespmem:s31+$0x1C1B0]  }
0x37d: {  	v47 =	vld [tilespmem:s1+$0x1C100]  }
0x37e: {  	v39 =	vadd.f32 v39, v40;
	[tilespmem:s0+$0x1E060] =	vst v43;
	v48 =	vld [tilespmem:s0+$0x1C070];
	v40 =	vmul.f32 v46, v44;
	v44 =	vor.u32 v25, v32  }
0x37f: {  	v46 =	vld.idx.msk [tilespmem:v42+s12+$0x0], $0xffff  }
0x380: {  	v49 =	vld.idx.msk [tilespmem:v42+s13+$0x0], $0xffff;
	[tilespmem:s1+$0x1E0F0] =	vst v39;
	v39 =	vadd.f32 v40, v41  }
0x381: {  	v50 =	vld.idx.msk [tilespmem:v45+s12+$0x0], $0xffff  }
0x382: {  	v45 =	vld.idx.msk [tilespmem:v45+s13+$0x0], $0xffff;
	[tilespmem:s31+$0x1E180] =	vst v39  }
0x383: {  	v42 =	vld.idx.msk [tilespmem:v44+s12+$0x0], $0xffff  }
.Ltmp3:
0x384: {  	v43 =	vld [tilespmem:s31+$0x1C190];
	(pc) =	sbr.rel @p0 .LBB2_5-.Ltmp3, $4  }
0x385: {  	v39 =	vmul.f32 v48, v46;
	v48 =	vor.u32 v8, v34;
	v41 =	vld.idx.msk [tilespmem:v44+s13+$0x0], $0xffff  }
0x386: {  	v40 =	vld [tilespmem:s31+$0x1C1A0]  }
0x387: {  	s3 =	sadd.s32 $0x10, s3;
	v46 =	vor.u32 v17, v33;
	v49 =	vadd.f32 v39, v49;
	v47 =	vmul.f32 v47, v50;
	v44 =	vld [tilespmem:s1+$0x1C110]  }
0x388: {  	s6 =	sadd.s32 $0x800, s6;
	v39 =	vld [tilespmem:s3+$0x0]  }
0x389: {  	_ =	sdelay $0x3  }
0x38a: {  	v39 =	vshll.u32 v39, $0x9  }
0x38b: {  	v50 =	vor.u32 v0, v39;
	_ =	sdelay $0x2  }
0x38c: {  	s3 =	sshra.s32 s5, $0x2  }
0x38d: {  	v51 =	vld [tilespmem:s3+$0x1C000]  }
0x38e: {  	v52 =	vld.idx.msk [tilespmem:v50+s12+$0x0], $0xffff;
	_ =	sdelay $0x1  }
0x38f: {  	v50 =	vld.idx.msk [tilespmem:v50+s13+$0x0], $0xffff;
	_ =	sdelay $0x2  }
0x390: {  	v56 =	vor.u32 v1, v39;
	v51 =	vmul.f32 v51, v52;
	_ =	sdelay $0x1  }
0x391: {  	v50 =	vadd.f32 v51, v50;
	_ =	sdelay $0x1  }
0x392: {  	v57 =	vld [tilespmem:s3+$0x1C010];
	[tilespmem:s3+$0x1E000] =	vst v50  }
0x393: {  	v58 =	vld.idx.msk [tilespmem:v56+s12+$0x0], $0xffff;
	_ =	sdelay $0x1  }
0x394: {  	v52 =	vld.idx.msk [tilespmem:v56+s13+$0x0], $0xffff;
	_ =	sdelay $0x2  }
0x395: {  	v59 =	vor.u32 v2, v39;
	v50 =	vmul.f32 v57, v58;
	_ =	sdelay $0x1  }
0x396: {  	v50 =	vadd.f32 v50, v52;
	_ =	sdelay $0x1  }
0x397: {  	v60 =	vld [tilespmem:s3+$0x1C020];
	[tilespmem:s3+$0x1E010] =	vst v50  }
0x398: {  	v61 =	vld.idx.msk [tilespmem:v59+s12+$0x0], $0xffff;
	_ =	sdelay $0x1  }
0x399: {  	v51 =	vld.idx.msk [tilespmem:v59+s13+$0x0], $0xffff;
	_ =	sdelay $0x2  }
0x39a: {  	v62 =	vor.u32 v3, v39;
	v50 =	vmul.f32 v60, v61;
	_ =	sdelay $0x1  }
0x39b: {  	v50 =	vadd.f32 v50, v51;
	_ =	sdelay $0x1  }
0x39c: {  	v63 =	vld [tilespmem:s3+$0x1C030];
	[tilespmem:s3+$0x1E020] =	vst v50  }
0x39d: {  	v56 =	vld.idx.msk [tilespmem:v62+s12+$0x0], $0xffff;
	_ =	sdelay $0x1  }
0x39e: {  	v52 =	vld.idx.msk [tilespmem:v62+s13+$0x0], $0xffff;
	_ =	sdelay $0x2  }
0x39f: {  	v57 =	vor.u32 v4, v39;
	v50 =	vmul.f32 v63, v56;
	_ =	sdelay $0x1  }
0x3a0: {  	v50 =	vadd.f32 v50, v52;
	_ =	sdelay $0x1  }
0x3a1: {  	v58 =	vld [tilespmem:s3+$0x1C040];
	[tilespmem:s3+$0x1E030] =	vst v50  }
0x3a2: {  	v59 =	vld.idx.msk [tilespmem:v57+s12+$0x0], $0xffff;
	_ =	sdelay $0x1  }
0x3a3: {  	v51 =	vld.idx.msk [tilespmem:v57+s13+$0x0], $0xffff;
	_ =	sdelay $0x2  }
0x3a4: {  	v60 =	vor.u32 v5, v39;
	v50 =	vmul.f32 v58, v59;
	_ =	sdelay $0x1  }
0x3a5: {  	v50 =	vadd.f32 v50, v51;
	_ =	sdelay $0x1  }
0x3a6: {  	v61 =	vld [tilespmem:s3+$0x1C050];
	[tilespmem:s3+$0x1E040] =	vst v50  }
0x3a7: {  	v62 =	vld.idx.msk [tilespmem:v60+s12+$0x0], $0xffff;
	_ =	sdelay $0x1  }
0x3a8: {  	v52 =	vld.idx.msk [tilespmem:v60+s13+$0x0], $0xffff;
	_ =	sdelay $0x2  }
0x3a9: {  	v63 =	vor.u32 v6, v39;
	v50 =	vmul.f32 v61, v62;
	_ =	sdelay $0x1  }
0x3aa: {  	v50 =	vadd.f32 v50, v52;
	_ =	sdelay $0x1  }
0x3ab: {  	v56 =	vld [tilespmem:s3+$0x1C060];
	[tilespmem:s3+$0x1E050] =	vst v50  }
0x3ac: {  	v57 =	vld.idx.msk [tilespmem:v63+s12+$0x0], $0xffff;
	_ =	sdelay $0x1  }
0x3ad: {  	v51 =	vld.idx.msk [tilespmem:v63+s13+$0x0], $0xffff;
	_ =	sdelay $0x2  }
0x3ae: {  	v58 =	vor.u32 v7, v39;
	v50 =	vmul.f32 v56, v57;
	_ =	sdelay $0x1  }
0x3af: {  	v50 =	vadd.f32 v50, v51;
	_ =	sdelay $0x1  }
0x3b0: {  	v59 =	vld [tilespmem:s3+$0x1C070];
	[tilespmem:s3+$0x1E060] =	vst v50  }
0x3b1: {  	v60 =	vld.idx.msk [tilespmem:v58+s12+$0x0], $0xffff;
	_ =	sdelay $0x1  }
0x3b2: {  	v52 =	vld.idx.msk [tilespmem:v58+s13+$0x0], $0xffff;
	_ =	sdelay $0x1  }
0x3b3: {  	[tilespmem:s0+$0x1E070] =	vst v49  }
0x3b4: {  	v53 =	vld.idx.msk [tilespmem:v48+s12+$0x0], $0xffff;
	v62 =	vor.u32 v8, v39;
	v61 =	vmul.f32 v59, v60  }
0x3b5: {  	v63 =	vld [tilespmem:s0+$0x1C080]  }
0x3b6: {  	v49 =	vadd.f32 v61, v52  }
0x3b7: {  	v56 =	vld.idx.msk [tilespmem:v48+s13+$0x0], $0xffff  }
0x3b8: {  	v57 =	vld [tilespmem:s3+$0x1C080];
	[tilespmem:s3+$0x1E070] =	vst v49  }
0x3b9: {  	v58 =	vld.idx.msk [tilespmem:v62+s12+$0x0], $0xffff  }
0x3ba: {  	v51 =	vmul.f32 v63, v53;
	v59 =	vor.u32 v9, v34  }
0x3bb: {  	v50 =	vld.idx.msk [tilespmem:v62+s13+$0x0], $0xffff  }
0x3bc: {  	v48 =	vadd.f32 v51, v56;
	_ =	sdelay $0x1  }
0x3bd: {  	[tilespmem:s0+$0x1E080] =	vst v48;
	v60 =	vld [tilespmem:s0+$0x1C090];
	v61 =	vor.u32 v9, v39;
	v49 =	vmul.f32 v57, v58  }
0x3be: {  	v48 =	vld.idx.msk [tilespmem:v59+s12+$0x0], $0xffff  }
0x3bf: {  	v49 =	vadd.f32 v49, v50  }
0x3c0: {  	v62 =	vld.idx.msk [tilespmem:v59+s13+$0x0], $0xffff  }
0x3c1: {  	v63 =	vld [tilespmem:s3+$0x1C090];
	[tilespmem:s3+$0x1E080] =	vst v49  }
0x3c2: {  	v49 =	vld.idx.msk [tilespmem:v61+s12+$0x0], $0xffff  }
0x3c3: {  	v56 =	vor.u32 v10, v34;
	v48 =	vmul.f32 v60, v48  }
0x3c4: {  	v52 =	vld.idx.msk [tilespmem:v61+s13+$0x0], $0xffff  }
0x3c5: {  	v48 =	vadd.f32 v48, v62;
	_ =	sdelay $0x1  }
0x3c6: {  	v57 =	vld [tilespmem:s0+$0x1C0A0];
	v58 =	vor.u32 v10, v39;
	[tilespmem:s0+$0x1E090] =	vst v48;
	v49 =	vmul.f32 v63, v49  }
0x3c7: {  	v48 =	vld.idx.msk [tilespmem:v56+s12+$0x0], $0xffff  }
0x3c8: {  	v49 =	vadd.f32 v49, v52  }
0x3c9: {  	v51 =	vld.idx.msk [tilespmem:v56+s13+$0x0], $0xffff  }
0x3ca: {  	v59 =	vld [tilespmem:s3+$0x1C0A0];
	[tilespmem:s3+$0x1E090] =	vst v49  }
0x3cb: {  	v49 =	vld.idx.msk [tilespmem:v58+s12+$0x0], $0xffff  }
0x3cc: {  	v60 =	vor.u32 v11, v34;
	v48 =	vmul.f32 v57, v48  }
0x3cd: {  	v53 =	vld.idx.msk [tilespmem:v58+s13+$0x0], $0xffff  }
0x3ce: {  	v48 =	vadd.f32 v48, v51;
	_ =	sdelay $0x1  }
0x3cf: {  	v62 =	vor.u32 v11, v39;
	v61 =	vld [tilespmem:s0+$0x1C0B0];
	[tilespmem:s0+$0x1E0A0] =	vst v48;
	v49 =	vmul.f32 v59, v49  }
0x3d0: {  	v48 =	vld.idx.msk [tilespmem:v60+s12+$0x0], $0xffff  }
0x3d1: {  	v49 =	vadd.f32 v49, v53  }
0x3d2: {  	v50 =	vld.idx.msk [tilespmem:v60+s13+$0x0], $0xffff  }
0x3d3: {  	v63 =	vld [tilespmem:s3+$0x1C0B0];
	[tilespmem:s3+$0x1E0A0] =	vst v49  }
0x3d4: {  	v49 =	vld.idx.msk [tilespmem:v62+s12+$0x0], $0xffff  }
0x3d5: {  	v56 =	vor.u32 v12, v34;
	v48 =	vmul.f32 v61, v48  }
0x3d6: {  	v52 =	vld.idx.msk [tilespmem:v62+s13+$0x0], $0xffff  }
0x3d7: {  	v48 =	vadd.f32 v48, v50;
	_ =	sdelay $0x1  }
0x3d8: {  	v57 =	vld [tilespmem:s0+$0x1C0C0];
	v58 =	vor.u32 v12, v39;
	[tilespmem:s0+$0x1E0B0] =	vst v48;
	v49 =	vmul.f32 v63, v49  }
0x3d9: {  	v48 =	vld.idx.msk [tilespmem:v56+s12+$0x0], $0xffff  }
0x3da: {  	v49 =	vadd.f32 v49, v52  }
0x3db: {  	v51 =	vld.idx.msk [tilespmem:v56+s13+$0x0], $0xffff  }
0x3dc: {  	v59 =	vld [tilespmem:s3+$0x1C0C0];
	[tilespmem:s3+$0x1E0B0] =	vst v49  }
0x3dd: {  	v49 =	vld.idx.msk [tilespmem:v58+s12+$0x0], $0xffff  }
0x3de: {  	v60 =	vor.u32 v13, v34;
	v48 =	vmul.f32 v57, v48  }
0x3df: {  	v53 =	vld.idx.msk [tilespmem:v58+s13+$0x0], $0xffff  }
0x3e0: {  	v48 =	vadd.f32 v48, v51;
	_ =	sdelay $0x1  }
0x3e1: {  	v61 =	vld [tilespmem:s0+$0x1C0D0];
	v62 =	vor.u32 v13, v39;
	[tilespmem:s0+$0x1E0C0] =	vst v48;
	v49 =	vmul.f32 v59, v49  }
0x3e2: {  	v48 =	vld.idx.msk [tilespmem:v60+s12+$0x0], $0xffff  }
0x3e3: {  	v49 =	vadd.f32 v49, v53  }
0x3e4: {  	v50 =	vld.idx.msk [tilespmem:v60+s13+$0x0], $0xffff  }
0x3e5: {  	v63 =	vld [tilespmem:s3+$0x1C0D0];
	[tilespmem:s3+$0x1E0C0] =	vst v49  }
0x3e6: {  	v49 =	vld.idx.msk [tilespmem:v62+s12+$0x0], $0xffff  }
0x3e7: {  	v56 =	vor.u32 v14, v34;
	v48 =	vmul.f32 v61, v48  }
0x3e8: {  	v52 =	vld.idx.msk [tilespmem:v62+s13+$0x0], $0xffff  }
0x3e9: {  	v48 =	vadd.f32 v48, v50;
	_ =	sdelay $0x1  }
0x3ea: {  	v57 =	vld [tilespmem:s0+$0x1C0E0];
	v58 =	vor.u32 v14, v39;
	[tilespmem:s0+$0x1E0D0] =	vst v48;
	v49 =	vmul.f32 v63, v49  }
0x3eb: {  	v48 =	vld.idx.msk [tilespmem:v56+s12+$0x0], $0xffff  }
0x3ec: {  	v49 =	vadd.f32 v49, v52  }
0x3ed: {  	v51 =	vld.idx.msk [tilespmem:v56+s13+$0x0], $0xffff  }
0x3ee: {  	v59 =	vld [tilespmem:s3+$0x1C0E0];
	[tilespmem:s3+$0x1E0D0] =	vst v49  }
0x3ef: {  	v49 =	vld.idx.msk [tilespmem:v58+s12+$0x0], $0xffff  }
0x3f0: {  	v60 =	vor.u32 v15, v34;
	v48 =	vmul.f32 v57, v48  }
0x3f1: {  	v53 =	vld.idx.msk [tilespmem:v58+s13+$0x0], $0xffff  }
0x3f2: {  	v48 =	vadd.f32 v48, v51;
	_ =	sdelay $0x1  }
0x3f3: {  	v61 =	vld [tilespmem:s0+$0x1C0F0];
	v62 =	vor.u32 v15, v39;
	[tilespmem:s0+$0x1E0E0] =	vst v48;
	v49 =	vmul.f32 v59, v49  }
0x3f4: {  	v48 =	vld.idx.msk [tilespmem:v60+s12+$0x0], $0xffff  }
0x3f5: {  	v49 =	vadd.f32 v49, v53  }
0x3f6: {  	v50 =	vld.idx.msk [tilespmem:v60+s13+$0x0], $0xffff  }
0x3f7: {  	v63 =	vld [tilespmem:s3+$0x1C0F0];
	[tilespmem:s3+$0x1E0E0] =	vst v49  }
0x3f8: {  	v45 =	vadd.f32 v47, v45;
	v55 =	vld.idx.msk [tilespmem:v62+s12+$0x0], $0xffff  }
0x3f9: {  	v57 =	vor.u32 v16, v34;
	v56 =	vmul.f32 v61, v48  }
0x3fa: {  	[tilespmem:s1+$0x1E100] =	vst v45;
	v49 =	vld.idx.msk [tilespmem:v62+s13+$0x0], $0xffff  }
0x3fb: {  	v58 =	vld.idx.msk [tilespmem:v46+s12+$0x0], $0xffff;
	v45 =	vadd.f32 v56, v50  }
0x3fc: {  	v60 =	vld [tilespmem:s0+$0x1C100]  }
0x3fd: {  	v59 =	vld.idx.msk [tilespmem:v46+s13+$0x0], $0xffff;
	v61 =	vor.u32 v16, v39;
	[tilespmem:s0+$0x1E0F0] =	vst v45;
	v47 =	vmul.f32 v63, v55  }
0x3fe: {  	v45 =	vld.idx.msk [tilespmem:v57+s12+$0x0], $0xffff  }
0x3ff: {  	v47 =	vadd.f32 v47, v49  }
0x400: {  	v44 =	vmul.f32 v44, v58;
	v62 =	vor.u32 v18, v33;
	v48 =	vld.idx.msk [tilespmem:v57+s13+$0x0], $0xffff  }
0x401: {  	v63 =	vld [tilespmem:s3+$0x1C100];
	[tilespmem:s3+$0x1E0F0] =	vst v47  }
0x402: {  	v44 =	vadd.f32 v44, v59;
	v56 =	vld.idx.msk [tilespmem:v61+s12+$0x0], $0xffff  }
0x403: {  	v57 =	vld [tilespmem:s1+$0x1C120];
	v59 =	vor.u32 v17, v34;
	v58 =	vmul.f32 v60, v45  }
0x404: {  	[tilespmem:s1+$0x1E110] =	vst v44;
	v60 =	vld.idx.msk [tilespmem:v61+s13+$0x0], $0xffff  }
0x405: {  	v44 =	vadd.f32 v58, v48;
	v61 =	vld.idx.msk [tilespmem:v62+s12+$0x0], $0xffff  }
0x406: {  	v49 =	vld.idx.msk [tilespmem:v62+s13+$0x0], $0xffff  }
0x407: {  	[tilespmem:s0+$0x1E100] =	vst v44;
	v62 =	vld [tilespmem:s0+$0x1C110];
	v46 =	vmul.f32 v63, v56;
	v63 =	vor.u32 v17, v39  }
0x408: {  	v44 =	vld.idx.msk [tilespmem:v59+s12+$0x0], $0xffff  }
0x409: {  	v46 =	vadd.f32 v46, v60  }
0x40a: {  	v45 =	vld.idx.msk [tilespmem:v59+s13+$0x0], $0xffff;
	v47 =	vmul.f32 v57, v61;
	v56 =	vor.u32 v19, v33  }
0x40b: {  	v57 =	vld [tilespmem:s3+$0x1C110];
	[tilespmem:s3+$0x1E100] =	vst v46  }
0x40c: {  	v58 =	vadd.f32 v47, v49;
	v59 =	vld.idx.msk [tilespmem:v63+s12+$0x0], $0xffff  }
0x40d: {  	v44 =	vmul.f32 v62, v44;
	v61 =	vor.u32 v18, v34;
	v60 =	vld [tilespmem:s1+$0x1C130]  }
0x40e: {  	[tilespmem:s1+$0x1E120] =	vst v58;
	v62 =	vld.idx.msk [tilespmem:v63+s13+$0x0], $0xffff  }
0x40f: {  	v44 =	vadd.f32 v44, v45;
	v63 =	vld.idx.msk [tilespmem:v56+s12+$0x0], $0xffff  }
0x410: {  	v50 =	vld.idx.msk [tilespmem:v56+s13+$0x0], $0xffff  }
0x411: {  	[tilespmem:s0+$0x1E110] =	vst v44;
	v56 =	vld [tilespmem:s0+$0x1C120];
	v47 =	vmul.f32 v57, v59;
	v57 =	vor.u32 v18, v39  }
0x412: {  	v44 =	vld.idx.msk [tilespmem:v61+s12+$0x0], $0xffff  }
0x413: {  	v47 =	vadd.f32 v47, v62  }
0x414: {  	v46 =	vld.idx.msk [tilespmem:v61+s13+$0x0], $0xffff;
	v58 =	vmul.f32 v60, v63;
	v59 =	vor.u32 v20, v33  }
0x415: {  	v60 =	vld [tilespmem:s3+$0x1C120];
	[tilespmem:s3+$0x1E110] =	vst v47  }
0x416: {  	v61 =	vadd.f32 v58, v50;
	v62 =	vld.idx.msk [tilespmem:v57+s12+$0x0], $0xffff  }
0x417: {  	v63 =	vld [tilespmem:s1+$0x1C140];
	v44 =	vmul.f32 v56, v44;
	v56 =	vor.u32 v19, v34  }
0x418: {  	[tilespmem:s1+$0x1E130] =	vst v61;
	v57 =	vld.idx.msk [tilespmem:v57+s13+$0x0], $0xffff  }
0x419: {  	v44 =	vadd.f32 v44, v46;
	v58 =	vld.idx.msk [tilespmem:v59+s12+$0x0], $0xffff  }
0x41a: {  	v49 =	vld.idx.msk [tilespmem:v59+s13+$0x0], $0xffff  }
0x41b: {  	[tilespmem:s0+$0x1E120] =	vst v44;
	v59 =	vld [tilespmem:s0+$0x1C130];
	v48 =	vmul.f32 v60, v62;
	v60 =	vor.u32 v19, v39  }
0x41c: {  	v44 =	vld.idx.msk [tilespmem:v56+s12+$0x0], $0xffff  }
0x41d: {  	v47 =	vadd.f32 v48, v57  }
0x41e: {  	v45 =	vld.idx.msk [tilespmem:v56+s13+$0x0], $0xffff;
	v61 =	vmul.f32 v63, v58;
	v62 =	vor.u32 v21, v33  }
0x41f: {  	v63 =	vld [tilespmem:s3+$0x1C130];
	[tilespmem:s3+$0x1E120] =	vst v47  }
0x420: {  	v56 =	vadd.f32 v61, v49;
	v57 =	vld.idx.msk [tilespmem:v60+s12+$0x0], $0xffff  }
0x421: {  	v58 =	vld [tilespmem:s1+$0x1C150];
	v44 =	vmul.f32 v59, v44;
	v59 =	vor.u32 v20, v34  }
0x422: {  	[tilespmem:s1+$0x1E140] =	vst v56;
	v60 =	vld.idx.msk [tilespmem:v60+s13+$0x0], $0xffff  }
0x423: {  	v44 =	vadd.f32 v44, v45;
	v61 =	vld.idx.msk [tilespmem:v62+s12+$0x0], $0xffff  }
0x424: {  	v50 =	vld.idx.msk [tilespmem:v62+s13+$0x0], $0xffff  }
0x425: {  	[tilespmem:s0+$0x1E130] =	vst v44;
	v62 =	vld [tilespmem:s0+$0x1C140];
	v48 =	vmul.f32 v63, v57;
	v63 =	vor.u32 v20, v39  }
0x426: {  	v44 =	vld.idx.msk [tilespmem:v59+s12+$0x0], $0xffff  }
0x427: {  	v47 =	vadd.f32 v48, v60  }
0x428: {  	v56 =	vor.u32 v22, v33;
	v46 =	vld.idx.msk [tilespmem:v59+s13+$0x0], $0xffff;
	v55 =	vmul.f32 v58, v61  }
0x429: {  	v57 =	vld [tilespmem:s3+$0x1C140];
	[tilespmem:s3+$0x1E130] =	vst v47  }
0x42a: {  	v58 =	vadd.f32 v55, v50;
	v59 =	vld.idx.msk [tilespmem:v63+s12+$0x0], $0xffff  }
0x42b: {  	v44 =	vmul.f32 v62, v44;
	v61 =	vor.u32 v21, v34;
	v60 =	vld [tilespmem:s1+$0x1C160]  }
0x42c: {  	[tilespmem:s1+$0x1E150] =	vst v58;
	v62 =	vld.idx.msk [tilespmem:v63+s13+$0x0], $0xffff  }
0x42d: {  	v44 =	vadd.f32 v44, v46;
	v63 =	vld.idx.msk [tilespmem:v56+s12+$0x0], $0xffff  }
0x42e: {  	v49 =	vld.idx.msk [tilespmem:v56+s13+$0x0], $0xffff  }
0x42f: {  	[tilespmem:s0+$0x1E140] =	vst v44;
	v56 =	vld [tilespmem:s0+$0x1C150];
	v48 =	vmul.f32 v57, v59;
	v57 =	vor.u32 v21, v39  }
0x430: {  	v44 =	vld.idx.msk [tilespmem:v61+s12+$0x0], $0xffff  }
0x431: {  	v47 =	vadd.f32 v48, v62  }
0x432: {  	v45 =	vld.idx.msk [tilespmem:v61+s13+$0x0], $0xffff  }
0x433: {  	v59 =	vld [tilespmem:s3+$0x1C150];
	[tilespmem:s3+$0x1E140] =	vst v47  }
0x434: {  	v50 =	vor.u32 v23, v33;
	v58 =	vmul.f32 v60, v63;
	v61 =	vld.idx.msk [tilespmem:v57+s12+$0x0], $0xffff  }
0x435: {  	v44 =	vmul.f32 v56, v44;
	v62 =	vor.u32 v22, v34  }
0x436: {  	v60 =	vadd.f32 v58, v49;
	v63 =	vld.idx.msk [tilespmem:v57+s13+$0x0], $0xffff  }
0x437: {  	v42 =	vmul.f32 v43, v42;
	v43 =	vld [tilespmem:s1+$0x1C1D0];
	v44 =	vadd.f32 v44, v45  }
0x438: {  	v58 =	vld [tilespmem:s0+$0x1C160];
	[tilespmem:s1+$0x1E160] =	vst v60  }
0x439: {  	[tilespmem:s0+$0x1E150] =	vst v44;
	v56 =	vld.idx.msk [tilespmem:v50+s12+$0x0], $0xffff;
	v48 =	vmul.f32 v59, v61;
	v59 =	vor.u32 v22, v39  }
0x43a: {  	v44 =	vld.idx.msk [tilespmem:v62+s12+$0x0], $0xffff  }
0x43b: {  	v57 =	vld [tilespmem:s1+$0x1C170];
	v47 =	vadd.f32 v48, v63  }
0x43c: {  	v46 =	vld.idx.msk [tilespmem:v62+s13+$0x0], $0xffff  }
0x43d: {  	v60 =	vld [tilespmem:s3+$0x1C160];
	[tilespmem:s3+$0x1E150] =	vst v47  }
0x43e: {  	v62 =	vld.idx.msk [tilespmem:v59+s12+$0x0], $0xffff  }
0x43f: {  	v50 =	vld.idx.msk [tilespmem:v50+s13+$0x0], $0xffff;
	v44 =	vmul.f32 v58, v44;
	v63 =	vor.u32 v23, v34  }
0x440: {  	v61 =	vmul.f32 v57, v56;
	v56 =	vld.idx.msk [tilespmem:v59+s13+$0x0], $0xffff  }
0x441: {  	v42 =	vadd.f32 v42, v41;
	v41 =	vld [tilespmem:s1+$0x1C1E0];
	v57 =	vadd.f32 v44, v46  }
0x442: {  	v54 =	vld [tilespmem:s3+$0x1C170]  }
0x443: {  	v55 =	vld [tilespmem:s1+$0x1C1C0];
	v59 =	vor.u32 v23, v39;
	[tilespmem:s0+$0x1E160] =	vst v57;
	v58 =	vmul.f32 v60, v62  }
0x444: {  	[tilespmem:s31+$0x1E190] =	vst v42;
	v50 =	vadd.f32 v61, v50;
	v42 =	vld.idx.msk [tilespmem:v63+s12+$0x0], $0xffff  }
0x445: {  	v60 =	vld [tilespmem:s0+$0x1C170];
	v44 =	vadd.f32 v58, v56  }
0x446: {  	v48 =	vor.u32 v26, v32;
	[tilespmem:s1+$0x1E170] =	vst v50;
	v50 =	vld [tilespmem:s1+$0x1C180]  }
0x447: {  	v47 =	vor.u32 v24, v33;
	v45 =	vld.idx.msk [tilespmem:v63+s13+$0x0], $0xffff;
	[tilespmem:s3+$0x1E160] =	vst v44  }
0x448: {  	v61 =	vld.idx.msk [tilespmem:v59+s12+$0x0], $0xffff  }
0x449: {  	v57 =	vld [tilespmem:s1+$0x1C190]  }
0x44a: {  	v63 =	vor.u32 v24, v34;
	v62 =	vmul.f32 v60, v42;
	v49 =	vld.idx.msk [tilespmem:v59+s13+$0x0], $0xffff  }
0x44b: {  	v52 =	vld.idx.msk [tilespmem:v48+s12+$0x0], $0xffff  }
0x44c: {  	v46 =	vld.idx.msk [tilespmem:v47+s12+$0x0], $0xffff;
	v45 =	vadd.f32 v62, v45  }
0x44d: {  	v47 =	vld.idx.msk [tilespmem:v47+s13+$0x0], $0xffff;
	v53 =	vmul.f32 v54, v61;
	v54 =	vor.u32 v24, v39  }
0x44e: {  	v60 =	vld [tilespmem:s0+$0x1C180];
	[tilespmem:s0+$0x1E170] =	vst v45  }
0x44f: {  	v59 =	vld.idx.msk [tilespmem:v63+s12+$0x0], $0xffff;
	v49 =	vadd.f32 v53, v49  }
0x450: {  	v62 =	vld [tilespmem:s3+$0x1C180]  }
0x451: {  	v58 =	vmul.f32 v50, v46;
	v46 =	vor.u32 v25, v33;
	v61 =	vld.idx.msk [tilespmem:v63+s13+$0x0], $0xffff;
	[tilespmem:s3+$0x1E170] =	vst v49  }
0x452: {  	v49 =	vld.idx.msk [tilespmem:v54+s12+$0x0], $0xffff  }
0x453: {  	v48 =	vld.idx.msk [tilespmem:v48+s13+$0x0], $0xffff;
	v45 =	vadd.f32 v58, v47  }
0x454: {  	v50 =	vmul.f32 v60, v59;
	v60 =	vor.u32 v25, v34;
	v54 =	vld.idx.msk [tilespmem:v54+s13+$0x0], $0xffff  }
0x455: {  	v56 =	vld [tilespmem:s1+$0x1C1B0];
	[tilespmem:s1+$0x1E180] =	vst v45  }
0x456: {  	v63 =	vld.idx.msk [tilespmem:v46+s12+$0x0], $0xffff;
	v47 =	vadd.f32 v50, v61  }
0x457: {  	v46 =	vld.idx.msk [tilespmem:v46+s13+$0x0], $0xffff;
	v45 =	vmul.f32 v62, v49;
	v49 =	vor.u32 v25, v39  }
0x458: {  	v61 =	vld [tilespmem:s0+$0x1C190];
	[tilespmem:s0+$0x1E180] =	vst v47  }
0x459: {  	v47 =	vld.idx.msk [tilespmem:v60+s12+$0x0], $0xffff;
	v45 =	vadd.f32 v45, v54  }
0x45a: {  	v59 =	vld [tilespmem:s3+$0x1C190]  }
0x45b: {  	v53 =	vld.idx.msk [tilespmem:v60+s13+$0x0], $0xffff;
	[tilespmem:s3+$0x1E180] =	vst v45  }
0x45c: {  	v51 =	vor.u32 v26, v33;
	v62 =	vmul.f32 v57, v63;
	v63 =	vld.idx.msk [tilespmem:v49+s12+$0x0], $0xffff  }
0x45d: {  	v40 =	vmul.f32 v40, v52;
	v52 =	vld [tilespmem:s3+$0x1C1B0]  }
0x45e: {  	v60 =	vor.u32 v26, v34;
	v45 =	vadd.f32 v62, v46;
	v47 =	vmul.f32 v61, v47;
	v49 =	vld.idx.msk [tilespmem:v49+s13+$0x0], $0xffff  }
0x45f: {  	v46 =	vld [tilespmem:s1+$0x1C1A0]  }
0x460: {  	v61 =	vld [tilespmem:s0+$0x1C1A0];
	[tilespmem:s1+$0x1E190] =	vst v45;
	v47 =	vadd.f32 v47, v53  }
0x461: {  	v62 =	vor.u32 v26, v39;
	v45 =	vld.idx.msk [tilespmem:v51+s12+$0x0], $0xffff;
	v57 =	vmul.f32 v59, v63  }
0x462: {  	v51 =	vld.idx.msk [tilespmem:v51+s13+$0x0], $0xffff;
	[tilespmem:s0+$0x1E190] =	vst v47;
	v47 =	vor.u32 v27, v32  }
0x463: {  	v63 =	vld.idx.msk [tilespmem:v60+s12+$0x0], $0xffff;
	v49 =	vadd.f32 v57, v49  }
0x464: {  	v40 =	vadd.f32 v40, v48;
	v54 =	vld [tilespmem:s3+$0x1C1A0]  }
0x465: {  	v57 =	vld.idx.msk [tilespmem:v60+s13+$0x0], $0xffff;
	[tilespmem:s3+$0x1E190] =	vst v49  }
0x466: {  	[tilespmem:s31+$0x1E1A0] =	vst v40;
	v40 =	vor.u32 v27, v33;
	v45 =	vmul.f32 v46, v45;
	v46 =	vld.idx.msk [tilespmem:v62+s12+$0x0], $0xffff  }
0x467: {  	v49 =	vld.idx.msk [tilespmem:v47+s12+$0x0], $0xffff  }
0x468: {  	v45 =	vadd.f32 v45, v51;
	v60 =	vmul.f32 v61, v63;
	v61 =	vor.u32 v27, v34;
	v62 =	vld.idx.msk [tilespmem:v62+s13+$0x0], $0xffff  }
0x469: {  	v47 =	vld.idx.msk [tilespmem:v47+s13+$0x0], $0xffff  }
0x46a: {  	v50 =	vld [tilespmem:s0+$0x1C1B0];
	[tilespmem:s1+$0x1E1A0] =	vst v45;
	v63 =	vadd.f32 v60, v57  }
0x46b: {  	v59 =	vor.u32 v27, v39;
	v57 =	vld.idx.msk [tilespmem:v40+s12+$0x0], $0xffff;
	v46 =	vmul.f32 v54, v46  }
0x46c: {  	v45 =	vor.u32 v28, v32;
	v40 =	vld.idx.msk [tilespmem:v40+s13+$0x0], $0xffff;
	v38 =	vmul.f32 v38, v49;
	[tilespmem:s0+$0x1E1A0] =	vst v63  }
0x46d: {  	v60 =	vld.idx.msk [tilespmem:v61+s12+$0x0], $0xffff;
	v46 =	vadd.f32 v46, v62  }
0x46e: {  	v44 =	vld [tilespmem:s0+$0x1C1D0];
	v38 =	vadd.f32 v38, v47  }
0x46f: {  	v61 =	vld.idx.msk [tilespmem:v61+s13+$0x0], $0xffff;
	[tilespmem:s3+$0x1E1A0] =	vst v46  }
0x470: {  	v62 =	vmul.f32 v56, v57;
	[tilespmem:s31+$0x1E1B0] =	vst v38;
	v38 =	vor.u32 v28, v33;
	v63 =	vld.idx.msk [tilespmem:v59+s12+$0x0], $0xffff  }
0x471: {  	v53 =	vld.idx.msk [tilespmem:v45+s12+$0x0], $0xffff  }
0x472: {  	v57 =	vor.u32 v28, v34;
	v40 =	vadd.f32 v62, v40;
	v56 =	vmul.f32 v50, v60;
	v59 =	vld.idx.msk [tilespmem:v59+s13+$0x0], $0xffff  }
0x473: {  	v58 =	vld [tilespmem:s0+$0x1C1C0]  }
0x474: {  	v45 =	vld.idx.msk [tilespmem:v45+s13+$0x0], $0xffff;
	[tilespmem:s1+$0x1E1B0] =	vst v40;
	v60 =	vadd.f32 v56, v61  }
0x475: {  	v61 =	vld.idx.msk [tilespmem:v38+s12+$0x0], $0xffff;
	v62 =	vmul.f32 v52, v63;
	v63 =	vor.u32 v28, v39  }
0x476: {  	v38 =	vld.idx.msk [tilespmem:v38+s13+$0x0], $0xffff;
	[tilespmem:s0+$0x1E1B0] =	vst v60  }
0x477: {  	v37 =	vmul.f32 v37, v53;
	v40 =	vld.idx.msk [tilespmem:v57+s12+$0x0], $0xffff;
	v47 =	vadd.f32 v62, v59  }
0x478: {  	v54 =	vor.u32 v29, v32;
	v56 =	vld.idx.msk [tilespmem:v57+s13+$0x0], $0xffff  }
0x479: {  	v57 =	vld [tilespmem:s3+$0x1C1C0];
	v37 =	vadd.f32 v37, v45;
	[tilespmem:s3+$0x1E1B0] =	vst v47  }
0x47a: {  	v59 =	vor.u32 v29, v33;
	v46 =	vmul.f32 v55, v61;
	v47 =	vld.idx.msk [tilespmem:v63+s12+$0x0], $0xffff  }
0x47b: {  	v42 =	vld [tilespmem:s0+$0x1C1E0];
	[tilespmem:s31+$0x1E1C0] =	vst v37  }
0x47c: {  	v61 =	vor.u32 v29, v34;
	v38 =	vadd.f32 v46, v38;
	v40 =	vmul.f32 v58, v40;
	v48 =	vld.idx.msk [tilespmem:v63+s13+$0x0], $0xffff  }
0x47d: {  	v60 =	vld.idx.msk [tilespmem:v54+s12+$0x0], $0xffff  }
0x47e: {  	v51 =	vld.idx.msk [tilespmem:v54+s13+$0x0], $0xffff;
	[tilespmem:s1+$0x1E1C0] =	vst v38;
	v62 =	vadd.f32 v40, v56  }
0x47f: {  	v52 =	vor.u32 v29, v39;
	v63 =	vld.idx.msk [tilespmem:v59+s12+$0x0], $0xffff;
	v47 =	vmul.f32 v57, v47  }
0x480: {  	v37 =	vld.idx.msk [tilespmem:v59+s13+$0x0], $0xffff;
	[tilespmem:s0+$0x1E1C0] =	vst v62  }
0x481: {  	v38 =	vld.idx.msk [tilespmem:v61+s12+$0x0], $0xffff;
	v47 =	vadd.f32 v47, v48  }
0x482: {  	v53 =	vor.u32 v30, v32;
	v54 =	vld [tilespmem:s3+$0x1C1D0];
	v36 =	vmul.f32 v36, v60  }
0x483: {  	v46 =	vld.idx.msk [tilespmem:v61+s13+$0x0], $0xffff;
	[tilespmem:s3+$0x1E1C0] =	vst v47  }
0x484: {  	v55 =	vor.u32 v30, v33;
	v36 =	vadd.f32 v36, v51;
	v40 =	vmul.f32 v43, v63;
	v56 =	vld.idx.msk [tilespmem:v52+s12+$0x0], $0xffff  }
0x485: {  	v50 =	vld [tilespmem:s3+$0x1C1E0];
	v58 =	vor.u32 v30, v34  }
0x486: {  	[tilespmem:s31+$0x1E1D0] =	vst v36;
	v37 =	vadd.f32 v40, v37;
	v38 =	vmul.f32 v44, v38;
	v59 =	vld.idx.msk [tilespmem:v52+s13+$0x0], $0xffff  }
0x487: {  	v57 =	vld.idx.msk [tilespmem:v53+s12+$0x0], $0xffff  }
0x488: {  	v60 =	vld.idx.msk [tilespmem:v53+s13+$0x0], $0xffff;
	[tilespmem:s1+$0x1E1D0] =	vst v37;
	v61 =	vadd.f32 v38, v46  }
0x489: {  	v63 =	vor.u32 v30, v39;
	v62 =	vld.idx.msk [tilespmem:v55+s12+$0x0], $0xffff;
	v43 =	vmul.f32 v54, v56  }
0x48a: {  	v36 =	vld.idx.msk [tilespmem:v55+s13+$0x0], $0xffff;
	[tilespmem:s0+$0x1E1D0] =	vst v61  }
0x48b: {  	v37 =	vld.idx.msk [tilespmem:v58+s12+$0x0], $0xffff;
	v43 =	vadd.f32 v43, v59  }
0x48c: {  	v40 =	vld.idx.msk [tilespmem:v58+s13+$0x0], $0xffff  }
0x48d: {  	v56 =	vld [tilespmem:s31+$0x1C1F0];
	[tilespmem:s3+$0x1E1D0] =	vst v43  }
0x48e: {  	v49 =	vor.u32 v31, v32;
	v35 =	vmul.f32 v35, v57;
	v53 =	vld.idx.msk [tilespmem:v63+s12+$0x0], $0xffff  }
0x48f: {  	v58 =	vld [tilespmem:s1+$0x1C1F0]  }
0x490: {  	v51 =	vor.u32 v31, v33;
	v35 =	vadd.f32 v35, v60;
	v52 =	vmul.f32 v41, v62;
	v55 =	vld.idx.msk [tilespmem:v63+s13+$0x0], $0xffff  }
0x491: {  	v60 =	vld [tilespmem:s3+$0x1C1F0]  }
0x492: {  	v57 =	vor.u32 v31, v34;
	v59 =	vld [tilespmem:s0+$0x1C1F0];
	[tilespmem:s31+$0x1E1E0] =	vst v35;
	v35 =	vadd.f32 v52, v36;
	v37 =	vmul.f32 v42, v37  }
0x493: {  	v39 =	vor.u32 v31, v39;
	v54 =	vld.idx.msk [tilespmem:v49+s12+$0x0], $0xffff;
	v38 =	vmul.f32 v50, v53  }
0x494: {  	v32 =	vld.idx.msk [tilespmem:v49+s13+$0x0], $0xffff;
	[tilespmem:s1+$0x1E1E0] =	vst v35;
	v37 =	vadd.f32 v37, v40  }
0x495: {  	v35 =	vld.idx.msk [tilespmem:v51+s12+$0x0], $0xffff;
	v36 =	vadd.f32 v38, v55  }
0x496: {  	v33 =	vld.idx.msk [tilespmem:v51+s13+$0x0], $0xffff;
	[tilespmem:s0+$0x1E1E0] =	vst v37  }
0x497: {  	v37 =	vld.idx.msk [tilespmem:v57+s12+$0x0], $0xffff;
	[tilespmem:s3+$0x1E1E0] =	vst v36  }
0x498: {  	v36 =	vld.idx.msk [tilespmem:v39+s12+$0x0], $0xffff  }
0x499: {  	v34 =	vld.idx.msk [tilespmem:v57+s13+$0x0], $0xffff  }
0x49a: {  	v41 =	vmul.f32 v56, v54;
	v39 =	vld.idx.msk [tilespmem:v39+s13+$0x0], $0xffff  }
0x49b: {  	v35 =	vmul.f32 v58, v35  }
0x49c: {  	v32 =	vadd.f32 v41, v32;
	v37 =	vmul.f32 v59, v37  }
0x49d: {  	v33 =	vadd.f32 v35, v33;
	v61 =	vmul.f32 v60, v36  }
.Ltmp4:
0x49e: {  	[tilespmem:s31+$0x1E1F0] =	vst v32;
	v62 =	vadd.f32 v37, v34;
	(pc) =	sbr.rel @p1 .LBB2_8-.Ltmp4, $4  }
0x49f: {  	[tilespmem:s1+$0x1E1F0] =	vst v33;
	v63 =	vadd.f32 v61, v39  }
0x4a0: {  	[tilespmem:s0+$0x1E1F0] =	vst v62  }
0x4a1: {  	s31 =	sadd.s32 s15, s8;
	[tilespmem:s3+$0x1E1F0] =	vst v63  }
0x4a2: {  	[hbm4b:s31+s2] =	stream.linear.scatter [tilespmem:s22], [sflag:$0x6], $0x1000, $0x38;
	[tilespmem:$0x1F000] =	vst v63  }
.Ltmp5:
0x4a3: {  	(pc) =	sbr.rel .LBB2_2-.Ltmp5, $4  }
0x4a4: {  	_ = 	snop  }
0x4a5: {  	s0 =	sadd.s32 s30, s10  }
0x4a6: {  	s29 =	sadd.s32 $0x1, s29;
	s28 =	sadd.s32 $0x100, s28;
	s26 =	sadd.s32 $0x100, s26  }
0x4a7: {  	[tilespmem:s16], [sflag:$0x4] =	stream.linear.gather [hbm4b:s0+s2], $0x1000, $0x38;
	[tilespmem:$0x1F000] =	vst v63  }
.LBB2_9:
0x4a8: {  	_ =	sfence.sel $0x180000  }
0x4a9: {  	[bflag:$0x0] =	sbarrier.arrive $0xFFFF  }
0x4aa: {  	_ =	strace $0x9000004A  }
0x4ab: {  	s0 =	stileid.u32;
	[bflag:$0x2] =	sbarrier.arrive $0xFFFF  }
0x4ac: {  	p0 =	sne.s32 s0, $0x0;
	s0 =	rddreg [dreg:$0x2]  }
0x4ad: {  	s0 =	sadd.s32 @!p0 $0x100000, s0  }
0x4ae: {  	[sflag:s0] =	ssyncadd.tile.s32 @!p0 $0x1;
	_ =	shalt  }
.Lfunc_end2:
_tile_overlayer_lowered:
.L_overlay_start_2:
0x4af: {  	(tag) =	ssettag $0x2  }
0x4b0: {  	s0 =	rddreg [dreg:$0x0];
	s2 =	stileid.u32  }
0x4b1: {  	s1 =	rddreg [dreg:$0x1];
	p0 =	sne.s32 s2, $0x0  }
0x4b2: {  	s3 =	rddreg [dreg:$0x2];
	[bflag:$0x3] =	sbarrier.arrive $0xFFFF;
	s2 =	simm.s32 @!p0 $0x1C07  }
0x4b3: {  	[timem:s3], [sflag:s2] =	dma.local @!p0 [hbm:s0], s1  }
0x4b4: {  	s0 =	simm.s32 @!p0 $0x7  }
0x4b5: {  	_ =	swait.ge @!p0 [sflag:s0], s1  }
0x4b6: {  	s1 =	ssub.s32 @!p0 $0x0, s1;
	[sflag:s0] =	ssyncset.done @!p0 $0x0  }
0x4b7: {  	[sflag:s0] =	ssyncadd.s32 @!p0 s1  }
0x4b8: {  	[bflag:$0x3] =	sbarrier.arrive $0xFFFF  }
0x4b9: {  	_ =	shalt  }

// kernel: sparse-core-data-format-call.cloned.1.call-start
scs
called_computation_lowered:
.L_overlay_start_0:
0x0: {  	s2 =	sld [smem:$0x3FD9]  }
0x1: {  	s3 =	sld [smem:$0x3FFE];
	_ =	sdelay $0x1  }
0x2: {  	s1 =	srdreg.scid  }
0x3: {  	s0 =	sand.u32 $0x1, s1  }
0x4: {  	s19 =	sshll.u32 s0, $0xA;
	s2 =	sadd.s32 s3, s2  }
0x5: {  	s2 =	sadd.s32 s2, s19  }
0x6: {  	[smem:$0x3FC1] =	sst s2  }
0x7: {  	_ = 	snop  }
0x8: {  	s2 =	sld [smem:$0x3FC9]  }
0x9: {  	s20 =	sld [smem:$0x3FD0];
	(tm) =	ssettm $0x1  }
0xa: {  	s4 =	sld [smem:$0x3FFB];
	_ =	sdelay $0x3  }
0xb: {  	_ =	strace s4  }
0xc: {  	s4 =	sld [smem:$0x3FFC];
	_ =	sdelay $0x3  }
0xd: {  	_ =	strace s4  }
0xe: {  	s4 =	sld [smem:$0x3FFD];
	_ =	sdelay $0x3  }
0xf: {  	_ =	strace s4  }
0x10: {  	_ =	strace $0x8FFFFFFF  }
0x11: {  	s21 =	sld [smem:$0x3FDB];
	_ =	sdelay $0x1  }
0x12: {  	s5 =	simm.s32 $_scs_section_size  }
0x13: {  	s6 =	simm.s32 $_size__tile_overlayer_lowered;
	s7 =	simm.s32 $_tile_overlayer_lowered  }
0x14: {  	s24 =	simm.s32 $0x1BFF;
	s23 =	sshll.u32 s7, $0x1;
	s4 =	sadd.s32 s5, s21  }
0x15: {  	s8 =	simm.s32 $0x0;
	s22 =	sshll.u32 s6, $0x1;
	s6 =	sadd.s32 s23, s4  }
0x16: {  	[timem:s8], [sflag:s24] =	dma.local [hbm:s6], s22  }
0x17: {  	_ =	swait.ge [sflag:s24], s22  }
0x18: {  	s5 =	ssub.s32 $0x0, s22;
	[sflag:s24] =	ssyncset.done $0x0  }
0x19: {  	[sflag:s24] =	ssyncadd.s32 s5;
	_ =	sdelay $0x1  }
0x1a: {  	s25 =	simm.s32 $0x1B8B  }
0x1b: {  	_ =	swait.ge [sflag:s25], $0x1  }
0x1c: {  	[sflag:s25] =	ssyncset.done $0x0  }
0x1d: {  	s26 =	simm.s32 $0x1B8E;
	[sflag:s25] =	ssyncadd.s32 $0xFFFFFFFF  }
0x1e: {  	s27 =	simm.s32 $execute0_lowered;
	[smem:$0x3FD2] =	sst s26  }
0x1f: {  	s5 =	sshll.u32 s27, $0x1;
	_ =	strace $0x80000046;
	[dreg:$0x1] =	wrdreg $0xFFFFFFFF  }
0x20: {  	s28 =	simm.s32 $_size_execute0_lowered;
	s4 =	sadd.s32 s4, s5;
	[dreg:$0x0] =	wrdreg $0x0  }
0x21: {  	s5 =	sshll.u32 s28, $0x1;
	[dreg:$0x2] =	wrdreg s4  }
0x22: {  	[dreg:$0x3] =	wrdreg s5  }
0x23: {  	[dreg:$0x4] =	wrdreg $0xC0  }
0x24: {  	_ =	task [dreg:s8], $0x5FFFF  }
0x25: {  	[dreg:$0x1] =	wrdreg $0xFFFFFFFF  }
0x26: {  	[dreg:$0x0] =	wrdreg $0x60  }
0x27: {  	[dreg:$0x2] =	wrdreg s2  }
0x28: {  	[dreg:$0x3] =	wrdreg s20  }
0x29: {  	[dreg:$0x4] =	wrdreg $0x9  }
0x2a: {  	_ =	task.clear_ibuf [dreg:s8], $0x5FFFF;
	_ =	strace $0x90000046  }
0x2b: {  	s29 =	simm.s32 $0x9;
	_ =	strace $0x80000048  }
0x2c: {  	_ =	swait.ge [sflag:s29], $0x1  }
0x2d: {  	[sflag:s29] =	ssyncadd.s32 $0xFFFFFFFF  }
0x2e: {  	_ =	strace $0x90000048  }
0x2f: {  	_ =	sfence  }
0x30: {  	s30 =	sld [smem:$0x0];
	_ =	sdelay $0x2  }
0x31: {  	s31 =	sshll.u32 s1, $0xD;
	s1 =	sshrl.u32 s1, $0x2  }
0x32: {  	s3 =	sand.u32 $0x4000, s31;
	s1 =	sadd.s32 s1, s30  }
0x33: {  	s0 =	sor.u32 s3, s0;
	s1 =	sshll.u32 s1, $0x11  }
0x34: {  	s0 =	sor.u32 s1, s0  }
0x35: {  	s0 =	sadd.s32 $0x8F2B, s0  }
0x36: {  	[sflag:s0] =	ssyncadd.remote.s32 $0x1  }
0x37: {  	_ =	sfence.sel $0xFFFF  }
0x38: {  	[dreg:$0x0] =	wrdreg $0xFFFFFFFF;
	(pc) =	sbr.abs _section_cstart, $3  }
0x39: {  	[dreg:$0x1] =	wrdreg $0xFFFFFFFF  }
0x3a: {  	_ =	task.clear_ibuf [dreg:s8], $0x2FFFF;
	_ =	strace $0x9FFFFFFF  }
0x3b: {  	(tm) =	ssettm $0x7FFFFFFF  }
tec
execute0_lowered:
.L_overlay_start_1:
0x0: {  	(tag) =	ssettag $0x1  }
0x1: {  	s0 =	srdreg.scid  }
0x2: {  	s1 =	sshll.u32 s0, $0x4  }
0x3: {  	s2 =	rddreg [dreg:$0x0];
	s0 =	stileid.u32;
	s1 =	sand.u32 $0x10, s1  }
0x4: {  	s4 =	rddreg [dreg:$0x1];
	s1 =	sor.u32 s0, s1  }
0x5: {  	s7 =	simm.s32 $0x1;
	s8 =	simm.s32 $0x2;
	s3 =	sshll.u32 s1, $0x2  }
0x6: {  	s9 =	simm.s32 $0x0;
	s12 =	simm.s32 $0x0;
	s6 =	ssub.s32 $0x800, s3  }
.Ltmp0:
0x7: {  	s11 =	simm.s32 $0x0;
	s5 =	sand.u32 $0x7C, s6;
	(pc) =	sbr.rel .LBB1_1-.Ltmp0, $4  }
0x8: {  	s1 =	rddreg [dreg:$0x2];
	_ =	strace $0x80000047;
	p0 =	sne.s32 s5, $0x0  }
0x9: {  	s6 =	sshrl.u32 s6, $0x7;
	s5 =	simm.s32 $0x1;
	s7 =	simm.s32 @!p0 $0x0  }
0xa: {  	s10 =	smov.u32 s3;
	[sflag:s5] =	ssyncpa.u1 $0x0;
	s6 =	sadd.s32 s7, s6  }
0xb: {  	[sflag:s8] =	ssyncpa.u1 $0x0;
	s8 =	simm.s32 $0x0;
	s7 =	sadd.s32 $0x1, s6  }
.LBB1_9:
0xc: {  	s14 =	sadd.s32 $0x80, s10  }
0xd: {  	p1 =	sgt.s32 s14, $0x7FF  }
0xe: {  	s14 =	smov.u32 @p1 s3;
	p1 =	sne.s32 s11, s7  }
.Ltmp1:
0xf: {  	p0 =	slt.u32 s11, $0x2;
	(pc) =	sbr.rel @!p1 .LBB1_10-.Ltmp1, $4  }
0x10: {  	s13 =	simm.s32 @!p0 $0x2  }
0x11: {  	s15 =	sadd.s32 $0x1, s11;
	_ =	swait.ge @!p0 [sflag:s13], $0x4000  }
0x12: {  	s12 =	smov.u32 s10;
	s9 =	sadd.s32 $0x4000, s9;
	[sflag:s13] =	ssyncset.done @!p0 $0x0  }
0x13: {  	s11 =	smov.u32 s15;
	s10 =	smov.u32 s14;
	[sflag:s13] =	ssyncadd.s32 @!p0 $0xFFFFC000  }
.LBB1_1:
0x14: {  	p0 =	sge.u32 s11, s6  }
0x15: {  	s13 =	sxor.u32 @!p0 $0xFFFFFFFF, s11  }
0x16: {  	s31 =	sadd.s32 $0xFFFFFFFF, s11;
	s14 =	sshll.u32 @!p0 s10, $0x9;
	s13 =	sshll.u32 @!p0 s13, $0xE  }
0x17: {  	s15 =	simm.s32 @!p0 $0x0;
	s14 =	sadd.s32 @!p0 s2, s14;
	s13 =	sand.u32 @!p0 $0x4000, s13  }
0x18: {  	[tilespmem:s13], [sflag:$0x1] =	stream.linear.gather @!p0 [hbm4b:s14+s15], $0x4000, $0x38;
	[tilespmem:$0x10000] =	vst v63  }
0x19: {  	p0 =	sge.u32 s31, s6  }
.Ltmp2:
0x1a: {  	_ = 	snop;
	(pc) =	sbr.rel @p0 .LBB1_9-.Ltmp2, $1  }
0x1b: {  	_ =	sdelay $0x3  }
0x1c: {  	s14 =	sand.u32 $0x4000, s9  }
0x1d: {  	_ =	swait.ge [sflag:s5], $0x4000;
	s15 =	sshll.u32 s11, $0xE;
	s16 =	simm.s32 $0x0  }
0x1e: {  	s13 =	sor.u32 $0x40, s14;
	[sflag:s5] =	ssyncset.done $0x0;
	s15 =	sand.u32 $0x4000, s15  }
0x1f: {  	s14 =	sor.u32 $0x8040, s14;
	[sflag:s5] =	ssyncadd.s32 $0xFFFFC000;
	s15 =	sor.u32 $0x8000, s15  }
.LBB1_3:
0x20: {  	s17 =	smov.u32 s14;
	s18 =	smov.u32 s13;
	s19 =	simm.s32 $0x0  }
.LBB1_4:
0x21: {  	v0 =	vmov s17;
	v2 =	vld [tilespmem:s18+$0x30]  }
0x22: {  	v4 =	vld [tilespmem:s18+$0xFFFFFFD0]  }
0x23: {  	v6 =	vld [tilespmem:s18+$0xFFFFFFE0]  }
0x24: {  	v7 =	vld [tilespmem:s18+$0xFFFFFFF0]  }
0x25: {  	s20 =	simm.s32 $0x0;
	v1 =	vld [tilespmem:s18+$0x0]  }
0x26: {  	v3 =	vld [tilespmem:s18+$0x10];
	[tilespmem:v0+s20+$0x30 ss:$0x1] =	vst.idx.msk $0xffff, v2  }
0x27: {  	v5 =	vld [tilespmem:s18+$0x20];
	[tilespmem:v0+s20+$0xFFFFFFD0 ss:$0x1] =	vst.idx.msk $0xffff, v4  }
0x28: {  	s21 =	sadd.s32 $0x80, s18;
	v2 =	vld [tilespmem:s18+$0xFFFFFFC0];
	[tilespmem:v0+s20+$0xFFFFFFE0 ss:$0x1] =	vst.idx.msk $0xffff, v6  }
0x29: {  	s22 =	simm.s32 $0x800;
	s23 =	simm.s32 $0x1000;
	v4 =	vld [tilespmem:s21+$0x30];
	[tilespmem:v0+s20+$0xFFFFFFF0 ss:$0x1] =	vst.idx.msk $0xffff, v7  }
.LBB1_5:
0x2a: {  	p0 =	sne.s32 s23, $0x3800;
	v6 =	vld [tilespmem:s21+$0xFFFFFFD0];
	[tilespmem:v0+s20+$0x0 ss:$0x1] =	vst.idx.msk $0xffff, v1  }
0x2b: {  	v7 =	vld [tilespmem:s21+$0xFFFFFFE0];
	[tilespmem:v0+s20+$0x10 ss:$0x1] =	vst.idx.msk $0xffff, v3  }
0x2c: {  	v8 =	vld [tilespmem:s21+$0xFFFFFFF0];
	[tilespmem:v0+s20+$0x20 ss:$0x1] =	vst.idx.msk $0xffff, v5  }
.Ltmp3:
0x2d: {  	v1 =	vld [tilespmem:s21+$0x0];
	[tilespmem:v0+s20+$0xFFFFFFC0 ss:$0x1] =	vst.idx.msk $0xffff, v2;
	s20 =	sshra.s32 s22, $0x2;
	s22 =	smov.u32 s23;
	(pc) =	sbr.rel @p0 .LBB1_5-.Ltmp3, $4  }
0x2e: {  	v3 =	vld [tilespmem:s21+$0x10];
	[tilespmem:v0+s20+$0x30 ss:$0x1] =	vst.idx.msk $0xffff, v4  }
0x2f: {  	[tilespmem:v0+s20+$0xFFFFFFD0 ss:$0x1] =	vst.idx.msk $0xffff, v6;
	v5 =	vld [tilespmem:s21+$0x20]  }
0x30: {  	v2 =	vld [tilespmem:s21+$0xFFFFFFC0];
	[tilespmem:v0+s20+$0xFFFFFFE0 ss:$0x1] =	vst.idx.msk $0xffff, v7;
	s21 =	sadd.s32 $0x80, s21  }
0x31: {  	s23 =	sadd.s32 $0x800, s23;
	v4 =	vld [tilespmem:s21+$0x30];
	[tilespmem:v0+s20+$0xFFFFFFF0 ss:$0x1] =	vst.idx.msk $0xffff, v8  }
0x32: {  	_ =	sdelay $0x3  }
0x33: {  	v6 =	vld [tilespmem:s21+$0xFFFFFFD0];
	[tilespmem:v0+s20+$0x0 ss:$0x1] =	vst.idx.msk $0xffff, v1  }
0x34: {  	v58 =	vld [tilespmem:s21+$0xFFFFFFE0];
	[tilespmem:v0+s20+$0x10 ss:$0x1] =	vst.idx.msk $0xffff, v3  }
0x35: {  	v59 =	vld [tilespmem:s21+$0xFFFFFFF0];
	[tilespmem:v0+s20+$0x20 ss:$0x1] =	vst.idx.msk $0xffff, v5  }
0x36: {  	s22 =	sshra.s32 s22, $0x2;
	v60 =	vld [tilespmem:s21+$0x0];
	[tilespmem:v0+s20+$0xFFFFFFC0 ss:$0x1] =	vst.idx.msk $0xffff, v2  }
0x37: {  	v61 =	vld [tilespmem:s21+$0x10];
	[tilespmem:v0+s22+$0x30 ss:$0x1] =	vst.idx.msk $0xffff, v4  }
0x38: {  	v62 =	vld [tilespmem:s21+$0x20];
	s19 =	sadd.s32 $0x1, s19;
	[tilespmem:v0+s22+$0xFFFFFFD0 ss:$0x1] =	vst.idx.msk $0xffff, v6  }
0x39: {  	v63 =	vld [tilespmem:s21+$0xFFFFFFC0];
	p0 =	sne.s32 s19, $0x4;
	[tilespmem:v0+s22+$0xFFFFFFE0 ss:$0x1] =	vst.idx.msk $0xffff, v58  }
.Ltmp4:
0x3a: {  	[tilespmem:v0+s22+$0xFFFFFFF0 ss:$0x1] =	vst.idx.msk $0xffff, v59;
	(pc) =	sbr.rel @p0 .LBB1_4-.Ltmp4, $4  }
0x3b: {  	[tilespmem:v0+s22+$0x0 ss:$0x1] =	vst.idx.msk $0xffff, v60  }
0x3c: {  	[tilespmem:v0+s22+$0x10 ss:$0x1] =	vst.idx.msk $0xffff, v61  }
0x3d: {  	[tilespmem:v0+s22+$0x20 ss:$0x1] =	vst.idx.msk $0xffff, v62  }
0x3e: {  	s18 =	sadd.s32 $0x400, s18;
	s17 =	sadd.s32 $0x80, s17;
	[tilespmem:v0+s22+$0xFFFFFFC0 ss:$0x1] =	vst.idx.msk $0xffff, v63  }
0x3f: {  	s16 =	sadd.s32 $0x1, s16  }
0x40: {  	p0 =	sne.s32 s16, $0x4  }
.Ltmp5:
0x41: {  	_ = 	snop;
	(pc) =	sbr.rel @p0 .LBB1_3-.Ltmp5, $2  }
0x42: {  	_ =	sdelay $0x2  }
0x43: {  	s13 =	sadd.s32 $0x1000, s13;
	s14 =	sadd.s32 $0x1000, s14  }
.Ltmp6:
0x44: {  	(pc) =	sbr.rel .LBB1_9-.Ltmp6, $4  }
0x45: {  	_ = 	snop  }
0x46: {  	s12 =	sshll.u32 s12, $0x9  }
0x47: {  	s12 =	sadd.s32 s4, s12  }
0x48: {  	[hbm4b:s12+s8] =	stream.linear.scatter [tilespmem:s15], [sflag:$0x2], $0x4000, $0x38;
	[tilespmem:$0x10000] =	vst v63  }
.LBB1_10:
0x49: {  	_ =	sfence.sel $0x180000  }
0x4a: {  	s2 =	simm.s32 $0x1;
	[bflag:$0x0] =	sbarrier.arrive $0xFFFF  }
0x4b: {  	s31 =	simm.s32 $0x2;
	[sflag:s2] =	ssyncpa.u1 $0x1  }
0x4c: {  	[sflag:s31] =	ssyncpa.u1 $0x1  }
0x4d: {  	p0 =	sne.s32 s0, $0x0;
	_ =	strace $0x90000047  }
0x4e: {  	s0 =	sadd.s32 @!p0 $0x100000, s1;
	[bflag:$0x2] =	sbarrier.arrive $0xFFFF  }
0x4f: {  	[sflag:s0] =	ssyncadd.tile.s32 @!p0 $0x1;
	_ =	shalt  }
.Lfunc_end1:
_tile_overlayer_lowered:
.L_overlay_start_2:
0x50: {  	(tag) =	ssettag $0x2  }
0x51: {  	s0 =	rddreg [dreg:$0x0];
	s2 =	stileid.u32  }
0x52: {  	s1 =	rddreg [dreg:$0x1];
	p0 =	sne.s32 s2, $0x0  }
0x53: {  	s3 =	rddreg [dreg:$0x2];
	[bflag:$0x3] =	sbarrier.arrive $0xFFFF;
	s2 =	simm.s32 @!p0 $0x1C01  }
0x54: {  	[timem:s3], [sflag:s2] =	dma.local @!p0 [hbm:s0], s1  }
0x55: {  	s0 =	simm.s32 @!p0 $0x1  }
0x56: {  	_ =	swait.ge @!p0 [sflag:s0], s1  }
0x57: {  	s1 =	ssub.s32 @!p0 $0x0, s1;
	[sflag:s0] =	ssyncset.done @!p0 $0x0  }
0x58: {  	[sflag:s0] =	ssyncadd.s32 @!p0 s1  }
0x59: {  	[bflag:$0x3] =	sbarrier.arrive $0xFFFF  }
0x5a: {  	_ =	shalt  }

</sc_bundles>
